<compile_context>
chip_gen: v7x
topology: tpu7x:2x2x1
jax: 0.10.2.dev20260603
libtpu: 0.0.44.dev20260713+nightly
codegen_flags: <defaults>
</compile_context>

<pallas_src>
import dataclasses
import functools

import jax
import jax.numpy as jnp
from jax import lax
from jax.experimental import pallas as pl
from jax.experimental.pallas import tpu as pltpu
from jax.experimental.pallas import tpu_sc as plsc

N = 10000
E = 320000
D_IN = 128
D_OUT = 128
HALF = 64

NUM_SUB = 16
LANES = 16

EDGE_CHUNK = 80
EDGES_PER_SUB = E // NUM_SUB
CHUNKS = EDGES_PER_SUB // EDGE_CHUNK
ROWS_PER_SUB = 624
ROWS_TAIL = N - NUM_SUB * ROWS_PER_SUB
BIAS_TILE = 208


def _matmul_halves(H, W):
    n, d_in = H.shape
    d_out = W.shape[1]
    bn = 2000

    def mm_body(h_ref, w_ref, o0_ref, o1_ref):
        hw = jnp.dot(h_ref[...], w_ref[...], preferred_element_type=jnp.float32)
        o0_ref[...] = hw[:, :HALF]
        o1_ref[...] = hw[:, HALF:]

    return pl.pallas_call(
        mm_body,
        grid=(n // bn,),
        in_specs=[
            pl.BlockSpec((bn, d_in), lambda i: (i, 0)),
            pl.BlockSpec((d_in, d_out), lambda i: (0, 0)),
        ],
        out_specs=[
            pl.BlockSpec((bn, HALF), lambda i: (i, 0)),
            pl.BlockSpec((bn, HALF), lambda i: (i, 0)),
        ],
        out_shape=[jax.ShapeDtypeStruct((n, HALF), jnp.float32)] * 2,
    )(H, W)


def _spmm_sc(hw0, hw1, src, dst, vals, b):
    mesh = plsc.VectorSubcoreMesh(core_axis_name="c", subcore_axis_name="s")

    cp = pltpu.CompilerParams()
    if "needs_layout_passes" in pltpu.CompilerParams.__dataclass_fields__:
        cp = dataclasses.replace(cp, needs_layout_passes=False)
    if "use_tc_tiling_on_sc" in pltpu.CompilerParams.__dataclass_fields__:
        cp = dataclasses.replace(cp, use_tc_tiling_on_sc=False)

    @functools.partial(
        pl.kernel,
        out_type=jax.ShapeDtypeStruct((2, N, HALF), jnp.float32),
        mesh=mesh,
        compiler_params=cp,
        scratch_types=[
            pltpu.VMEM((CHUNKS, EDGE_CHUNK), jnp.int32),
            pltpu.VMEM((CHUNKS, EDGE_CHUNK), jnp.int32),
            pltpu.VMEM((EDGES_PER_SUB,), jnp.float32),
            pltpu.VMEM((EDGE_CHUNK, HALF), jnp.float32),
            pltpu.VMEM((EDGE_CHUNK, HALF), jnp.float32),
            pltpu.VMEM((BIAS_TILE, HALF), jnp.float32),
            pltpu.VMEM_SHARED((N, HALF), jnp.float32),
            pltpu.SemaphoreType.DMA,
            pltpu.SemaphoreType.DMA,
            pltpu.SemaphoreType.DMA,
            pltpu.SemaphoreType.DMA,
        ],
    )
    def sc_kernel(hw0_hbm, hw1_hbm, src_hbm, dst_hbm, val_hbm, b_hbm,
                  o_hbm2,
                  src_v, dst_v, val_v, rows0_v, rows1_v, btile_v,
                  acc_sh, sem0, sem1, sem2, sem3):
        core = lax.axis_index("c")
        sub = lax.axis_index("s")

        def run(hw_hbm, o_hbm, col0):
            row0 = sub * ROWS_PER_SUB

            src_cp = pltpu.async_copy(src_hbm.at[sub], src_v, sem1)
            dst_cp = pltpu.async_copy(dst_hbm.at[sub], dst_v, sem2)
            val_cp = pltpu.async_copy(val_hbm.at[sub], val_v, sem1)

            pltpu.sync_copy(b_hbm.at[pl.ds(col0, HALF)], btile_v.at[0])

            @pl.loop(1, BIAS_TILE)
            def _(r):
                for cb in range(HALF // LANES):
                    sl = pl.ds(cb * LANES, LANES)
                    btile_v[r, sl] = btile_v[0, sl]

            @pl.loop(0, ROWS_PER_SUB // BIAS_TILE)
            def _(t):
                pltpu.sync_copy(
                    btile_v, acc_sh.at[pl.ds(row0 + t * BIAS_TILE, BIAS_TILE)])

            @pl.when(sub == 0)
            def _():
                pltpu.sync_copy(
                    btile_v.at[pl.ds(0, ROWS_TAIL)],
                    acc_sh.at[pl.ds(NUM_SUB * ROWS_PER_SUB, ROWS_TAIL)])

            src_cp.wait()
            dst_cp.wait()
            val_cp.wait()
            plsc.subcore_barrier()

            def start_gather(t, rows_ref, sem):
                return pltpu.async_copy(hw_hbm.at[src_v.at[t]], rows_ref, sem)

            def scale(t, rows_ref):
                base = t * EDGE_CHUNK

                @plsc.parallel_loop(0, EDGE_CHUNK, unroll=8)
                def _(i):
                    sv = plsc.load_gather(
                        val_v, [jnp.full((LANES,), base + i, jnp.int32)])
                    for cb in range(HALF // LANES):
                        sl = pl.ds(cb * LANES, LANES)
                        rows_ref[i, sl] = rows_ref[i, sl] * sv

            def start_scatter(t, rows_ref, sem):
                return pltpu.async_copy(rows_ref, acc_sh.at[dst_v.at[t]], sem,
                                        add=True)

            def wait_gather(rows_ref, sem):
                pltpu.make_async_copy(
                    hw_hbm.at[pl.ds(0, EDGE_CHUNK)], rows_ref, sem).wait()

            start_gather(0, rows0_v, sem0)
            start_gather(1, rows1_v, sem1)

            @pl.loop(0, CHUNKS, step=2)
            def _(g):
                wait_gather(rows0_v, sem0)
                scale(g, rows0_v)
                sc0 = start_scatter(g, rows0_v, sem2)

                wait_gather(rows1_v, sem1)
                scale(g + 1, rows1_v)
                sc1 = start_scatter(g + 1, rows1_v, sem3)

                sc0.wait()
                start_gather(jnp.minimum(g + 2, CHUNKS - 1), rows0_v, sem0)
                sc1.wait()
                start_gather(jnp.minimum(g + 3, CHUNKS - 1), rows1_v, sem1)

            wait_gather(rows0_v, sem0)
            wait_gather(rows1_v, sem1)

            plsc.subcore_barrier()

            pltpu.sync_copy(acc_sh.at[pl.ds(row0, ROWS_PER_SUB)],
                            o_hbm.at[pl.ds(row0, ROWS_PER_SUB)])

            @pl.when(sub == 0)
            def _():
                pltpu.sync_copy(
                    acc_sh.at[pl.ds(NUM_SUB * ROWS_PER_SUB, ROWS_TAIL)],
                    o_hbm.at[pl.ds(NUM_SUB * ROWS_PER_SUB, ROWS_TAIL)])

        @pl.when(core == 0)
        def _():
            run(hw0_hbm, o_hbm2.at[0], 0)

        @pl.when(core == 1)
        def _():
            run(hw1_hbm, o_hbm2.at[1], HALF)

    return sc_kernel(hw0, hw1, src, dst, vals, b)


def kernel(A_indices, A_values, H, W, b):
    hw0, hw1 = _matmul_halves(H, W)
    src = A_indices[1].reshape(NUM_SUB, CHUNKS, EDGE_CHUNK)
    dst = A_indices[0].reshape(NUM_SUB, CHUNKS, EDGE_CHUNK)
    vals = A_values.reshape(NUM_SUB, EDGES_PER_SUB)
    o2 = _spmm_sc(hw0, hw1, src, dst, vals, b)
    return jnp.concatenate([o2[0], o2[1]], axis=1)

# --- scband reference (transcript-rebuilt; emitter-appended) ---
"""Pipeline reference for scband-graph-convolution-89094801588866 (READ-ONLY COPY).

The authoritative reference and input builder live on the scoring server;
editing this copy changes nothing except your own understanding.
"""

import jax, jax.numpy as jnp
import numpy as np
import math

N = 10000
E = 320000
D_IN = 128
D_OUT = 128


def setup_inputs(seed: int = 0) -> dict:
    key = jax.random.key(seed)
    k1, k2, k3, k4, k5 = jax.random.split(key, 5)
    H = jax.random.normal(k1, (N, D_IN), dtype=jnp.float32)
    # COO representation of the (normalized) sparse adjacency matrix A [N, N]
    A_indices = jax.random.randint(k2, (2, E), 0, N, dtype=jnp.int32)
    # normalized adjacency values ~ 1/avg_degree scale
    A_values = jax.random.uniform(k3, (E,), dtype=jnp.float32) * (1.0 / 32.0)
    # parameters initialized like reset_parameters: uniform(-std, std), std = 1/sqrt(out_dim)
    std = 1.0 / math.sqrt(D_OUT)
    W = jax.random.uniform(k4, (D_IN, D_OUT), minval=-std, maxval=std, dtype=jnp.float32)
    b = jax.random.uniform(k5, (D_OUT,), minval=-std, maxval=std, dtype=jnp.float32)
    return {"A_indices": A_indices, "A_values": A_values, "H": H, "W": W, "b": b}


def reference(A_indices, A_values, H, W, b):
    # H = H @ weight
    HW = H @ W  # [N, D_OUT]
    # H = spmm(A, HW): out[i] = sum_j A[i, j] * HW[j]
    dst = A_indices[0]
    src = A_indices[1]
    gathered = jnp.take(HW, src, axis=0) * A_values[:, None]  # [E, D_OUT]
    out = jax.ops.segment_sum(gathered, dst, num_segments=N)  # [N, D_OUT]
    # bias
    out = out + b
    return out

if __name__ == "__main__":
    import jax
    _d = setup_inputs()
    print(jax.jit(kernel)(*tuple(_d.values())))

</pallas_src>

<mosaic_0001>
#map = affine_map<(d0, d1) -> (0, 0)>
#map1 = affine_map<(d0, d1) -> (0, 0, 0)>
#map2 = affine_map<(d0, d1) -> (0)>
module attributes {stable_mosaic.version = 14 : i64} {
  func.func @sc_kernel(%arg0: i32, %arg1: i32, %arg2: memref<10000x64xf32, #tpu.memory_space<hbm>>, %arg3: memref<10000x64xf32, #tpu.memory_space<hbm>>, %arg4: memref<16x250x80xi32, #tpu.memory_space<hbm>>, %arg5: memref<16x250x80xi32, #tpu.memory_space<hbm>>, %arg6: memref<16x20000xf32, #tpu.memory_space<hbm>>, %arg7: memref<128xf32, #tpu.memory_space<hbm>>, %arg8: memref<2x10000x64xf32, #tpu.memory_space<hbm>>, %arg9: memref<250x80xi32, #tpu.memory_space<vmem>>, %arg10: memref<250x80xi32, #tpu.memory_space<vmem>>, %arg11: memref<20000xf32, #tpu.memory_space<vmem>>, %arg12: memref<80x64xf32, #tpu.memory_space<vmem>>, %arg13: memref<80x64xf32, #tpu.memory_space<vmem>>, %arg14: memref<208x64xf32, #tpu.memory_space<vmem>>, %arg15: memref<10000x64xf32, #tpu.memory_space<vmem_shared>>, %arg16: memref<!tpu.dma_semaphore, #tpu.memory_space<semaphore_mem>>, %arg17: memref<!tpu.dma_semaphore, #tpu.memory_space<semaphore_mem>>, %arg18: memref<!tpu.dma_semaphore, #tpu.memory_space<semaphore_mem>>, %arg19: memref<!tpu.dma_semaphore, #tpu.memory_space<semaphore_mem>>) attributes {dimension_semantics = [#tpu.dimension_semantics<core_parallel>, #tpu.dimension_semantics<subcore_parallel>], iteration_bounds = array<i64: 2, 16>, scalar_prefetch = 0 : i64, scratch_operands = 11 : i64, tpu.core_type = #tpu.core_type<sc_vector_subcore>, window_params = [{transform_indices = #map}, {transform_indices = #map}, {transform_indices = #map1}, {transform_indices = #map1}, {transform_indices = #map}, {transform_indices = #map2}, {transform_indices = #map1}]} {
    %eq3A = arith.constant 0 : i32
    %eq3A_0 = arith.cmpi eq, %arg0, %eq3A : i32
    %convert_element_type3A = arith.extui %eq3A_0 : i1 to i32
    %cond3A = arith.constant 0 : i32
    %cond3A_1 = arith.cmpi ne, %convert_element_type3A, %cond3A : i32
    scf.if %cond3A_1 {
      %mul3A = arith.constant 624 : i32
      %mul3A_7 = arith.muli %arg1, %mul3A : i32
      %dma_start3A = arith.constant 0 : i32
      %dma_start3A_8 = arith.constant 0 : i32
      %dma_start3A_9 = tpu.memref_slice %arg4[%arg1, %dma_start3A, %dma_start3A_8] : memref<16x250x80xi32, #tpu.memory_space<hbm>> -> memref<1x250x80xi32, #tpu.memory_space<hbm>>
      %dma_start3A_10 = tpu.memref_squeeze %dma_start3A_9 : memref<1x250x80xi32, #tpu.memory_space<hbm>> -> memref<250x80xi32, #tpu.memory_space<hbm>>
      %dma_start3A_11 = arith.constant 0 : i32
      %dma_start3A_12 = arith.constant 0 : i32
      %dma_start3A_13 = tpu.memref_slice %arg4[%arg1, %dma_start3A_11, %dma_start3A_12] : memref<16x250x80xi32, #tpu.memory_space<hbm>> -> memref<1x250x80xi32, #tpu.memory_space<hbm>>
      %dma_start3A_14 = tpu.memref_squeeze %dma_start3A_13 : memref<1x250x80xi32, #tpu.memory_space<hbm>> -> memref<250x80xi32, #tpu.memory_space<hbm>>
      tpu.enqueue_dma source(%dma_start3A_14 : memref<250x80xi32, #tpu.memory_space<hbm>>) target(%arg9 : memref<250x80xi32, #tpu.memory_space<vmem>>) target_semaphore(%arg17 : memref<!tpu.dma_semaphore, #tpu.memory_space<semaphore_mem>>)
      %dma_start3A_15 = arith.constant 0 : i32
      %dma_start3A_16 = arith.constant 0 : i32
      %dma_start3A_17 = tpu.memref_slice %arg5[%arg1, %dma_start3A_15, %dma_start3A_16] : memref<16x250x80xi32, #tpu.memory_space<hbm>> -> memref<1x250x80xi32, #tpu.memory_space<hbm>>
      %dma_start3A_18 = tpu.memref_squeeze %dma_start3A_17 : memref<1x250x80xi32, #tpu.memory_space<hbm>> -> memref<250x80xi32, #tpu.memory_space<hbm>>
      %dma_start3A_19 = arith.constant 0 : i32
      %dma_start3A_20 = arith.constant 0 : i32
      %dma_start3A_21 = tpu.memref_slice %arg5[%arg1, %dma_start3A_19, %dma_start3A_20] : memref<16x250x80xi32, #tpu.memory_space<hbm>> -> memref<1x250x80xi32, #tpu.memory_space<hbm>>
      %dma_start3A_22 = tpu.memref_squeeze %dma_start3A_21 : memref<1x250x80xi32, #tpu.memory_space<hbm>> -> memref<250x80xi32, #tpu.memory_space<hbm>>
      tpu.enqueue_dma source(%dma_start3A_22 : memref<250x80xi32, #tpu.memory_space<hbm>>) target(%arg10 : memref<250x80xi32, #tpu.memory_space<vmem>>) target_semaphore(%arg18 : memref<!tpu.dma_semaphore, #tpu.memory_space<semaphore_mem>>)
      %dma_start3A_23 = arith.constant 0 : i32
      %dma_start3A_24 = tpu.memref_slice %arg6[%arg1, %dma_start3A_23] : memref<16x20000xf32, #tpu.memory_space<hbm>> -> memref<1x20000xf32, #tpu.memory_space<hbm>>
      %dma_start3A_25 = tpu.memref_squeeze %dma_start3A_24 : memref<1x20000xf32, #tpu.memory_space<hbm>> -> memref<20000xf32, #tpu.memory_space<hbm>>
      %dma_start3A_26 = arith.constant 0 : i32
      %dma_start3A_27 = tpu.memref_slice %arg6[%arg1, %dma_start3A_26] : memref<16x20000xf32, #tpu.memory_space<hbm>> -> memref<1x20000xf32, #tpu.memory_space<hbm>>
      %dma_start3A_28 = tpu.memref_squeeze %dma_start3A_27 : memref<1x20000xf32, #tpu.memory_space<hbm>> -> memref<20000xf32, #tpu.memory_space<hbm>>
      tpu.enqueue_dma source(%dma_start3A_28 : memref<20000xf32, #tpu.memory_space<hbm>>) target(%arg11 : memref<20000xf32, #tpu.memory_space<vmem>>) target_semaphore(%arg17 : memref<!tpu.dma_semaphore, #tpu.memory_space<semaphore_mem>>)
      %run_scoped3A = arith.constant 0 : i32
      "tpu.region"() ({
        %run_scoped3A_103 = tpu.sem_alloc : memref<!tpu.dma_semaphore, #tpu.memory_space<semaphore_mem>>
        %dma_start3A_104 = arith.constant 0 : i32
        %dma_start3A_105 = tpu.memref_slice %arg14[%run_scoped3A, %dma_start3A_104] : memref<208x64xf32, #tpu.memory_space<vmem>> -> memref<1x64xf32, #tpu.memory_space<vmem>>
        %dma_start3A_106 = tpu.memref_squeeze %dma_start3A_105 : memref<1x64xf32, #tpu.memory_space<vmem>> -> memref<64xf32, #tpu.memory_space<vmem>>
        %dma_start3A_107 = arith.constant 0 : i32
        %dma_start3A_108 = tpu.memref_slice %arg7[%dma_start3A_107] : memref<128xf32, #tpu.memory_space<hbm>> -> memref<64xf32, #tpu.memory_space<hbm>>
        %dma_start3A_109 = arith.constant 0 : i32
        %dma_start3A_110 = tpu.memref_slice %arg14[%run_scoped3A, %dma_start3A_109] : memref<208x64xf32, #tpu.memory_space<vmem>> -> memref<1x64xf32, #tpu.memory_space<vmem>>
        %dma_start3A_111 = tpu.memref_squeeze %dma_start3A_110 : memref<1x64xf32, #tpu.memory_space<vmem>> -> memref<64xf32, #tpu.memory_space<vmem>>
        %dma_start3A_112 = arith.constant 0 : i32
        %dma_start3A_113 = tpu.memref_slice %arg7[%dma_start3A_112] : memref<128xf32, #tpu.memory_space<hbm>> -> memref<64xf32, #tpu.memory_space<hbm>>
        tpu.enqueue_dma source(%dma_start3A_113 : memref<64xf32, #tpu.memory_space<hbm>>) target(%dma_start3A_111 : memref<64xf32, #tpu.memory_space<vmem>>) target_semaphore(%run_scoped3A_103 : memref<!tpu.dma_semaphore, #tpu.memory_space<semaphore_mem>>)
        %dma_wait3A_114 = arith.constant 0 : i32
        %dma_wait3A_115 = tpu.memref_slice %arg14[%run_scoped3A, %dma_wait3A_114] : memref<208x64xf32, #tpu.memory_space<vmem>> -> memref<1x64xf32, #tpu.memory_space<vmem>>
        %dma_wait3A_116 = tpu.memref_squeeze %dma_wait3A_115 : memref<1x64xf32, #tpu.memory_space<vmem>> -> memref<64xf32, #tpu.memory_space<vmem>>
        %dma_wait3A_117 = arith.constant 0 : i32
        %dma_wait3A_118 = tpu.memref_slice %arg7[%dma_wait3A_117] : memref<128xf32, #tpu.memory_space<hbm>> -> memref<64xf32, #tpu.memory_space<hbm>>
        %dma_wait3A_119 = arith.constant 0 : i32
        %dma_wait3A_120 = tpu.memref_slice %arg14[%run_scoped3A, %dma_wait3A_119] : memref<208x64xf32, #tpu.memory_space<vmem>> -> memref<1x64xf32, #tpu.memory_space<vmem>>
        %dma_wait3A_121 = tpu.memref_squeeze %dma_wait3A_120 : memref<1x64xf32, #tpu.memory_space<vmem>> -> memref<64xf32, #tpu.memory_space<vmem>>
        %dma_wait3A_122 = arith.constant 0 : i32
        %dma_wait3A_123 = tpu.memref_slice %arg7[%dma_wait3A_122] : memref<128xf32, #tpu.memory_space<hbm>> -> memref<64xf32, #tpu.memory_space<hbm>>
        tpu.wait_dma2 semaphore(%run_scoped3A_103 : memref<!tpu.dma_semaphore, #tpu.memory_space<semaphore_mem>>) src(%dma_wait3A_123 : memref<64xf32, #tpu.memory_space<hbm>>) dst(%dma_wait3A_121 : memref<64xf32, #tpu.memory_space<vmem>>)
        tpu.yield
      }) : () -> ()
      %scan3A = arith.constant 0 : i32
      %scan3A_29 = arith.constant 207 : i32
      %scan3A_30 = arith.addi %scan3A, %scan3A_29 : i32
      %scan3A_31 = arith.constant 1 : i32
      scf.for %scan3A_103 = %scan3A to %scan3A_30 step %scan3A_31  : i32 {
        %mul3A_104 = arith.constant 1 : i32
        %mul3A_105 = arith.muli %scan3A_103, %mul3A_104 : i32
        %add3A = arith.constant 1 : i32
        %add3A_106 = arith.addi %add3A, %mul3A_105 : i32
        %get3A = arith.constant 0 : i32
        %get3A_107 = arith.index_cast %get3A : i32 to index
        %get3A_108 = arith.constant 0 : index
        %get3A_109 = tpu.vector_load %arg14[%get3A_107, %get3A_108] {strides = array<i32>} : memref<208x64xf32, #tpu.memory_space<vmem>>, vector<16xf32>,
        %swap3A = arith.index_cast %add3A_106 : i32 to index
        %swap3A_110 = arith.constant 0 : index
        %swap3A_111 = tpu.vector_load %arg14[%swap3A, %swap3A_110] {strides = array<i32>} : memref<208x64xf32, #tpu.memory_space<vmem>>, vector<16xf32>,
        tpu.vector_store %arg14[%swap3A, %swap3A_110], %get3A_109 {strides = array<i32>} : memref<208x64xf32, #tpu.memory_space<vmem>>, vector<16xf32>,
        %get3A_112 = arith.constant 0 : i32
        %get3A_113 = arith.index_cast %get3A_112 : i32 to index
        %get3A_114 = arith.constant 16 : index
        %get3A_115 = tpu.vector_load %arg14[%get3A_113, %get3A_114] {strides = array<i32>} : memref<208x64xf32, #tpu.memory_space<vmem>>, vector<16xf32>,
        %swap3A_116 = arith.index_cast %add3A_106 : i32 to index
        %swap3A_117 = arith.constant 16 : index
        %swap3A_118 = tpu.vector_load %arg14[%swap3A_116, %swap3A_117] {strides = array<i32>} : memref<208x64xf32, #tpu.memory_space<vmem>>, vector<16xf32>,
        tpu.vector_store %arg14[%swap3A_116, %swap3A_117], %get3A_115 {strides = array<i32>} : memref<208x64xf32, #tpu.memory_space<vmem>>, vector<16xf32>,
        %get3A_119 = arith.constant 0 : i32
        %get3A_120 = arith.index_cast %get3A_119 : i32 to index
        %get3A_121 = arith.constant 32 : index
        %get3A_122 = tpu.vector_load %arg14[%get3A_120, %get3A_121] {strides = array<i32>} : memref<208x64xf32, #tpu.memory_space<vmem>>, vector<16xf32>,
        %swap3A_123 = arith.index_cast %add3A_106 : i32 to index
        %swap3A_124 = arith.constant 32 : index
        %swap3A_125 = tpu.vector_load %arg14[%swap3A_123, %swap3A_124] {strides = array<i32>} : memref<208x64xf32, #tpu.memory_space<vmem>>, vector<16xf32>,
        tpu.vector_store %arg14[%swap3A_123, %swap3A_124], %get3A_122 {strides = array<i32>} : memref<208x64xf32, #tpu.memory_space<vmem>>, vector<16xf32>,
        %get3A_126 = arith.constant 0 : i32
        %get3A_127 = arith.index_cast %get3A_126 : i32 to index
        %get3A_128 = arith.constant 48 : index
        %get3A_129 = tpu.vector_load %arg14[%get3A_127, %get3A_128] {strides = array<i32>} : memref<208x64xf32, #tpu.memory_space<vmem>>, vector<16xf32>,
        %swap3A_130 = arith.index_cast %add3A_106 : i32 to index
        %swap3A_131 = arith.constant 48 : index
        %swap3A_132 = tpu.vector_load %arg14[%swap3A_130, %swap3A_131] {strides = array<i32>} : memref<208x64xf32, #tpu.memory_space<vmem>>, vector<16xf32>,
        tpu.vector_store %arg14[%swap3A_130, %swap3A_131], %get3A_129 {strides = array<i32>} : memref<208x64xf32, #tpu.memory_space<vmem>>, vector<16xf32>,
      }
      %scan3A_32 = arith.constant 207 : i32
      %scan3A_33 = arith.constant 0 : i32
      %scan3A_34 = arith.constant 3 : i32
      %scan3A_35 = arith.addi %scan3A_33, %scan3A_34 : i32
      %scan3A_36 = arith.constant 1 : i32
      scf.for %scan3A_103 = %scan3A_33 to %scan3A_35 step %scan3A_36  : i32 {
        %mul3A_104 = arith.constant 1 : i32
        %mul3A_105 = arith.muli %scan3A_103, %mul3A_104 : i32
        %add3A = arith.constant 0 : i32
        %add3A_106 = arith.addi %add3A, %mul3A_105 : i32
        %mul3A_107 = arith.constant 208 : i32
        %mul3A_108 = arith.muli %add3A_106, %mul3A_107 : i32
        %add3A_109 = arith.addi %mul3A_7, %mul3A_108 : i32
        "tpu.region"() ({
          %run_scoped3A_110 = tpu.sem_alloc : memref<!tpu.dma_semaphore, #tpu.memory_space<semaphore_mem>>
          %dma_start3A_111 = arith.constant 0 : i32
          %dma_start3A_112 = tpu.memref_slice %arg15[%add3A_109, %dma_start3A_111] : memref<10000x64xf32, #tpu.memory_space<vmem_shared>> -> memref<208x64xf32, #tpu.memory_space<vmem_shared>>
          %dma_start3A_113 = arith.constant 0 : i32
          %dma_start3A_114 = tpu.memref_slice %arg15[%add3A_109, %dma_start3A_113] : memref<10000x64xf32, #tpu.memory_space<vmem_shared>> -> memref<208x64xf32, #tpu.memory_space<vmem_shared>>
          tpu.enqueue_dma source(%arg14 : memref<208x64xf32, #tpu.memory_space<vmem>>) target(%dma_start3A_114 : memref<208x64xf32, #tpu.memory_space<vmem_shared>>) target_semaphore(%run_scoped3A_110 : memref<!tpu.dma_semaphore, #tpu.memory_space<semaphore_mem>>)
          %dma_wait3A_115 = arith.constant 0 : i32
          %dma_wait3A_116 = tpu.memref_slice %arg15[%add3A_109, %dma_wait3A_115] : memref<10000x64xf32, #tpu.memory_space<vmem_shared>> -> memref<208x64xf32, #tpu.memory_space<vmem_shared>>
          %dma_wait3A_117 = arith.constant 0 : i32
          %dma_wait3A_118 = tpu.memref_slice %arg15[%add3A_109, %dma_wait3A_117] : memref<10000x64xf32, #tpu.memory_space<vmem_shared>> -> memref<208x64xf32, #tpu.memory_space<vmem_shared>>
          tpu.wait_dma2 semaphore(%run_scoped3A_110 : memref<!tpu.dma_semaphore, #tpu.memory_space<semaphore_mem>>) src(%arg14 : memref<208x64xf32, #tpu.memory_space<vmem>>) dst(%dma_wait3A_118 : memref<208x64xf32, #tpu.memory_space<vmem_shared>>)
          tpu.yield
        }) : () -> ()
      }
      %scan3A_37 = arith.constant 3 : i32
      %eq3A_38 = arith.constant 0 : i32
      %eq3A_39 = arith.cmpi eq, %arg1, %eq3A_38 : i32
      %convert_element_type3A_40 = arith.extui %eq3A_39 : i1 to i32
      %cond3A_41 = arith.constant 0 : i32
      %cond3A_42 = arith.cmpi ne, %convert_element_type3A_40, %cond3A_41 : i32
      scf.if %cond3A_42 {
        "tpu.region"() ({
          %run_scoped3A_103 = tpu.sem_alloc : memref<!tpu.dma_semaphore, #tpu.memory_space<semaphore_mem>>
          %dma_start3A_104 = arith.constant 0 : i32
          %dma_start3A_105 = arith.constant 0 : i32
          %dma_start3A_106 = tpu.memref_slice %arg14[%dma_start3A_104, %dma_start3A_105] : memref<208x64xf32, #tpu.memory_space<vmem>> -> memref<16x64xf32, #tpu.memory_space<vmem>>
          %dma_start3A_107 = arith.constant 9984 : i32
          %dma_start3A_108 = arith.constant 0 : i32
          %dma_start3A_109 = tpu.memref_slice %arg15[%dma_start3A_107, %dma_start3A_108] : memref<10000x64xf32, #tpu.memory_space<vmem_shared>> -> memref<16x64xf32, #tpu.memory_space<vmem_shared>>
          %dma_start3A_110 = arith.constant 9984 : i32
          %dma_start3A_111 = arith.constant 0 : i32
          %dma_start3A_112 = tpu.memref_slice %arg15[%dma_start3A_110, %dma_start3A_111] : memref<10000x64xf32, #tpu.memory_space<vmem_shared>> -> memref<16x64xf32, #tpu.memory_space<vmem_shared>>
          %dma_start3A_113 = arith.constant 0 : i32
          %dma_start3A_114 = arith.constant 0 : i32
          %dma_start3A_115 = tpu.memref_slice %arg14[%dma_start3A_113, %dma_start3A_114] : memref<208x64xf32, #tpu.memory_space<vmem>> -> memref<16x64xf32, #tpu.memory_space<vmem>>
          tpu.enqueue_dma source(%dma_start3A_115 : memref<16x64xf32, #tpu.memory_space<vmem>>) target(%dma_start3A_112 : memref<16x64xf32, #tpu.memory_space<vmem_shared>>) target_semaphore(%run_scoped3A_103 : memref<!tpu.dma_semaphore, #tpu.memory_space<semaphore_mem>>)
          %dma_wait3A_116 = arith.constant 0 : i32
          %dma_wait3A_117 = arith.constant 0 : i32
          %dma_wait3A_118 = tpu.memref_slice %arg14[%dma_wait3A_116, %dma_wait3A_117] : memref<208x64xf32, #tpu.memory_space<vmem>> -> memref<16x64xf32, #tpu.memory_space<vmem>>
          %dma_wait3A_119 = arith.constant 9984 : i32
          %dma_wait3A_120 = arith.constant 0 : i32
          %dma_wait3A_121 = tpu.memref_slice %arg15[%dma_wait3A_119, %dma_wait3A_120] : memref<10000x64xf32, #tpu.memory_space<vmem_shared>> -> memref<16x64xf32, #tpu.memory_space<vmem_shared>>
          %dma_wait3A_122 = arith.constant 9984 : i32
          %dma_wait3A_123 = arith.constant 0 : i32
          %dma_wait3A_124 = tpu.memref_slice %arg15[%dma_wait3A_122, %dma_wait3A_123] : memref<10000x64xf32, #tpu.memory_space<vmem_shared>> -> memref<16x64xf32, #tpu.memory_space<vmem_shared>>
          %dma_wait3A_125 = arith.constant 0 : i32
          %dma_wait3A_126 = arith.constant 0 : i32
          %dma_wait3A_127 = tpu.memref_slice %arg14[%dma_wait3A_125, %dma_wait3A_126] : memref<208x64xf32, #tpu.memory_space<vmem>> -> memref<16x64xf32, #tpu.memory_space<vmem>>
          tpu.wait_dma2 semaphore(%run_scoped3A_103 : memref<!tpu.dma_semaphore, #tpu.memory_space<semaphore_mem>>) src(%dma_wait3A_127 : memref<16x64xf32, #tpu.memory_space<vmem>>) dst(%dma_wait3A_124 : memref<16x64xf32, #tpu.memory_space<vmem_shared>>)
          tpu.yield
        }) : () -> ()
      } else {
      }
      %dma_wait3A = arith.constant 0 : i32
      %dma_wait3A_43 = arith.constant 0 : i32
      %dma_wait3A_44 = tpu.memref_slice %arg4[%arg1, %dma_wait3A, %dma_wait3A_43] : memref<16x250x80xi32, #tpu.memory_space<hbm>> -> memref<1x250x80xi32, #tpu.memory_space<hbm>>
      %dma_wait3A_45 = tpu.memref_squeeze %dma_wait3A_44 : memref<1x250x80xi32, #tpu.memory_space<hbm>> -> memref<250x80xi32, #tpu.memory_space<hbm>>
      %dma_wait3A_46 = arith.constant 0 : i32
      %dma_wait3A_47 = arith.constant 0 : i32
      %dma_wait3A_48 = tpu.memref_slice %arg4[%arg1, %dma_wait3A_46, %dma_wait3A_47] : memref<16x250x80xi32, #tpu.memory_space<hbm>> -> memref<1x250x80xi32, #tpu.memory_space<hbm>>
      %dma_wait3A_49 = tpu.memref_squeeze %dma_wait3A_48 : memref<1x250x80xi32, #tpu.memory_space<hbm>> -> memref<250x80xi32, #tpu.memory_space<hbm>>
      tpu.wait_dma2 semaphore(%arg17 : memref<!tpu.dma_semaphore, #tpu.memory_space<semaphore_mem>>) src(%dma_wait3A_49 : memref<250x80xi32, #tpu.memory_space<hbm>>) dst(%arg9 : memref<250x80xi32, #tpu.memory_space<vmem>>)
      %dma_wait3A_50 = arith.constant 0 : i32
      %dma_wait3A_51 = arith.constant 0 : i32
      %dma_wait3A_52 = tpu.memref_slice %arg5[%arg1, %dma_wait3A_50, %dma_wait3A_51] : memref<16x250x80xi32, #tpu.memory_space<hbm>> -> memref<1x250x80xi32, #tpu.memory_space<hbm>>
      %dma_wait3A_53 = tpu.memref_squeeze %dma_wait3A_52 : memref<1x250x80xi32, #tpu.memory_space<hbm>> -> memref<250x80xi32, #tpu.memory_space<hbm>>
      %dma_wait3A_54 = arith.constant 0 : i32
      %dma_wait3A_55 = arith.constant 0 : i32
      %dma_wait3A_56 = tpu.memref_slice %arg5[%arg1, %dma_wait3A_54, %dma_wait3A_55] : memref<16x250x80xi32, #tpu.memory_space<hbm>> -> memref<1x250x80xi32, #tpu.memory_space<hbm>>
      %dma_wait3A_57 = tpu.memref_squeeze %dma_wait3A_56 : memref<1x250x80xi32, #tpu.memory_space<hbm>> -> memref<250x80xi32, #tpu.memory_space<hbm>>
      tpu.wait_dma2 semaphore(%arg18 : memref<!tpu.dma_semaphore, #tpu.memory_space<semaphore_mem>>) src(%dma_wait3A_57 : memref<250x80xi32, #tpu.memory_space<hbm>>) dst(%arg10 : memref<250x80xi32, #tpu.memory_space<vmem>>)
      %dma_wait3A_58 = arith.constant 0 : i32
      %dma_wait3A_59 = tpu.memref_slice %arg6[%arg1, %dma_wait3A_58] : memref<16x20000xf32, #tpu.memory_space<hbm>> -> memref<1x20000xf32, #tpu.memory_space<hbm>>
      %dma_wait3A_60 = tpu.memref_squeeze %dma_wait3A_59 : memref<1x20000xf32, #tpu.memory_space<hbm>> -> memref<20000xf32, #tpu.memory_space<hbm>>
      %dma_wait3A_61 = arith.constant 0 : i32
      %dma_wait3A_62 = tpu.memref_slice %arg6[%arg1, %dma_wait3A_61] : memref<16x20000xf32, #tpu.memory_space<hbm>> -> memref<1x20000xf32, #tpu.memory_space<hbm>>
      %dma_wait3A_63 = tpu.memref_squeeze %dma_wait3A_62 : memref<1x20000xf32, #tpu.memory_space<hbm>> -> memref<20000xf32, #tpu.memory_space<hbm>>
      tpu.wait_dma2 semaphore(%arg17 : memref<!tpu.dma_semaphore, #tpu.memory_space<semaphore_mem>>) src(%dma_wait3A_63 : memref<20000xf32, #tpu.memory_space<hbm>>) dst(%arg11 : memref<20000xf32, #tpu.memory_space<vmem>>)
      %barrier3A = arith.constant 0 : index
      tpu.barrier barrier_id(%barrier3A)
      %dma_start3A_64 = arith.constant 0 : i32
      %dma_start3A_65 = arith.constant 0 : i32
      %dma_start3A_66 = tpu.memref_slice %arg9[%dma_start3A_64, %dma_start3A_65] : memref<250x80xi32, #tpu.memory_space<vmem>> -> memref<1x80xi32, #tpu.memory_space<vmem>>
      %dma_start3A_67 = tpu.memref_squeeze %dma_start3A_66 : memref<1x80xi32, #tpu.memory_space<vmem>> -> memref<80xi32, #tpu.memory_space<vmem>>
      %dma_start3A_68 = arith.constant 0 : i32
      %dma_start3A_69 = arith.constant 0 : i32
      %dma_start3A_70 = tpu.memref_slice %arg2[%dma_start3A_68, %dma_start3A_69] : memref<10000x64xf32, #tpu.memory_space<hbm>> -> memref<10000x64xf32, #tpu.memory_space<hbm>>
      tpu.enqueue_indirect_dma source(%dma_start3A_70 : memref<10000x64xf32, #tpu.memory_space<hbm>>) target(%arg12 : memref<80x64xf32, #tpu.memory_space<vmem>>) offsets(%dma_start3A_67 : memref<80xi32, #tpu.memory_space<vmem>>) semaphore(%arg16 : memref<!tpu.dma_semaphore, #tpu.memory_space<semaphore_mem>>)
      %dma_start3A_71 = arith.constant 1 : i32
      %dma_start3A_72 = arith.constant 0 : i32
      %dma_start3A_73 = tpu.memref_slice %arg9[%dma_start3A_71, %dma_start3A_72] : memref<250x80xi32, #tpu.memory_space<vmem>> -> memref<1x80xi32, #tpu.memory_space<vmem>>
      %dma_start3A_74 = tpu.memref_squeeze %dma_start3A_73 : memref<1x80xi32, #tpu.memory_space<vmem>> -> memref<80xi32, #tpu.memory_space<vmem>>
      %dma_start3A_75 = arith.constant 0 : i32
      %dma_start3A_76 = arith.constant 0 : i32
      %dma_start3A_77 = tpu.memref_slice %arg2[%dma_start3A_75, %dma_start3A_76] : memref<10000x64xf32, #tpu.memory_space<hbm>> -> memref<10000x64xf32, #tpu.memory_space<hbm>>
      tpu.enqueue_indirect_dma source(%dma_start3A_77 : memref<10000x64xf32, #tpu.memory_space<hbm>>) target(%arg13 : memref<80x64xf32, #tpu.memory_space<vmem>>) offsets(%dma_start3A_74 : memref<80xi32, #tpu.memory_space<vmem>>) semaphore(%arg17 : memref<!tpu.dma_semaphore, #tpu.memory_space<semaphore_mem>>)
      %scan3A_78 = arith.constant 0 : i32
      %scan3A_79 = arith.constant 125 : i32
      %scan3A_80 = arith.addi %scan3A_78, %scan3A_79 : i32
      %scan3A_81 = arith.constant 1 : i32
      scf.for %scan3A_103 = %scan3A_78 to %scan3A_80 step %scan3A_81  : i32 {
        %mul3A_104 = arith.constant 2 : i32
        %mul3A_105 = arith.muli %scan3A_103, %mul3A_104 : i32
        %add3A = arith.constant 0 : i32
        %add3A_106 = arith.addi %add3A, %mul3A_105 : i32
        %dma_wait3A_107 = arith.constant 0 : i32
        %dma_wait3A_108 = arith.constant 0 : i32
        %dma_wait3A_109 = tpu.memref_slice %arg2[%dma_wait3A_107, %dma_wait3A_108] : memref<10000x64xf32, #tpu.memory_space<hbm>> -> memref<80x64xf32, #tpu.memory_space<hbm>>
        %dma_wait3A_110 = arith.constant 0 : i32
        %dma_wait3A_111 = arith.constant 0 : i32
        %dma_wait3A_112 = tpu.memref_slice %arg2[%dma_wait3A_110, %dma_wait3A_111] : memref<10000x64xf32, #tpu.memory_space<hbm>> -> memref<80x64xf32, #tpu.memory_space<hbm>>
        tpu.wait_dma2 semaphore(%arg16 : memref<!tpu.dma_semaphore, #tpu.memory_space<semaphore_mem>>) src(%dma_wait3A_112 : memref<80x64xf32, #tpu.memory_space<hbm>>) dst(%arg12 : memref<80x64xf32, #tpu.memory_space<vmem>>)
        %mul3A_113 = arith.constant 80 : i32
        %mul3A_114 = arith.muli %add3A_106, %mul3A_113 : i32
        %parallel_loop3A = arith.constant 0 : i32
        %parallel_loop3A_115 = arith.constant 80 : i32
        %parallel_loop3A_116 = arith.constant 1 : i32
        scf.for %parallel_loop3A_175 = %parallel_loop3A to %parallel_loop3A_115 step %parallel_loop3A_116  : i32 {
          %parallel_loop3A_176 = arith.addi %mul3A_114, %parallel_loop3A_175 : i32
          %parallel_loop3A_177 = vector.broadcast %parallel_loop3A_176 : i32 to vector<16xi32>
          %parallel_loop3A_178 = tpu.vector_load_idx %arg11[%parallel_loop3A_177] : memref<20000xf32, #tpu.memory_space<vmem>>[vector<16xi32>], vector<16xf32>,
          %parallel_loop3A_179 = arith.index_cast %parallel_loop3A_175 : i32 to index
          %parallel_loop3A_180 = arith.constant 0 : index
          %parallel_loop3A_181 = tpu.vector_load %arg12[%parallel_loop3A_179, %parallel_loop3A_180] {strides = array<i32>} : memref<80x64xf32, #tpu.memory_space<vmem>>, vector<16xf32>,
          %parallel_loop3A_182 = arith.mulf %parallel_loop3A_181, %parallel_loop3A_178 : vector<16xf32>
          %parallel_loop3A_183 = arith.index_cast %parallel_loop3A_175 : i32 to index
          %parallel_loop3A_184 = arith.constant 0 : index
          %parallel_loop3A_185 = tpu.vector_load %arg12[%parallel_loop3A_183, %parallel_loop3A_184] {strides = array<i32>} : memref<80x64xf32, #tpu.memory_space<vmem>>, vector<16xf32>,
          tpu.vector_store %arg12[%parallel_loop3A_183, %parallel_loop3A_184], %parallel_loop3A_182 {strides = array<i32>} : memref<80x64xf32, #tpu.memory_space<vmem>>, vector<16xf32>,
          %parallel_loop3A_186 = arith.index_cast %parallel_loop3A_175 : i32 to index
          %parallel_loop3A_187 = arith.constant 16 : index
          %parallel_loop3A_188 = tpu.vector_load %arg12[%parallel_loop3A_186, %parallel_loop3A_187] {strides = array<i32>} : memref<80x64xf32, #tpu.memory_space<vmem>>, vector<16xf32>,
          %parallel_loop3A_189 = arith.mulf %parallel_loop3A_188, %parallel_loop3A_178 : vector<16xf32>
          %parallel_loop3A_190 = arith.index_cast %parallel_loop3A_175 : i32 to index
          %parallel_loop3A_191 = arith.constant 16 : index
          %parallel_loop3A_192 = tpu.vector_load %arg12[%parallel_loop3A_190, %parallel_loop3A_191] {strides = array<i32>} : memref<80x64xf32, #tpu.memory_space<vmem>>, vector<16xf32>,
          tpu.vector_store %arg12[%parallel_loop3A_190, %parallel_loop3A_191], %parallel_loop3A_189 {strides = array<i32>} : memref<80x64xf32, #tpu.memory_space<vmem>>, vector<16xf32>,
          %parallel_loop3A_193 = arith.index_cast %parallel_loop3A_175 : i32 to index
          %parallel_loop3A_194 = arith.constant 32 : index
          %parallel_loop3A_195 = tpu.vector_load %arg12[%parallel_loop3A_193, %parallel_loop3A_194] {strides = array<i32>} : memref<80x64xf32, #tpu.memory_space<vmem>>, vector<16xf32>,
          %parallel_loop3A_196 = arith.mulf %parallel_loop3A_195, %parallel_loop3A_178 : vector<16xf32>
          %parallel_loop3A_197 = arith.index_cast %parallel_loop3A_175 : i32 to index
          %parallel_loop3A_198 = arith.constant 32 : index
          %parallel_loop3A_199 = tpu.vector_load %arg12[%parallel_loop3A_197, %parallel_loop3A_198] {strides = array<i32>} : memref<80x64xf32, #tpu.memory_space<vmem>>, vector<16xf32>,
          tpu.vector_store %arg12[%parallel_loop3A_197, %parallel_loop3A_198], %parallel_loop3A_196 {strides = array<i32>} : memref<80x64xf32, #tpu.memory_space<vmem>>, vector<16xf32>,
          %parallel_loop3A_200 = arith.index_cast %parallel_loop3A_175 : i32 to index
          %parallel_loop3A_201 = arith.constant 48 : index
          %parallel_loop3A_202 = tpu.vector_load %arg12[%parallel_loop3A_200, %parallel_loop3A_201] {strides = array<i32>} : memref<80x64xf32, #tpu.memory_space<vmem>>, vector<16xf32>,
          %parallel_loop3A_203 = arith.mulf %parallel_loop3A_202, %parallel_loop3A_178 : vector<16xf32>
          %parallel_loop3A_204 = arith.index_cast %parallel_loop3A_175 : i32 to index
          %parallel_loop3A_205 = arith.constant 48 : index
          %parallel_loop3A_206 = tpu.vector_load %arg12[%parallel_loop3A_204, %parallel_loop3A_205] {strides = array<i32>} : memref<80x64xf32, #tpu.memory_space<vmem>>, vector<16xf32>,
          tpu.vector_store %arg12[%parallel_loop3A_204, %parallel_loop3A_205], %parallel_loop3A_203 {strides = array<i32>} : memref<80x64xf32, #tpu.memory_space<vmem>>, vector<16xf32>,
        } {sc.loop_unroll_factor = 8 : i64, sc.parallel_access}
        %dma_start3A_117 = arith.constant 0 : i32
        %dma_start3A_118 = tpu.memref_slice %arg10[%add3A_106, %dma_start3A_117] : memref<250x80xi32, #tpu.memory_space<vmem>> -> memref<1x80xi32, #tpu.memory_space<vmem>>
        %dma_start3A_119 = tpu.memref_squeeze %dma_start3A_118 : memref<1x80xi32, #tpu.memory_space<vmem>> -> memref<80xi32, #tpu.memory_space<vmem>>
        %dma_start3A_120 = arith.constant 0 : i32
        %dma_start3A_121 = arith.constant 0 : i32
        %dma_start3A_122 = tpu.memref_slice %arg15[%dma_start3A_120, %dma_start3A_121] : memref<10000x64xf32, #tpu.memory_space<vmem_shared>> -> memref<10000x64xf32, #tpu.memory_space<vmem_shared>>
        tpu.enqueue_indirect_dma source(%arg12 : memref<80x64xf32, #tpu.memory_space<vmem>>) target(%dma_start3A_122 : memref<10000x64xf32, #tpu.memory_space<vmem_shared>>) offsets(%dma_start3A_119 : memref<80xi32, #tpu.memory_space<vmem>>) semaphore(%arg18 : memref<!tpu.dma_semaphore, #tpu.memory_space<semaphore_mem>>) {add = true}
        %dma_wait3A_123 = arith.constant 0 : i32
        %dma_wait3A_124 = arith.constant 0 : i32
        %dma_wait3A_125 = tpu.memref_slice %arg2[%dma_wait3A_123, %dma_wait3A_124] : memref<10000x64xf32, #tpu.memory_space<hbm>> -> memref<80x64xf32, #tpu.memory_space<hbm>>
        %dma_wait3A_126 = arith.constant 0 : i32
        %dma_wait3A_127 = arith.constant 0 : i32
        %dma_wait3A_128 = tpu.memref_slice %arg2[%dma_wait3A_126, %dma_wait3A_127] : memref<10000x64xf32, #tpu.memory_space<hbm>> -> memref<80x64xf32, #tpu.memory_space<hbm>>
        tpu.wait_dma2 semaphore(%arg17 : memref<!tpu.dma_semaphore, #tpu.memory_space<semaphore_mem>>) src(%dma_wait3A_128 : memref<80x64xf32, #tpu.memory_space<hbm>>) dst(%arg13 : memref<80x64xf32, #tpu.memory_space<vmem>>)
        %add3A_129 = arith.constant 1 : i32
        %add3A_130 = arith.addi %add3A_106, %add3A_129 : i32
        %mul3A_131 = arith.constant 80 : i32
        %mul3A_132 = arith.muli %add3A_130, %mul3A_131 : i32
        %parallel_loop3A_133 = arith.constant 0 : i32
        %parallel_loop3A_134 = arith.constant 80 : i32
        %parallel_loop3A_135 = arith.constant 1 : i32
        scf.for %parallel_loop3A_175 = %parallel_loop3A_133 to %parallel_loop3A_134 step %parallel_loop3A_135  : i32 {
          %parallel_loop3A_176 = arith.addi %mul3A_132, %parallel_loop3A_175 : i32
          %parallel_loop3A_177 = vector.broadcast %parallel_loop3A_176 : i32 to vector<16xi32>
          %parallel_loop3A_178 = tpu.vector_load_idx %arg11[%parallel_loop3A_177] : memref<20000xf32, #tpu.memory_space<vmem>>[vector<16xi32>], vector<16xf32>,
          %parallel_loop3A_179 = arith.index_cast %parallel_loop3A_175 : i32 to index
          %parallel_loop3A_180 = arith.constant 0 : index
          %parallel_loop3A_181 = tpu.vector_load %arg13[%parallel_loop3A_179, %parallel_loop3A_180] {strides = array<i32>} : memref<80x64xf32, #tpu.memory_space<vmem>>, vector<16xf32>,
          %parallel_loop3A_182 = arith.mulf %parallel_loop3A_181, %parallel_loop3A_178 : vector<16xf32>
          %parallel_loop3A_183 = arith.index_cast %parallel_loop3A_175 : i32 to index
          %parallel_loop3A_184 = arith.constant 0 : index
          %parallel_loop3A_185 = tpu.vector_load %arg13[%parallel_loop3A_183, %parallel_loop3A_184] {strides = array<i32>} : memref<80x64xf32, #tpu.memory_space<vmem>>, vector<16xf32>,
          tpu.vector_store %arg13[%parallel_loop3A_183, %parallel_loop3A_184], %parallel_loop3A_182 {strides = array<i32>} : memref<80x64xf32, #tpu.memory_space<vmem>>, vector<16xf32>,
          %parallel_loop3A_186 = arith.index_cast %parallel_loop3A_175 : i32 to index
          %parallel_loop3A_187 = arith.constant 16 : index
          %parallel_loop3A_188 = tpu.vector_load %arg13[%parallel_loop3A_186, %parallel_loop3A_187] {strides = array<i32>} : memref<80x64xf32, #tpu.memory_space<vmem>>, vector<16xf32>,
          %parallel_loop3A_189 = arith.mulf %parallel_loop3A_188, %parallel_loop3A_178 : vector<16xf32>
          %parallel_loop3A_190 = arith.index_cast %parallel_loop3A_175 : i32 to index
          %parallel_loop3A_191 = arith.constant 16 : index
          %parallel_loop3A_192 = tpu.vector_load %arg13[%parallel_loop3A_190, %parallel_loop3A_191] {strides = array<i32>} : memref<80x64xf32, #tpu.memory_space<vmem>>, vector<16xf32>,
          tpu.vector_store %arg13[%parallel_loop3A_190, %parallel_loop3A_191], %parallel_loop3A_189 {strides = array<i32>} : memref<80x64xf32, #tpu.memory_space<vmem>>, vector<16xf32>,
          %parallel_loop3A_193 = arith.index_cast %parallel_loop3A_175 : i32 to index
          %parallel_loop3A_194 = arith.constant 32 : index
          %parallel_loop3A_195 = tpu.vector_load %arg13[%parallel_loop3A_193, %parallel_loop3A_194] {strides = array<i32>} : memref<80x64xf32, #tpu.memory_space<vmem>>, vector<16xf32>,
          %parallel_loop3A_196 = arith.mulf %parallel_loop3A_195, %parallel_loop3A_178 : vector<16xf32>
          %parallel_loop3A_197 = arith.index_cast %parallel_loop3A_175 : i32 to index
          %parallel_loop3A_198 = arith.constant 32 : index
          %parallel_loop3A_199 = tpu.vector_load %arg13[%parallel_loop3A_197, %parallel_loop3A_198] {strides = array<i32>} : memref<80x64xf32, #tpu.memory_space<vmem>>, vector<16xf32>,
          tpu.vector_store %arg13[%parallel_loop3A_197, %parallel_loop3A_198], %parallel_loop3A_196 {strides = array<i32>} : memref<80x64xf32, #tpu.memory_space<vmem>>, vector<16xf32>,
          %parallel_loop3A_200 = arith.index_cast %parallel_loop3A_175 : i32 to index
          %parallel_loop3A_201 = arith.constant 48 : index
          %parallel_loop3A_202 = tpu.vector_load %arg13[%parallel_loop3A_200, %parallel_loop3A_201] {strides = array<i32>} : memref<80x64xf32, #tpu.memory_space<vmem>>, vector<16xf32>,
          %parallel_loop3A_203 = arith.mulf %parallel_loop3A_202, %parallel_loop3A_178 : vector<16xf32>
          %parallel_loop3A_204 = arith.index_cast %parallel_loop3A_175 : i32 to index
          %parallel_loop3A_205 = arith.constant 48 : index
          %parallel_loop3A_206 = tpu.vector_load %arg13[%parallel_loop3A_204, %parallel_loop3A_205] {strides = array<i32>} : memref<80x64xf32, #tpu.memory_space<vmem>>, vector<16xf32>,
          tpu.vector_store %arg13[%parallel_loop3A_204, %parallel_loop3A_205], %parallel_loop3A_203 {strides = array<i32>} : memref<80x64xf32, #tpu.memory_space<vmem>>, vector<16xf32>,
        } {sc.loop_unroll_factor = 8 : i64, sc.parallel_access}
        %add3A_136 = arith.constant 1 : i32
        %add3A_137 = arith.addi %add3A_106, %add3A_136 : i32
        %dma_start3A_138 = arith.constant 0 : i32
        %dma_start3A_139 = tpu.memref_slice %arg10[%add3A_137, %dma_start3A_138] : memref<250x80xi32, #tpu.memory_space<vmem>> -> memref<1x80xi32, #tpu.memory_space<vmem>>
        %dma_start3A_140 = tpu.memref_squeeze %dma_start3A_139 : memref<1x80xi32, #tpu.memory_space<vmem>> -> memref<80xi32, #tpu.memory_space<vmem>>
        %dma_start3A_141 = arith.constant 0 : i32
        %dma_start3A_142 = arith.constant 0 : i32
        %dma_start3A_143 = tpu.memref_slice %arg15[%dma_start3A_141, %dma_start3A_142] : memref<10000x64xf32, #tpu.memory_space<vmem_shared>> -> memref<10000x64xf32, #tpu.memory_space<vmem_shared>>
        tpu.enqueue_indirect_dma source(%arg13 : memref<80x64xf32, #tpu.memory_space<vmem>>) target(%dma_start3A_143 : memref<10000x64xf32, #tpu.memory_space<vmem_shared>>) offsets(%dma_start3A_140 : memref<80xi32, #tpu.memory_space<vmem>>) semaphore(%arg19 : memref<!tpu.dma_semaphore, #tpu.memory_space<semaphore_mem>>) {add = true}
        %dma_wait3A_144 = arith.constant 0 : i32
        %dma_wait3A_145 = tpu.memref_slice %arg10[%add3A_106, %dma_wait3A_144] : memref<250x80xi32, #tpu.memory_space<vmem>> -> memref<1x80xi32, #tpu.memory_space<vmem>>
        %dma_wait3A_146 = tpu.memref_squeeze %dma_wait3A_145 : memref<1x80xi32, #tpu.memory_space<vmem>> -> memref<80xi32, #tpu.memory_space<vmem>>
        %dma_wait3A_147 = arith.constant 0 : i32
        %dma_wait3A_148 = arith.constant 0 : i32
        %dma_wait3A_149 = tpu.memref_slice %arg15[%dma_wait3A_147, %dma_wait3A_148] : memref<10000x64xf32, #tpu.memory_space<vmem_shared>> -> memref<10000x64xf32, #tpu.memory_space<vmem_shared>>
        tpu.wait_indirect_dma semaphore(%arg18 : memref<!tpu.dma_semaphore, #tpu.memory_space<semaphore_mem>>) src(%arg12 : memref<80x64xf32, #tpu.memory_space<vmem>>) dst(%dma_wait3A_149 : memref<10000x64xf32, #tpu.memory_space<vmem_shared>>)
        %add3A_150 = arith.constant 2 : i32
        %add3A_151 = arith.addi %add3A_106, %add3A_150 : i32
        %min3A = arith.constant 249 : i32
        %min3A_152 = arith.minsi %add3A_151, %min3A : i32
        %dma_start3A_153 = arith.constant 0 : i32
        %dma_start3A_154 = tpu.memref_slice %arg9[%min3A_152, %dma_start3A_153] : memref<250x80xi32, #tpu.memory_space<vmem>> -> memref<1x80xi32, #tpu.memory_space<vmem>>
        %dma_start3A_155 = tpu.memref_squeeze %dma_start3A_154 : memref<1x80xi32, #tpu.memory_space<vmem>> -> memref<80xi32, #tpu.memory_space<vmem>>
        %dma_start3A_156 = arith.constant 0 : i32
        %dma_start3A_157 = arith.constant 0 : i32
        %dma_start3A_158 = tpu.memref_slice %arg2[%dma_start3A_156, %dma_start3A_157] : memref<10000x64xf32, #tpu.memory_space<hbm>> -> memref<10000x64xf32, #tpu.memory_space<hbm>>
        tpu.enqueue_indirect_dma source(%dma_start3A_158 : memref<10000x64xf32, #tpu.memory_space<hbm>>) target(%arg12 : memref<80x64xf32, #tpu.memory_space<vmem>>) offsets(%dma_start3A_155 : memref<80xi32, #tpu.memory_space<vmem>>) semaphore(%arg16 : memref<!tpu.dma_semaphore, #tpu.memory_space<semaphore_mem>>)
        %dma_wait3A_159 = arith.constant 0 : i32
        %dma_wait3A_160 = tpu.memref_slice %arg10[%add3A_137, %dma_wait3A_159] : memref<250x80xi32, #tpu.memory_space<vmem>> -> memref<1x80xi32, #tpu.memory_space<vmem>>
        %dma_wait3A_161 = tpu.memref_squeeze %dma_wait3A_160 : memref<1x80xi32, #tpu.memory_space<vmem>> -> memref<80xi32, #tpu.memory_space<vmem>>
        %dma_wait3A_162 = arith.constant 0 : i32
        %dma_wait3A_163 = arith.constant 0 : i32
        %dma_wait3A_164 = tpu.memref_slice %arg15[%dma_wait3A_162, %dma_wait3A_163] : memref<10000x64xf32, #tpu.memory_space<vmem_shared>> -> memref<10000x64xf32, #tpu.memory_space<vmem_shared>>
        tpu.wait_indirect_dma semaphore(%arg19 : memref<!tpu.dma_semaphore, #tpu.memory_space<semaphore_mem>>) src(%arg13 : memref<80x64xf32, #tpu.memory_space<vmem>>) dst(%dma_wait3A_164 : memref<10000x64xf32, #tpu.memory_space<vmem_shared>>)
        %add3A_165 = arith.constant 3 : i32
        %add3A_166 = arith.addi %add3A_106, %add3A_165 : i32
        %min3A_167 = arith.constant 249 : i32
        %min3A_168 = arith.minsi %add3A_166, %min3A_167 : i32
        %dma_start3A_169 = arith.constant 0 : i32
        %dma_start3A_170 = tpu.memref_slice %arg9[%min3A_168, %dma_start3A_169] : memref<250x80xi32, #tpu.memory_space<vmem>> -> memref<1x80xi32, #tpu.memory_space<vmem>>
        %dma_start3A_171 = tpu.memref_squeeze %dma_start3A_170 : memref<1x80xi32, #tpu.memory_space<vmem>> -> memref<80xi32, #tpu.memory_space<vmem>>
        %dma_start3A_172 = arith.constant 0 : i32
        %dma_start3A_173 = arith.constant 0 : i32
        %dma_start3A_174 = tpu.memref_slice %arg2[%dma_start3A_172, %dma_start3A_173] : memref<10000x64xf32, #tpu.memory_space<hbm>> -> memref<10000x64xf32, #tpu.memory_space<hbm>>
        tpu.enqueue_indirect_dma source(%dma_start3A_174 : memref<10000x64xf32, #tpu.memory_space<hbm>>) target(%arg13 : memref<80x64xf32, #tpu.memory_space<vmem>>) offsets(%dma_start3A_171 : memref<80xi32, #tpu.memory_space<vmem>>) semaphore(%arg17 : memref<!tpu.dma_semaphore, #tpu.memory_space<semaphore_mem>>)
      }
      %scan3A_82 = arith.constant 125 : i32
      %dma_wait3A_83 = arith.constant 0 : i32
      %dma_wait3A_84 = arith.constant 0 : i32
      %dma_wait3A_85 = tpu.memref_slice %arg2[%dma_wait3A_83, %dma_wait3A_84] : memref<10000x64xf32, #tpu.memory_space<hbm>> -> memref<80x64xf32, #tpu.memory_space<hbm>>
      %dma_wait3A_86 = arith.constant 0 : i32
      %dma_wait3A_87 = arith.constant 0 : i32
      %dma_wait3A_88 = tpu.memref_slice %arg2[%dma_wait3A_86, %dma_wait3A_87] : memref<10000x64xf32, #tpu.memory_space<hbm>> -> memref<80x64xf32, #tpu.memory_space<hbm>>
      tpu.wait_dma2 semaphore(%arg16 : memref<!tpu.dma_semaphore, #tpu.memory_space<semaphore_mem>>) src(%dma_wait3A_88 : memref<80x64xf32, #tpu.memory_space<hbm>>) dst(%arg12 : memref<80x64xf32, #tpu.memory_space<vmem>>)
      %dma_wait3A_89 = arith.constant 0 : i32
      %dma_wait3A_90 = arith.constant 0 : i32
      %dma_wait3A_91 = tpu.memref_slice %arg2[%dma_wait3A_89, %dma_wait3A_90] : memref<10000x64xf32, #tpu.memory_space<hbm>> -> memref<80x64xf32, #tpu.memory_space<hbm>>
      %dma_wait3A_92 = arith.constant 0 : i32
      %dma_wait3A_93 = arith.constant 0 : i32
      %dma_wait3A_94 = tpu.memref_slice %arg2[%dma_wait3A_92, %dma_wait3A_93] : memref<10000x64xf32, #tpu.memory_space<hbm>> -> memref<80x64xf32, #tpu.memory_space<hbm>>
      tpu.wait_dma2 semaphore(%arg17 : memref<!tpu.dma_semaphore, #tpu.memory_space<semaphore_mem>>) src(%dma_wait3A_94 : memref<80x64xf32, #tpu.memory_space<hbm>>) dst(%arg13 : memref<80x64xf32, #tpu.memory_space<vmem>>)
      %barrier3A_95 = arith.constant 0 : index
      tpu.barrier barrier_id(%barrier3A_95)
      %run_scoped3A_96 = arith.constant 0 : i32
      "tpu.region"() ({
        %run_scoped3A_103 = tpu.sem_alloc : memref<!tpu.dma_semaphore, #tpu.memory_space<semaphore_mem>>
        %dma_start3A_104 = arith.constant 0 : i32
        %dma_start3A_105 = arith.constant 0 : i32
        %dma_start3A_106 = tpu.memref_slice %arg8[%run_scoped3A_96, %dma_start3A_104, %dma_start3A_105] : memref<2x10000x64xf32, #tpu.memory_space<hbm>> -> memref<1x10000x64xf32, #tpu.memory_space<hbm>>
        %dma_start3A_107 = tpu.memref_squeeze %dma_start3A_106 : memref<1x10000x64xf32, #tpu.memory_space<hbm>> -> memref<10000x64xf32, #tpu.memory_space<hbm>>
        %dma_start3A_108 = arith.constant 0 : i32
        %dma_start3A_109 = tpu.memref_slice %dma_start3A_107[%mul3A_7, %dma_start3A_108] : memref<10000x64xf32, #tpu.memory_space<hbm>> -> memref<624x64xf32, #tpu.memory_space<hbm>>
        %dma_start3A_110 = arith.constant 0 : i32
        %dma_start3A_111 = tpu.memref_slice %arg15[%mul3A_7, %dma_start3A_110] : memref<10000x64xf32, #tpu.memory_space<vmem_shared>> -> memref<624x64xf32, #tpu.memory_space<vmem_shared>>
        tpu.enqueue_dma source(%dma_start3A_111 : memref<624x64xf32, #tpu.memory_space<vmem_shared>>) target(%dma_start3A_109 : memref<624x64xf32, #tpu.memory_space<hbm>>) target_semaphore(%run_scoped3A_103 : memref<!tpu.dma_semaphore, #tpu.memory_space<semaphore_mem>>)
        %dma_wait3A_112 = arith.constant 0 : i32
        %dma_wait3A_113 = arith.constant 0 : i32
        %dma_wait3A_114 = tpu.memref_slice %arg8[%run_scoped3A_96, %dma_wait3A_112, %dma_wait3A_113] : memref<2x10000x64xf32, #tpu.memory_space<hbm>> -> memref<1x10000x64xf32, #tpu.memory_space<hbm>>
        %dma_wait3A_115 = tpu.memref_squeeze %dma_wait3A_114 : memref<1x10000x64xf32, #tpu.memory_space<hbm>> -> memref<10000x64xf32, #tpu.memory_space<hbm>>
        %dma_wait3A_116 = arith.constant 0 : i32
        %dma_wait3A_117 = tpu.memref_slice %dma_wait3A_115[%mul3A_7, %dma_wait3A_116] : memref<10000x64xf32, #tpu.memory_space<hbm>> -> memref<624x64xf32, #tpu.memory_space<hbm>>
        %dma_wait3A_118 = arith.constant 0 : i32
        %dma_wait3A_119 = tpu.memref_slice %arg15[%mul3A_7, %dma_wait3A_118] : memref<10000x64xf32, #tpu.memory_space<vmem_shared>> -> memref<624x64xf32, #tpu.memory_space<vmem_shared>>
        tpu.wait_dma2 semaphore(%run_scoped3A_103 : memref<!tpu.dma_semaphore, #tpu.memory_space<semaphore_mem>>) src(%dma_wait3A_119 : memref<624x64xf32, #tpu.memory_space<vmem_shared>>) dst(%dma_wait3A_117 : memref<624x64xf32, #tpu.memory_space<hbm>>)
        tpu.yield
      }) : () -> ()
      %eq3A_97 = arith.constant 0 : i32
      %eq3A_98 = arith.cmpi eq, %arg1, %eq3A_97 : i32
      %convert_element_type3A_99 = arith.extui %eq3A_98 : i1 to i32
      %cond3A_100 = arith.constant 0 : i32
      %cond3A_101 = arith.constant 0 : i32
      %cond3A_102 = arith.cmpi ne, %convert_element_type3A_99, %cond3A_101 : i32
      scf.if %cond3A_102 {
        "tpu.region"() ({
          %run_scoped3A_103 = tpu.sem_alloc : memref<!tpu.dma_semaphore, #tpu.memory_space<semaphore_mem>>
          %dma_start3A_104 = arith.constant 0 : i32
          %dma_start3A_105 = arith.constant 0 : i32
          %dma_start3A_106 = tpu.memref_slice %arg8[%cond3A_100, %dma_start3A_104, %dma_start3A_105] : memref<2x10000x64xf32, #tpu.memory_space<hbm>> -> memref<1x10000x64xf32, #tpu.memory_space<hbm>>
          %dma_start3A_107 = tpu.memref_squeeze %dma_start3A_106 : memref<1x10000x64xf32, #tpu.memory_space<hbm>> -> memref<10000x64xf32, #tpu.memory_space<hbm>>
          %dma_start3A_108 = arith.constant 9984 : i32
          %dma_start3A_109 = arith.constant 0 : i32
          %dma_start3A_110 = tpu.memref_slice %dma_start3A_107[%dma_start3A_108, %dma_start3A_109] : memref<10000x64xf32, #tpu.memory_space<hbm>> -> memref<16x64xf32, #tpu.memory_space<hbm>>
          %dma_start3A_111 = arith.constant 9984 : i32
          %dma_start3A_112 = arith.constant 0 : i32
          %dma_start3A_113 = tpu.memref_slice %arg15[%dma_start3A_111, %dma_start3A_112] : memref<10000x64xf32, #tpu.memory_space<vmem_shared>> -> memref<16x64xf32, #tpu.memory_space<vmem_shared>>
          tpu.enqueue_dma source(%dma_start3A_113 : memref<16x64xf32, #tpu.memory_space<vmem_shared>>) target(%dma_start3A_110 : memref<16x64xf32, #tpu.memory_space<hbm>>) target_semaphore(%run_scoped3A_103 : memref<!tpu.dma_semaphore, #tpu.memory_space<semaphore_mem>>)
          %dma_wait3A_114 = arith.constant 0 : i32
          %dma_wait3A_115 = arith.constant 0 : i32
          %dma_wait3A_116 = tpu.memref_slice %arg8[%cond3A_100, %dma_wait3A_114, %dma_wait3A_115] : memref<2x10000x64xf32, #tpu.memory_space<hbm>> -> memref<1x10000x64xf32, #tpu.memory_space<hbm>>
          %dma_wait3A_117 = tpu.memref_squeeze %dma_wait3A_116 : memref<1x10000x64xf32, #tpu.memory_space<hbm>> -> memref<10000x64xf32, #tpu.memory_space<hbm>>
          %dma_wait3A_118 = arith.constant 9984 : i32
          %dma_wait3A_119 = arith.constant 0 : i32
          %dma_wait3A_120 = tpu.memref_slice %dma_wait3A_117[%dma_wait3A_118, %dma_wait3A_119] : memref<10000x64xf32, #tpu.memory_space<hbm>> -> memref<16x64xf32, #tpu.memory_space<hbm>>
          %dma_wait3A_121 = arith.constant 9984 : i32
          %dma_wait3A_122 = arith.constant 0 : i32
          %dma_wait3A_123 = tpu.memref_slice %arg15[%dma_wait3A_121, %dma_wait3A_122] : memref<10000x64xf32, #tpu.memory_space<vmem_shared>> -> memref<16x64xf32, #tpu.memory_space<vmem_shared>>
          tpu.wait_dma2 semaphore(%run_scoped3A_103 : memref<!tpu.dma_semaphore, #tpu.memory_space<semaphore_mem>>) src(%dma_wait3A_123 : memref<16x64xf32, #tpu.memory_space<vmem_shared>>) dst(%dma_wait3A_120 : memref<16x64xf32, #tpu.memory_space<hbm>>)
          tpu.yield
        }) : () -> ()
      } else {
      }
    } else {
    }
    %eq3A_2 = arith.constant 1 : i32
    %eq3A_3 = arith.cmpi eq, %arg0, %eq3A_2 : i32
    %convert_element_type3A_4 = arith.extui %eq3A_3 : i1 to i32
    %cond3A_5 = arith.constant 0 : i32
    %cond3A_6 = arith.cmpi ne, %convert_element_type3A_4, %cond3A_5 : i32
    scf.if %cond3A_6 {
      %mul3A = arith.constant 624 : i32
      %mul3A_7 = arith.muli %arg1, %mul3A : i32
      %dma_start3A = arith.constant 0 : i32
      %dma_start3A_8 = arith.constant 0 : i32
      %dma_start3A_9 = tpu.memref_slice %arg4[%arg1, %dma_start3A, %dma_start3A_8] : memref<16x250x80xi32, #tpu.memory_space<hbm>> -> memref<1x250x80xi32, #tpu.memory_space<hbm>>
      %dma_start3A_10 = tpu.memref_squeeze %dma_start3A_9 : memref<1x250x80xi32, #tpu.memory_space<hbm>> -> memref<250x80xi32, #tpu.memory_space<hbm>>
      %dma_start3A_11 = arith.constant 0 : i32
      %dma_start3A_12 = arith.constant 0 : i32
      %dma_start3A_13 = tpu.memref_slice %arg4[%arg1, %dma_start3A_11, %dma_start3A_12] : memref<16x250x80xi32, #tpu.memory_space<hbm>> -> memref<1x250x80xi32, #tpu.memory_space<hbm>>
      %dma_start3A_14 = tpu.memref_squeeze %dma_start3A_13 : memref<1x250x80xi32, #tpu.memory_space<hbm>> -> memref<250x80xi32, #tpu.memory_space<hbm>>
      tpu.enqueue_dma source(%dma_start3A_14 : memref<250x80xi32, #tpu.memory_space<hbm>>) target(%arg9 : memref<250x80xi32, #tpu.memory_space<vmem>>) target_semaphore(%arg17 : memref<!tpu.dma_semaphore, #tpu.memory_space<semaphore_mem>>)
      %dma_start3A_15 = arith.constant 0 : i32
      %dma_start3A_16 = arith.constant 0 : i32
      %dma_start3A_17 = tpu.memref_slice %arg5[%arg1, %dma_start3A_15, %dma_start3A_16] : memref<16x250x80xi32, #tpu.memory_space<hbm>> -> memref<1x250x80xi32, #tpu.memory_space<hbm>>
      %dma_start3A_18 = tpu.memref_squeeze %dma_start3A_17 : memref<1x250x80xi32, #tpu.memory_space<hbm>> -> memref<250x80xi32, #tpu.memory_space<hbm>>
      %dma_start3A_19 = arith.constant 0 : i32
      %dma_start3A_20 = arith.constant 0 : i32
      %dma_start3A_21 = tpu.memref_slice %arg5[%arg1, %dma_start3A_19, %dma_start3A_20] : memref<16x250x80xi32, #tpu.memory_space<hbm>> -> memref<1x250x80xi32, #tpu.memory_space<hbm>>
      %dma_start3A_22 = tpu.memref_squeeze %dma_start3A_21 : memref<1x250x80xi32, #tpu.memory_space<hbm>> -> memref<250x80xi32, #tpu.memory_space<hbm>>
      tpu.enqueue_dma source(%dma_start3A_22 : memref<250x80xi32, #tpu.memory_space<hbm>>) target(%arg10 : memref<250x80xi32, #tpu.memory_space<vmem>>) target_semaphore(%arg18 : memref<!tpu.dma_semaphore, #tpu.memory_space<semaphore_mem>>)
      %dma_start3A_23 = arith.constant 0 : i32
      %dma_start3A_24 = tpu.memref_slice %arg6[%arg1, %dma_start3A_23] : memref<16x20000xf32, #tpu.memory_space<hbm>> -> memref<1x20000xf32, #tpu.memory_space<hbm>>
      %dma_start3A_25 = tpu.memref_squeeze %dma_start3A_24 : memref<1x20000xf32, #tpu.memory_space<hbm>> -> memref<20000xf32, #tpu.memory_space<hbm>>
      %dma_start3A_26 = arith.constant 0 : i32
      %dma_start3A_27 = tpu.memref_slice %arg6[%arg1, %dma_start3A_26] : memref<16x20000xf32, #tpu.memory_space<hbm>> -> memref<1x20000xf32, #tpu.memory_space<hbm>>
      %dma_start3A_28 = tpu.memref_squeeze %dma_start3A_27 : memref<1x20000xf32, #tpu.memory_space<hbm>> -> memref<20000xf32, #tpu.memory_space<hbm>>
      tpu.enqueue_dma source(%dma_start3A_28 : memref<20000xf32, #tpu.memory_space<hbm>>) target(%arg11 : memref<20000xf32, #tpu.memory_space<vmem>>) target_semaphore(%arg17 : memref<!tpu.dma_semaphore, #tpu.memory_space<semaphore_mem>>)
      %run_scoped3A = arith.constant 0 : i32
      "tpu.region"() ({
        %run_scoped3A_103 = tpu.sem_alloc : memref<!tpu.dma_semaphore, #tpu.memory_space<semaphore_mem>>
        %dma_start3A_104 = arith.constant 0 : i32
        %dma_start3A_105 = tpu.memref_slice %arg14[%run_scoped3A, %dma_start3A_104] : memref<208x64xf32, #tpu.memory_space<vmem>> -> memref<1x64xf32, #tpu.memory_space<vmem>>
        %dma_start3A_106 = tpu.memref_squeeze %dma_start3A_105 : memref<1x64xf32, #tpu.memory_space<vmem>> -> memref<64xf32, #tpu.memory_space<vmem>>
        %dma_start3A_107 = arith.constant 64 : i32
        %dma_start3A_108 = tpu.memref_slice %arg7[%dma_start3A_107] : memref<128xf32, #tpu.memory_space<hbm>> -> memref<64xf32, #tpu.memory_space<hbm>>
        %dma_start3A_109 = arith.constant 0 : i32
        %dma_start3A_110 = tpu.memref_slice %arg14[%run_scoped3A, %dma_start3A_109] : memref<208x64xf32, #tpu.memory_space<vmem>> -> memref<1x64xf32, #tpu.memory_space<vmem>>
        %dma_start3A_111 = tpu.memref_squeeze %dma_start3A_110 : memref<1x64xf32, #tpu.memory_space<vmem>> -> memref<64xf32, #tpu.memory_space<vmem>>
        %dma_start3A_112 = arith.constant 64 : i32
        %dma_start3A_113 = tpu.memref_slice %arg7[%dma_start3A_112] : memref<128xf32, #tpu.memory_space<hbm>> -> memref<64xf32, #tpu.memory_space<hbm>>
        tpu.enqueue_dma source(%dma_start3A_113 : memref<64xf32, #tpu.memory_space<hbm>>) target(%dma_start3A_111 : memref<64xf32, #tpu.memory_space<vmem>>) target_semaphore(%run_scoped3A_103 : memref<!tpu.dma_semaphore, #tpu.memory_space<semaphore_mem>>)
        %dma_wait3A_114 = arith.constant 0 : i32
        %dma_wait3A_115 = tpu.memref_slice %arg14[%run_scoped3A, %dma_wait3A_114] : memref<208x64xf32, #tpu.memory_space<vmem>> -> memref<1x64xf32, #tpu.memory_space<vmem>>
        %dma_wait3A_116 = tpu.memref_squeeze %dma_wait3A_115 : memref<1x64xf32, #tpu.memory_space<vmem>> -> memref<64xf32, #tpu.memory_space<vmem>>
        %dma_wait3A_117 = arith.constant 64 : i32
        %dma_wait3A_118 = tpu.memref_slice %arg7[%dma_wait3A_117] : memref<128xf32, #tpu.memory_space<hbm>> -> memref<64xf32, #tpu.memory_space<hbm>>
        %dma_wait3A_119 = arith.constant 0 : i32
        %dma_wait3A_120 = tpu.memref_slice %arg14[%run_scoped3A, %dma_wait3A_119] : memref<208x64xf32, #tpu.memory_space<vmem>> -> memref<1x64xf32, #tpu.memory_space<vmem>>
        %dma_wait3A_121 = tpu.memref_squeeze %dma_wait3A_120 : memref<1x64xf32, #tpu.memory_space<vmem>> -> memref<64xf32, #tpu.memory_space<vmem>>
        %dma_wait3A_122 = arith.constant 64 : i32
        %dma_wait3A_123 = tpu.memref_slice %arg7[%dma_wait3A_122] : memref<128xf32, #tpu.memory_space<hbm>> -> memref<64xf32, #tpu.memory_space<hbm>>
        tpu.wait_dma2 semaphore(%run_scoped3A_103 : memref<!tpu.dma_semaphore, #tpu.memory_space<semaphore_mem>>) src(%dma_wait3A_123 : memref<64xf32, #tpu.memory_space<hbm>>) dst(%dma_wait3A_121 : memref<64xf32, #tpu.memory_space<vmem>>)
        tpu.yield
      }) : () -> ()
      %scan3A = arith.constant 0 : i32
      %scan3A_29 = arith.constant 207 : i32
      %scan3A_30 = arith.addi %scan3A, %scan3A_29 : i32
      %scan3A_31 = arith.constant 1 : i32
      scf.for %scan3A_103 = %scan3A to %scan3A_30 step %scan3A_31  : i32 {
        %mul3A_104 = arith.constant 1 : i32
        %mul3A_105 = arith.muli %scan3A_103, %mul3A_104 : i32
        %add3A = arith.constant 1 : i32
        %add3A_106 = arith.addi %add3A, %mul3A_105 : i32
        %get3A = arith.constant 0 : i32
        %get3A_107 = arith.index_cast %get3A : i32 to index
        %get3A_108 = arith.constant 0 : index
        %get3A_109 = tpu.vector_load %arg14[%get3A_107, %get3A_108] {strides = array<i32>} : memref<208x64xf32, #tpu.memory_space<vmem>>, vector<16xf32>,
        %swap3A = arith.index_cast %add3A_106 : i32 to index
        %swap3A_110 = arith.constant 0 : index
        %swap3A_111 = tpu.vector_load %arg14[%swap3A, %swap3A_110] {strides = array<i32>} : memref<208x64xf32, #tpu.memory_space<vmem>>, vector<16xf32>,
        tpu.vector_store %arg14[%swap3A, %swap3A_110], %get3A_109 {strides = array<i32>} : memref<208x64xf32, #tpu.memory_space<vmem>>, vector<16xf32>,
        %get3A_112 = arith.constant 0 : i32
        %get3A_113 = arith.index_cast %get3A_112 : i32 to index
        %get3A_114 = arith.constant 16 : index
        %get3A_115 = tpu.vector_load %arg14[%get3A_113, %get3A_114] {strides = array<i32>} : memref<208x64xf32, #tpu.memory_space<vmem>>, vector<16xf32>,
        %swap3A_116 = arith.index_cast %add3A_106 : i32 to index
        %swap3A_117 = arith.constant 16 : index
        %swap3A_118 = tpu.vector_load %arg14[%swap3A_116, %swap3A_117] {strides = array<i32>} : memref<208x64xf32, #tpu.memory_space<vmem>>, vector<16xf32>,
        tpu.vector_store %arg14[%swap3A_116, %swap3A_117], %get3A_115 {strides = array<i32>} : memref<208x64xf32, #tpu.memory_space<vmem>>, vector<16xf32>,
        %get3A_119 = arith.constant 0 : i32
        %get3A_120 = arith.index_cast %get3A_119 : i32 to index
        %get3A_121 = arith.constant 32 : index
        %get3A_122 = tpu.vector_load %arg14[%get3A_120, %get3A_121] {strides = array<i32>} : memref<208x64xf32, #tpu.memory_space<vmem>>, vector<16xf32>,
        %swap3A_123 = arith.index_cast %add3A_106 : i32 to index
        %swap3A_124 = arith.constant 32 : index
        %swap3A_125 = tpu.vector_load %arg14[%swap3A_123, %swap3A_124] {strides = array<i32>} : memref<208x64xf32, #tpu.memory_space<vmem>>, vector<16xf32>,
        tpu.vector_store %arg14[%swap3A_123, %swap3A_124], %get3A_122 {strides = array<i32>} : memref<208x64xf32, #tpu.memory_space<vmem>>, vector<16xf32>,
        %get3A_126 = arith.constant 0 : i32
        %get3A_127 = arith.index_cast %get3A_126 : i32 to index
        %get3A_128 = arith.constant 48 : index
        %get3A_129 = tpu.vector_load %arg14[%get3A_127, %get3A_128] {strides = array<i32>} : memref<208x64xf32, #tpu.memory_space<vmem>>, vector<16xf32>,
        %swap3A_130 = arith.index_cast %add3A_106 : i32 to index
        %swap3A_131 = arith.constant 48 : index
        %swap3A_132 = tpu.vector_load %arg14[%swap3A_130, %swap3A_131] {strides = array<i32>} : memref<208x64xf32, #tpu.memory_space<vmem>>, vector<16xf32>,
        tpu.vector_store %arg14[%swap3A_130, %swap3A_131], %get3A_129 {strides = array<i32>} : memref<208x64xf32, #tpu.memory_space<vmem>>, vector<16xf32>,
      }
      %scan3A_32 = arith.constant 207 : i32
      %scan3A_33 = arith.constant 0 : i32
      %scan3A_34 = arith.constant 3 : i32
      %scan3A_35 = arith.addi %scan3A_33, %scan3A_34 : i32
      %scan3A_36 = arith.constant 1 : i32
      scf.for %scan3A_103 = %scan3A_33 to %scan3A_35 step %scan3A_36  : i32 {
        %mul3A_104 = arith.constant 1 : i32
        %mul3A_105 = arith.muli %scan3A_103, %mul3A_104 : i32
        %add3A = arith.constant 0 : i32
        %add3A_106 = arith.addi %add3A, %mul3A_105 : i32
        %mul3A_107 = arith.constant 208 : i32
        %mul3A_108 = arith.muli %add3A_106, %mul3A_107 : i32
        %add3A_109 = arith.addi %mul3A_7, %mul3A_108 : i32
        "tpu.region"() ({
          %run_scoped3A_110 = tpu.sem_alloc : memref<!tpu.dma_semaphore, #tpu.memory_space<semaphore_mem>>
          %dma_start3A_111 = arith.constant 0 : i32
          %dma_start3A_112 = tpu.memref_slice %arg15[%add3A_109, %dma_start3A_111] : memref<10000x64xf32, #tpu.memory_space<vmem_shared>> -> memref<208x64xf32, #tpu.memory_space<vmem_shared>>
          %dma_start3A_113 = arith.constant 0 : i32
          %dma_start3A_114 = tpu.memref_slice %arg15[%add3A_109, %dma_start3A_113] : memref<10000x64xf32, #tpu.memory_space<vmem_shared>> -> memref<208x64xf32, #tpu.memory_space<vmem_shared>>
          tpu.enqueue_dma source(%arg14 : memref<208x64xf32, #tpu.memory_space<vmem>>) target(%dma_start3A_114 : memref<208x64xf32, #tpu.memory_space<vmem_shared>>) target_semaphore(%run_scoped3A_110 : memref<!tpu.dma_semaphore, #tpu.memory_space<semaphore_mem>>)
          %dma_wait3A_115 = arith.constant 0 : i32
          %dma_wait3A_116 = tpu.memref_slice %arg15[%add3A_109, %dma_wait3A_115] : memref<10000x64xf32, #tpu.memory_space<vmem_shared>> -> memref<208x64xf32, #tpu.memory_space<vmem_shared>>
          %dma_wait3A_117 = arith.constant 0 : i32
          %dma_wait3A_118 = tpu.memref_slice %arg15[%add3A_109, %dma_wait3A_117] : memref<10000x64xf32, #tpu.memory_space<vmem_shared>> -> memref<208x64xf32, #tpu.memory_space<vmem_shared>>
          tpu.wait_dma2 semaphore(%run_scoped3A_110 : memref<!tpu.dma_semaphore, #tpu.memory_space<semaphore_mem>>) src(%arg14 : memref<208x64xf32, #tpu.memory_space<vmem>>) dst(%dma_wait3A_118 : memref<208x64xf32, #tpu.memory_space<vmem_shared>>)
          tpu.yield
        }) : () -> ()
      }
      %scan3A_37 = arith.constant 3 : i32
      %eq3A_38 = arith.constant 0 : i32
      %eq3A_39 = arith.cmpi eq, %arg1, %eq3A_38 : i32
      %convert_element_type3A_40 = arith.extui %eq3A_39 : i1 to i32
      %cond3A_41 = arith.constant 0 : i32
      %cond3A_42 = arith.cmpi ne, %convert_element_type3A_40, %cond3A_41 : i32
      scf.if %cond3A_42 {
        "tpu.region"() ({
          %run_scoped3A_103 = tpu.sem_alloc : memref<!tpu.dma_semaphore, #tpu.memory_space<semaphore_mem>>
          %dma_start3A_104 = arith.constant 0 : i32
          %dma_start3A_105 = arith.constant 0 : i32
          %dma_start3A_106 = tpu.memref_slice %arg14[%dma_start3A_104, %dma_start3A_105] : memref<208x64xf32, #tpu.memory_space<vmem>> -> memref<16x64xf32, #tpu.memory_space<vmem>>
          %dma_start3A_107 = arith.constant 9984 : i32
          %dma_start3A_108 = arith.constant 0 : i32
          %dma_start3A_109 = tpu.memref_slice %arg15[%dma_start3A_107, %dma_start3A_108] : memref<10000x64xf32, #tpu.memory_space<vmem_shared>> -> memref<16x64xf32, #tpu.memory_space<vmem_shared>>
          %dma_start3A_110 = arith.constant 9984 : i32
          %dma_start3A_111 = arith.constant 0 : i32
          %dma_start3A_112 = tpu.memref_slice %arg15[%dma_start3A_110, %dma_start3A_111] : memref<10000x64xf32, #tpu.memory_space<vmem_shared>> -> memref<16x64xf32, #tpu.memory_space<vmem_shared>>
          %dma_start3A_113 = arith.constant 0 : i32
          %dma_start3A_114 = arith.constant 0 : i32
          %dma_start3A_115 = tpu.memref_slice %arg14[%dma_start3A_113, %dma_start3A_114] : memref<208x64xf32, #tpu.memory_space<vmem>> -> memref<16x64xf32, #tpu.memory_space<vmem>>
          tpu.enqueue_dma source(%dma_start3A_115 : memref<16x64xf32, #tpu.memory_space<vmem>>) target(%dma_start3A_112 : memref<16x64xf32, #tpu.memory_space<vmem_shared>>) target_semaphore(%run_scoped3A_103 : memref<!tpu.dma_semaphore, #tpu.memory_space<semaphore_mem>>)
          %dma_wait3A_116 = arith.constant 0 : i32
          %dma_wait3A_117 = arith.constant 0 : i32
          %dma_wait3A_118 = tpu.memref_slice %arg14[%dma_wait3A_116, %dma_wait3A_117] : memref<208x64xf32, #tpu.memory_space<vmem>> -> memref<16x64xf32, #tpu.memory_space<vmem>>
          %dma_wait3A_119 = arith.constant 9984 : i32
          %dma_wait3A_120 = arith.constant 0 : i32
          %dma_wait3A_121 = tpu.memref_slice %arg15[%dma_wait3A_119, %dma_wait3A_120] : memref<10000x64xf32, #tpu.memory_space<vmem_shared>> -> memref<16x64xf32, #tpu.memory_space<vmem_shared>>
          %dma_wait3A_122 = arith.constant 9984 : i32
          %dma_wait3A_123 = arith.constant 0 : i32
          %dma_wait3A_124 = tpu.memref_slice %arg15[%dma_wait3A_122, %dma_wait3A_123] : memref<10000x64xf32, #tpu.memory_space<vmem_shared>> -> memref<16x64xf32, #tpu.memory_space<vmem_shared>>
          %dma_wait3A_125 = arith.constant 0 : i32
          %dma_wait3A_126 = arith.constant 0 : i32
          %dma_wait3A_127 = tpu.memref_slice %arg14[%dma_wait3A_125, %dma_wait3A_126] : memref<208x64xf32, #tpu.memory_space<vmem>> -> memref<16x64xf32, #tpu.memory_space<vmem>>
          tpu.wait_dma2 semaphore(%run_scoped3A_103 : memref<!tpu.dma_semaphore, #tpu.memory_space<semaphore_mem>>) src(%dma_wait3A_127 : memref<16x64xf32, #tpu.memory_space<vmem>>) dst(%dma_wait3A_124 : memref<16x64xf32, #tpu.memory_space<vmem_shared>>)
          tpu.yield
        }) : () -> ()
      } else {
      }
      %dma_wait3A = arith.constant 0 : i32
      %dma_wait3A_43 = arith.constant 0 : i32
      %dma_wait3A_44 = tpu.memref_slice %arg4[%arg1, %dma_wait3A, %dma_wait3A_43] : memref<16x250x80xi32, #tpu.memory_space<hbm>> -> memref<1x250x80xi32, #tpu.memory_space<hbm>>
      %dma_wait3A_45 = tpu.memref_squeeze %dma_wait3A_44 : memref<1x250x80xi32, #tpu.memory_space<hbm>> -> memref<250x80xi32, #tpu.memory_space<hbm>>
      %dma_wait3A_46 = arith.constant 0 : i32
      %dma_wait3A_47 = arith.constant 0 : i32
      %dma_wait3A_48 = tpu.memref_slice %arg4[%arg1, %dma_wait3A_46, %dma_wait3A_47] : memref<16x250x80xi32, #tpu.memory_space<hbm>> -> memref<1x250x80xi32, #tpu.memory_space<hbm>>
      %dma_wait3A_49 = tpu.memref_squeeze %dma_wait3A_48 : memref<1x250x80xi32, #tpu.memory_space<hbm>> -> memref<250x80xi32, #tpu.memory_space<hbm>>
      tpu.wait_dma2 semaphore(%arg17 : memref<!tpu.dma_semaphore, #tpu.memory_space<semaphore_mem>>) src(%dma_wait3A_49 : memref<250x80xi32, #tpu.memory_space<hbm>>) dst(%arg9 : memref<250x80xi32, #tpu.memory_space<vmem>>)
      %dma_wait3A_50 = arith.constant 0 : i32
      %dma_wait3A_51 = arith.constant 0 : i32
      %dma_wait3A_52 = tpu.memref_slice %arg5[%arg1, %dma_wait3A_50, %dma_wait3A_51] : memref<16x250x80xi32, #tpu.memory_space<hbm>> -> memref<1x250x80xi32, #tpu.memory_space<hbm>>
      %dma_wait3A_53 = tpu.memref_squeeze %dma_wait3A_52 : memref<1x250x80xi32, #tpu.memory_space<hbm>> -> memref<250x80xi32, #tpu.memory_space<hbm>>
      %dma_wait3A_54 = arith.constant 0 : i32
      %dma_wait3A_55 = arith.constant 0 : i32
      %dma_wait3A_56 = tpu.memref_slice %arg5[%arg1, %dma_wait3A_54, %dma_wait3A_55] : memref<16x250x80xi32, #tpu.memory_space<hbm>> -> memref<1x250x80xi32, #tpu.memory_space<hbm>>
      %dma_wait3A_57 = tpu.memref_squeeze %dma_wait3A_56 : memref<1x250x80xi32, #tpu.memory_space<hbm>> -> memref<250x80xi32, #tpu.memory_space<hbm>>
      tpu.wait_dma2 semaphore(%arg18 : memref<!tpu.dma_semaphore, #tpu.memory_space<semaphore_mem>>) src(%dma_wait3A_57 : memref<250x80xi32, #tpu.memory_space<hbm>>) dst(%arg10 : memref<250x80xi32, #tpu.memory_space<vmem>>)
      %dma_wait3A_58 = arith.constant 0 : i32
      %dma_wait3A_59 = tpu.memref_slice %arg6[%arg1, %dma_wait3A_58] : memref<16x20000xf32, #tpu.memory_space<hbm>> -> memref<1x20000xf32, #tpu.memory_space<hbm>>
      %dma_wait3A_60 = tpu.memref_squeeze %dma_wait3A_59 : memref<1x20000xf32, #tpu.memory_space<hbm>> -> memref<20000xf32, #tpu.memory_space<hbm>>
      %dma_wait3A_61 = arith.constant 0 : i32
      %dma_wait3A_62 = tpu.memref_slice %arg6[%arg1, %dma_wait3A_61] : memref<16x20000xf32, #tpu.memory_space<hbm>> -> memref<1x20000xf32, #tpu.memory_space<hbm>>
      %dma_wait3A_63 = tpu.memref_squeeze %dma_wait3A_62 : memref<1x20000xf32, #tpu.memory_space<hbm>> -> memref<20000xf32, #tpu.memory_space<hbm>>
      tpu.wait_dma2 semaphore(%arg17 : memref<!tpu.dma_semaphore, #tpu.memory_space<semaphore_mem>>) src(%dma_wait3A_63 : memref<20000xf32, #tpu.memory_space<hbm>>) dst(%arg11 : memref<20000xf32, #tpu.memory_space<vmem>>)
      %barrier3A = arith.constant 0 : index
      tpu.barrier barrier_id(%barrier3A)
      %dma_start3A_64 = arith.constant 0 : i32
      %dma_start3A_65 = arith.constant 0 : i32
      %dma_start3A_66 = tpu.memref_slice %arg9[%dma_start3A_64, %dma_start3A_65] : memref<250x80xi32, #tpu.memory_space<vmem>> -> memref<1x80xi32, #tpu.memory_space<vmem>>
      %dma_start3A_67 = tpu.memref_squeeze %dma_start3A_66 : memref<1x80xi32, #tpu.memory_space<vmem>> -> memref<80xi32, #tpu.memory_space<vmem>>
      %dma_start3A_68 = arith.constant 0 : i32
      %dma_start3A_69 = arith.constant 0 : i32
      %dma_start3A_70 = tpu.memref_slice %arg3[%dma_start3A_68, %dma_start3A_69] : memref<10000x64xf32, #tpu.memory_space<hbm>> -> memref<10000x64xf32, #tpu.memory_space<hbm>>
      tpu.enqueue_indirect_dma source(%dma_start3A_70 : memref<10000x64xf32, #tpu.memory_space<hbm>>) target(%arg12 : memref<80x64xf32, #tpu.memory_space<vmem>>) offsets(%dma_start3A_67 : memref<80xi32, #tpu.memory_space<vmem>>) semaphore(%arg16 : memref<!tpu.dma_semaphore, #tpu.memory_space<semaphore_mem>>)
      %dma_start3A_71 = arith.constant 1 : i32
      %dma_start3A_72 = arith.constant 0 : i32
      %dma_start3A_73 = tpu.memref_slice %arg9[%dma_start3A_71, %dma_start3A_72] : memref<250x80xi32, #tpu.memory_space<vmem>> -> memref<1x80xi32, #tpu.memory_space<vmem>>
      %dma_start3A_74 = tpu.memref_squeeze %dma_start3A_73 : memref<1x80xi32, #tpu.memory_space<vmem>> -> memref<80xi32, #tpu.memory_space<vmem>>
      %dma_start3A_75 = arith.constant 0 : i32
      %dma_start3A_76 = arith.constant 0 : i32
      %dma_start3A_77 = tpu.memref_slice %arg3[%dma_start3A_75, %dma_start3A_76] : memref<10000x64xf32, #tpu.memory_space<hbm>> -> memref<10000x64xf32, #tpu.memory_space<hbm>>
      tpu.enqueue_indirect_dma source(%dma_start3A_77 : memref<10000x64xf32, #tpu.memory_space<hbm>>) target(%arg13 : memref<80x64xf32, #tpu.memory_space<vmem>>) offsets(%dma_start3A_74 : memref<80xi32, #tpu.memory_space<vmem>>) semaphore(%arg17 : memref<!tpu.dma_semaphore, #tpu.memory_space<semaphore_mem>>)
      %scan3A_78 = arith.constant 0 : i32
      %scan3A_79 = arith.constant 125 : i32
      %scan3A_80 = arith.addi %scan3A_78, %scan3A_79 : i32
      %scan3A_81 = arith.constant 1 : i32
      scf.for %scan3A_103 = %scan3A_78 to %scan3A_80 step %scan3A_81  : i32 {
        %mul3A_104 = arith.constant 2 : i32
        %mul3A_105 = arith.muli %scan3A_103, %mul3A_104 : i32
        %add3A = arith.constant 0 : i32
        %add3A_106 = arith.addi %add3A, %mul3A_105 : i32
        %dma_wait3A_107 = arith.constant 0 : i32
        %dma_wait3A_108 = arith.constant 0 : i32
        %dma_wait3A_109 = tpu.memref_slice %arg3[%dma_wait3A_107, %dma_wait3A_108] : memref<10000x64xf32, #tpu.memory_space<hbm>> -> memref<80x64xf32, #tpu.memory_space<hbm>>
        %dma_wait3A_110 = arith.constant 0 : i32
        %dma_wait3A_111 = arith.constant 0 : i32
        %dma_wait3A_112 = tpu.memref_slice %arg3[%dma_wait3A_110, %dma_wait3A_111] : memref<10000x64xf32, #tpu.memory_space<hbm>> -> memref<80x64xf32, #tpu.memory_space<hbm>>
        tpu.wait_dma2 semaphore(%arg16 : memref<!tpu.dma_semaphore, #tpu.memory_space<semaphore_mem>>) src(%dma_wait3A_112 : memref<80x64xf32, #tpu.memory_space<hbm>>) dst(%arg12 : memref<80x64xf32, #tpu.memory_space<vmem>>)
        %mul3A_113 = arith.constant 80 : i32
        %mul3A_114 = arith.muli %add3A_106, %mul3A_113 : i32
        %parallel_loop3A = arith.constant 0 : i32
        %parallel_loop3A_115 = arith.constant 80 : i32
        %parallel_loop3A_116 = arith.constant 1 : i32
        scf.for %parallel_loop3A_175 = %parallel_loop3A to %parallel_loop3A_115 step %parallel_loop3A_116  : i32 {
          %parallel_loop3A_176 = arith.addi %mul3A_114, %parallel_loop3A_175 : i32
          %parallel_loop3A_177 = vector.broadcast %parallel_loop3A_176 : i32 to vector<16xi32>
          %parallel_loop3A_178 = tpu.vector_load_idx %arg11[%parallel_loop3A_177] : memref<20000xf32, #tpu.memory_space<vmem>>[vector<16xi32>], vector<16xf32>,
          %parallel_loop3A_179 = arith.index_cast %parallel_loop3A_175 : i32 to index
          %parallel_loop3A_180 = arith.constant 0 : index
          %parallel_loop3A_181 = tpu.vector_load %arg12[%parallel_loop3A_179, %parallel_loop3A_180] {strides = array<i32>} : memref<80x64xf32, #tpu.memory_space<vmem>>, vector<16xf32>,
          %parallel_loop3A_182 = arith.mulf %parallel_loop3A_181, %parallel_loop3A_178 : vector<16xf32>
          %parallel_loop3A_183 = arith.index_cast %parallel_loop3A_175 : i32 to index
          %parallel_loop3A_184 = arith.constant 0 : index
          %parallel_loop3A_185 = tpu.vector_load %arg12[%parallel_loop3A_183, %parallel_loop3A_184] {strides = array<i32>} : memref<80x64xf32, #tpu.memory_space<vmem>>, vector<16xf32>,
          tpu.vector_store %arg12[%parallel_loop3A_183, %parallel_loop3A_184], %parallel_loop3A_182 {strides = array<i32>} : memref<80x64xf32, #tpu.memory_space<vmem>>, vector<16xf32>,
          %parallel_loop3A_186 = arith.index_cast %parallel_loop3A_175 : i32 to index
          %parallel_loop3A_187 = arith.constant 16 : index
          %parallel_loop3A_188 = tpu.vector_load %arg12[%parallel_loop3A_186, %parallel_loop3A_187] {strides = array<i32>} : memref<80x64xf32, #tpu.memory_space<vmem>>, vector<16xf32>,
          %parallel_loop3A_189 = arith.mulf %parallel_loop3A_188, %parallel_loop3A_178 : vector<16xf32>
          %parallel_loop3A_190 = arith.index_cast %parallel_loop3A_175 : i32 to index
          %parallel_loop3A_191 = arith.constant 16 : index
          %parallel_loop3A_192 = tpu.vector_load %arg12[%parallel_loop3A_190, %parallel_loop3A_191] {strides = array<i32>} : memref<80x64xf32, #tpu.memory_space<vmem>>, vector<16xf32>,
          tpu.vector_store %arg12[%parallel_loop3A_190, %parallel_loop3A_191], %parallel_loop3A_189 {strides = array<i32>} : memref<80x64xf32, #tpu.memory_space<vmem>>, vector<16xf32>,
          %parallel_loop3A_193 = arith.index_cast %parallel_loop3A_175 : i32 to index
          %parallel_loop3A_194 = arith.constant 32 : index
          %parallel_loop3A_195 = tpu.vector_load %arg12[%parallel_loop3A_193, %parallel_loop3A_194] {strides = array<i32>} : memref<80x64xf32, #tpu.memory_space<vmem>>, vector<16xf32>,
          %parallel_loop3A_196 = arith.mulf %parallel_loop3A_195, %parallel_loop3A_178 : vector<16xf32>
          %parallel_loop3A_197 = arith.index_cast %parallel_loop3A_175 : i32 to index
          %parallel_loop3A_198 = arith.constant 32 : index
          %parallel_loop3A_199 = tpu.vector_load %arg12[%parallel_loop3A_197, %parallel_loop3A_198] {strides = array<i32>} : memref<80x64xf32, #tpu.memory_space<vmem>>, vector<16xf32>,
          tpu.vector_store %arg12[%parallel_loop3A_197, %parallel_loop3A_198], %parallel_loop3A_196 {strides = array<i32>} : memref<80x64xf32, #tpu.memory_space<vmem>>, vector<16xf32>,
          %parallel_loop3A_200 = arith.index_cast %parallel_loop3A_175 : i32 to index
          %parallel_loop3A_201 = arith.constant 48 : index
          %parallel_loop3A_202 = tpu.vector_load %arg12[%parallel_loop3A_200, %parallel_loop3A_201] {strides = array<i32>} : memref<80x64xf32, #tpu.memory_space<vmem>>, vector<16xf32>,
          %parallel_loop3A_203 = arith.mulf %parallel_loop3A_202, %parallel_loop3A_178 : vector<16xf32>
          %parallel_loop3A_204 = arith.index_cast %parallel_loop3A_175 : i32 to index
          %parallel_loop3A_205 = arith.constant 48 : index
          %parallel_loop3A_206 = tpu.vector_load %arg12[%parallel_loop3A_204, %parallel_loop3A_205] {strides = array<i32>} : memref<80x64xf32, #tpu.memory_space<vmem>>, vector<16xf32>,
          tpu.vector_store %arg12[%parallel_loop3A_204, %parallel_loop3A_205], %parallel_loop3A_203 {strides = array<i32>} : memref<80x64xf32, #tpu.memory_space<vmem>>, vector<16xf32>,
        } {sc.loop_unroll_factor = 8 : i64, sc.parallel_access}
        %dma_start3A_117 = arith.constant 0 : i32
        %dma_start3A_118 = tpu.memref_slice %arg10[%add3A_106, %dma_start3A_117] : memref<250x80xi32, #tpu.memory_space<vmem>> -> memref<1x80xi32, #tpu.memory_space<vmem>>
        %dma_start3A_119 = tpu.memref_squeeze %dma_start3A_118 : memref<1x80xi32, #tpu.memory_space<vmem>> -> memref<80xi32, #tpu.memory_space<vmem>>
        %dma_start3A_120 = arith.constant 0 : i32
        %dma_start3A_121 = arith.constant 0 : i32
        %dma_start3A_122 = tpu.memref_slice %arg15[%dma_start3A_120, %dma_start3A_121] : memref<10000x64xf32, #tpu.memory_space<vmem_shared>> -> memref<10000x64xf32, #tpu.memory_space<vmem_shared>>
        tpu.enqueue_indirect_dma source(%arg12 : memref<80x64xf32, #tpu.memory_space<vmem>>) target(%dma_start3A_122 : memref<10000x64xf32, #tpu.memory_space<vmem_shared>>) offsets(%dma_start3A_119 : memref<80xi32, #tpu.memory_space<vmem>>) semaphore(%arg18 : memref<!tpu.dma_semaphore, #tpu.memory_space<semaphore_mem>>) {add = true}
        %dma_wait3A_123 = arith.constant 0 : i32
        %dma_wait3A_124 = arith.constant 0 : i32
        %dma_wait3A_125 = tpu.memref_slice %arg3[%dma_wait3A_123, %dma_wait3A_124] : memref<10000x64xf32, #tpu.memory_space<hbm>> -> memref<80x64xf32, #tpu.memory_space<hbm>>
        %dma_wait3A_126 = arith.constant 0 : i32
        %dma_wait3A_127 = arith.constant 0 : i32
        %dma_wait3A_128 = tpu.memref_slice %arg3[%dma_wait3A_126, %dma_wait3A_127] : memref<10000x64xf32, #tpu.memory_space<hbm>> -> memref<80x64xf32, #tpu.memory_space<hbm>>
        tpu.wait_dma2 semaphore(%arg17 : memref<!tpu.dma_semaphore, #tpu.memory_space<semaphore_mem>>) src(%dma_wait3A_128 : memref<80x64xf32, #tpu.memory_space<hbm>>) dst(%arg13 : memref<80x64xf32, #tpu.memory_space<vmem>>)
        %add3A_129 = arith.constant 1 : i32
        %add3A_130 = arith.addi %add3A_106, %add3A_129 : i32
        %mul3A_131 = arith.constant 80 : i32
        %mul3A_132 = arith.muli %add3A_130, %mul3A_131 : i32
        %parallel_loop3A_133 = arith.constant 0 : i32
        %parallel_loop3A_134 = arith.constant 80 : i32
        %parallel_loop3A_135 = arith.constant 1 : i32
        scf.for %parallel_loop3A_175 = %parallel_loop3A_133 to %parallel_loop3A_134 step %parallel_loop3A_135  : i32 {
          %parallel_loop3A_176 = arith.addi %mul3A_132, %parallel_loop3A_175 : i32
          %parallel_loop3A_177 = vector.broadcast %parallel_loop3A_176 : i32 to vector<16xi32>
          %parallel_loop3A_178 = tpu.vector_load_idx %arg11[%parallel_loop3A_177] : memref<20000xf32, #tpu.memory_space<vmem>>[vector<16xi32>], vector<16xf32>,
          %parallel_loop3A_179 = arith.index_cast %parallel_loop3A_175 : i32 to index
          %parallel_loop3A_180 = arith.constant 0 : index
          %parallel_loop3A_181 = tpu.vector_load %arg13[%parallel_loop3A_179, %parallel_loop3A_180] {strides = array<i32>} : memref<80x64xf32, #tpu.memory_space<vmem>>, vector<16xf32>,
          %parallel_loop3A_182 = arith.mulf %parallel_loop3A_181, %parallel_loop3A_178 : vector<16xf32>
          %parallel_loop3A_183 = arith.index_cast %parallel_loop3A_175 : i32 to index
          %parallel_loop3A_184 = arith.constant 0 : index
          %parallel_loop3A_185 = tpu.vector_load %arg13[%parallel_loop3A_183, %parallel_loop3A_184] {strides = array<i32>} : memref<80x64xf32, #tpu.memory_space<vmem>>, vector<16xf32>,
          tpu.vector_store %arg13[%parallel_loop3A_183, %parallel_loop3A_184], %parallel_loop3A_182 {strides = array<i32>} : memref<80x64xf32, #tpu.memory_space<vmem>>, vector<16xf32>,
          %parallel_loop3A_186 = arith.index_cast %parallel_loop3A_175 : i32 to index
          %parallel_loop3A_187 = arith.constant 16 : index
          %parallel_loop3A_188 = tpu.vector_load %arg13[%parallel_loop3A_186, %parallel_loop3A_187] {strides = array<i32>} : memref<80x64xf32, #tpu.memory_space<vmem>>, vector<16xf32>,
          %parallel_loop3A_189 = arith.mulf %parallel_loop3A_188, %parallel_loop3A_178 : vector<16xf32>
          %parallel_loop3A_190 = arith.index_cast %parallel_loop3A_175 : i32 to index
          %parallel_loop3A_191 = arith.constant 16 : index
          %parallel_loop3A_192 = tpu.vector_load %arg13[%parallel_loop3A_190, %parallel_loop3A_191] {strides = array<i32>} : memref<80x64xf32, #tpu.memory_space<vmem>>, vector<16xf32>,
          tpu.vector_store %arg13[%parallel_loop3A_190, %parallel_loop3A_191], %parallel_loop3A_189 {strides = array<i32>} : memref<80x64xf32, #tpu.memory_space<vmem>>, vector<16xf32>,
          %parallel_loop3A_193 = arith.index_cast %parallel_loop3A_175 : i32 to index
          %parallel_loop3A_194 = arith.constant 32 : index
          %parallel_loop3A_195 = tpu.vector_load %arg13[%parallel_loop3A_193, %parallel_loop3A_194] {strides = array<i32>} : memref<80x64xf32, #tpu.memory_space<vmem>>, vector<16xf32>,
          %parallel_loop3A_196 = arith.mulf %parallel_loop3A_195, %parallel_loop3A_178 : vector<16xf32>
          %parallel_loop3A_197 = arith.index_cast %parallel_loop3A_175 : i32 to index
          %parallel_loop3A_198 = arith.constant 32 : index
          %parallel_loop3A_199 = tpu.vector_load %arg13[%parallel_loop3A_197, %parallel_loop3A_198] {strides = array<i32>} : memref<80x64xf32, #tpu.memory_space<vmem>>, vector<16xf32>,
          tpu.vector_store %arg13[%parallel_loop3A_197, %parallel_loop3A_198], %parallel_loop3A_196 {strides = array<i32>} : memref<80x64xf32, #tpu.memory_space<vmem>>, vector<16xf32>,
          %parallel_loop3A_200 = arith.index_cast %parallel_loop3A_175 : i32 to index
          %parallel_loop3A_201 = arith.constant 48 : index
          %parallel_loop3A_202 = tpu.vector_load %arg13[%parallel_loop3A_200, %parallel_loop3A_201] {strides = array<i32>} : memref<80x64xf32, #tpu.memory_space<vmem>>, vector<16xf32>,
          %parallel_loop3A_203 = arith.mulf %parallel_loop3A_202, %parallel_loop3A_178 : vector<16xf32>
          %parallel_loop3A_204 = arith.index_cast %parallel_loop3A_175 : i32 to index
          %parallel_loop3A_205 = arith.constant 48 : index
          %parallel_loop3A_206 = tpu.vector_load %arg13[%parallel_loop3A_204, %parallel_loop3A_205] {strides = array<i32>} : memref<80x64xf32, #tpu.memory_space<vmem>>, vector<16xf32>,
          tpu.vector_store %arg13[%parallel_loop3A_204, %parallel_loop3A_205], %parallel_loop3A_203 {strides = array<i32>} : memref<80x64xf32, #tpu.memory_space<vmem>>, vector<16xf32>,
        } {sc.loop_unroll_factor = 8 : i64, sc.parallel_access}
        %add3A_136 = arith.constant 1 : i32
        %add3A_137 = arith.addi %add3A_106, %add3A_136 : i32
        %dma_start3A_138 = arith.constant 0 : i32
        %dma_start3A_139 = tpu.memref_slice %arg10[%add3A_137, %dma_start3A_138] : memref<250x80xi32, #tpu.memory_space<vmem>> -> memref<1x80xi32, #tpu.memory_space<vmem>>
        %dma_start3A_140 = tpu.memref_squeeze %dma_start3A_139 : memref<1x80xi32, #tpu.memory_space<vmem>> -> memref<80xi32, #tpu.memory_space<vmem>>
        %dma_start3A_141 = arith.constant 0 : i32
        %dma_start3A_142 = arith.constant 0 : i32
        %dma_start3A_143 = tpu.memref_slice %arg15[%dma_start3A_141, %dma_start3A_142] : memref<10000x64xf32, #tpu.memory_space<vmem_shared>> -> memref<10000x64xf32, #tpu.memory_space<vmem_shared>>
        tpu.enqueue_indirect_dma source(%arg13 : memref<80x64xf32, #tpu.memory_space<vmem>>) target(%dma_start3A_143 : memref<10000x64xf32, #tpu.memory_space<vmem_shared>>) offsets(%dma_start3A_140 : memref<80xi32, #tpu.memory_space<vmem>>) semaphore(%arg19 : memref<!tpu.dma_semaphore, #tpu.memory_space<semaphore_mem>>) {add = true}
        %dma_wait3A_144 = arith.constant 0 : i32
        %dma_wait3A_145 = tpu.memref_slice %arg10[%add3A_106, %dma_wait3A_144] : memref<250x80xi32, #tpu.memory_space<vmem>> -> memref<1x80xi32, #tpu.memory_space<vmem>>
        %dma_wait3A_146 = tpu.memref_squeeze %dma_wait3A_145 : memref<1x80xi32, #tpu.memory_space<vmem>> -> memref<80xi32, #tpu.memory_space<vmem>>
        %dma_wait3A_147 = arith.constant 0 : i32
        %dma_wait3A_148 = arith.constant 0 : i32
        %dma_wait3A_149 = tpu.memref_slice %arg15[%dma_wait3A_147, %dma_wait3A_148] : memref<10000x64xf32, #tpu.memory_space<vmem_shared>> -> memref<10000x64xf32, #tpu.memory_space<vmem_shared>>
        tpu.wait_indirect_dma semaphore(%arg18 : memref<!tpu.dma_semaphore, #tpu.memory_space<semaphore_mem>>) src(%arg12 : memref<80x64xf32, #tpu.memory_space<vmem>>) dst(%dma_wait3A_149 : memref<10000x64xf32, #tpu.memory_space<vmem_shared>>)
        %add3A_150 = arith.constant 2 : i32
        %add3A_151 = arith.addi %add3A_106, %add3A_150 : i32
        %min3A = arith.constant 249 : i32
        %min3A_152 = arith.minsi %add3A_151, %min3A : i32
        %dma_start3A_153 = arith.constant 0 : i32
        %dma_start3A_154 = tpu.memref_slice %arg9[%min3A_152, %dma_start3A_153] : memref<250x80xi32, #tpu.memory_space<vmem>> -> memref<1x80xi32, #tpu.memory_space<vmem>>
        %dma_start3A_155 = tpu.memref_squeeze %dma_start3A_154 : memref<1x80xi32, #tpu.memory_space<vmem>> -> memref<80xi32, #tpu.memory_space<vmem>>
        %dma_start3A_156 = arith.constant 0 : i32
        %dma_start3A_157 = arith.constant 0 : i32
        %dma_start3A_158 = tpu.memref_slice %arg3[%dma_start3A_156, %dma_start3A_157] : memref<10000x64xf32, #tpu.memory_space<hbm>> -> memref<10000x64xf32, #tpu.memory_space<hbm>>
        tpu.enqueue_indirect_dma source(%dma_start3A_158 : memref<10000x64xf32, #tpu.memory_space<hbm>>) target(%arg12 : memref<80x64xf32, #tpu.memory_space<vmem>>) offsets(%dma_start3A_155 : memref<80xi32, #tpu.memory_space<vmem>>) semaphore(%arg16 : memref<!tpu.dma_semaphore, #tpu.memory_space<semaphore_mem>>)
        %dma_wait3A_159 = arith.constant 0 : i32
        %dma_wait3A_160 = tpu.memref_slice %arg10[%add3A_137, %dma_wait3A_159] : memref<250x80xi32, #tpu.memory_space<vmem>> -> memref<1x80xi32, #tpu.memory_space<vmem>>
        %dma_wait3A_161 = tpu.memref_squeeze %dma_wait3A_160 : memref<1x80xi32, #tpu.memory_space<vmem>> -> memref<80xi32, #tpu.memory_space<vmem>>
        %dma_wait3A_162 = arith.constant 0 : i32
        %dma_wait3A_163 = arith.constant 0 : i32
        %dma_wait3A_164 = tpu.memref_slice %arg15[%dma_wait3A_162, %dma_wait3A_163] : memref<10000x64xf32, #tpu.memory_space<vmem_shared>> -> memref<10000x64xf32, #tpu.memory_space<vmem_shared>>
        tpu.wait_indirect_dma semaphore(%arg19 : memref<!tpu.dma_semaphore, #tpu.memory_space<semaphore_mem>>) src(%arg13 : memref<80x64xf32, #tpu.memory_space<vmem>>) dst(%dma_wait3A_164 : memref<10000x64xf32, #tpu.memory_space<vmem_shared>>)
        %add3A_165 = arith.constant 3 : i32
        %add3A_166 = arith.addi %add3A_106, %add3A_165 : i32
        %min3A_167 = arith.constant 249 : i32
        %min3A_168 = arith.minsi %add3A_166, %min3A_167 : i32
        %dma_start3A_169 = arith.constant 0 : i32
        %dma_start3A_170 = tpu.memref_slice %arg9[%min3A_168, %dma_start3A_169] : memref<250x80xi32, #tpu.memory_space<vmem>> -> memref<1x80xi32, #tpu.memory_space<vmem>>
        %dma_start3A_171 = tpu.memref_squeeze %dma_start3A_170 : memref<1x80xi32, #tpu.memory_space<vmem>> -> memref<80xi32, #tpu.memory_space<vmem>>
        %dma_start3A_172 = arith.constant 0 : i32
        %dma_start3A_173 = arith.constant 0 : i32
        %dma_start3A_174 = tpu.memref_slice %arg3[%dma_start3A_172, %dma_start3A_173] : memref<10000x64xf32, #tpu.memory_space<hbm>> -> memref<10000x64xf32, #tpu.memory_space<hbm>>
        tpu.enqueue_indirect_dma source(%dma_start3A_174 : memref<10000x64xf32, #tpu.memory_space<hbm>>) target(%arg13 : memref<80x64xf32, #tpu.memory_space<vmem>>) offsets(%dma_start3A_171 : memref<80xi32, #tpu.memory_space<vmem>>) semaphore(%arg17 : memref<!tpu.dma_semaphore, #tpu.memory_space<semaphore_mem>>)
      }
      %scan3A_82 = arith.constant 125 : i32
      %dma_wait3A_83 = arith.constant 0 : i32
      %dma_wait3A_84 = arith.constant 0 : i32
      %dma_wait3A_85 = tpu.memref_slice %arg3[%dma_wait3A_83, %dma_wait3A_84] : memref<10000x64xf32, #tpu.memory_space<hbm>> -> memref<80x64xf32, #tpu.memory_space<hbm>>
      %dma_wait3A_86 = arith.constant 0 : i32
      %dma_wait3A_87 = arith.constant 0 : i32
      %dma_wait3A_88 = tpu.memref_slice %arg3[%dma_wait3A_86, %dma_wait3A_87] : memref<10000x64xf32, #tpu.memory_space<hbm>> -> memref<80x64xf32, #tpu.memory_space<hbm>>
      tpu.wait_dma2 semaphore(%arg16 : memref<!tpu.dma_semaphore, #tpu.memory_space<semaphore_mem>>) src(%dma_wait3A_88 : memref<80x64xf32, #tpu.memory_space<hbm>>) dst(%arg12 : memref<80x64xf32, #tpu.memory_space<vmem>>)
      %dma_wait3A_89 = arith.constant 0 : i32
      %dma_wait3A_90 = arith.constant 0 : i32
      %dma_wait3A_91 = tpu.memref_slice %arg3[%dma_wait3A_89, %dma_wait3A_90] : memref<10000x64xf32, #tpu.memory_space<hbm>> -> memref<80x64xf32, #tpu.memory_space<hbm>>
      %dma_wait3A_92 = arith.constant 0 : i32
      %dma_wait3A_93 = arith.constant 0 : i32
      %dma_wait3A_94 = tpu.memref_slice %arg3[%dma_wait3A_92, %dma_wait3A_93] : memref<10000x64xf32, #tpu.memory_space<hbm>> -> memref<80x64xf32, #tpu.memory_space<hbm>>
      tpu.wait_dma2 semaphore(%arg17 : memref<!tpu.dma_semaphore, #tpu.memory_space<semaphore_mem>>) src(%dma_wait3A_94 : memref<80x64xf32, #tpu.memory_space<hbm>>) dst(%arg13 : memref<80x64xf32, #tpu.memory_space<vmem>>)
      %barrier3A_95 = arith.constant 0 : index
      tpu.barrier barrier_id(%barrier3A_95)
      %run_scoped3A_96 = arith.constant 1 : i32
      "tpu.region"() ({
        %run_scoped3A_103 = tpu.sem_alloc : memref<!tpu.dma_semaphore, #tpu.memory_space<semaphore_mem>>
        %dma_start3A_104 = arith.constant 0 : i32
        %dma_start3A_105 = arith.constant 0 : i32
        %dma_start3A_106 = tpu.memref_slice %arg8[%run_scoped3A_96, %dma_start3A_104, %dma_start3A_105] : memref<2x10000x64xf32, #tpu.memory_space<hbm>> -> memref<1x10000x64xf32, #tpu.memory_space<hbm>>
        %dma_start3A_107 = tpu.memref_squeeze %dma_start3A_106 : memref<1x10000x64xf32, #tpu.memory_space<hbm>> -> memref<10000x64xf32, #tpu.memory_space<hbm>>
        %dma_start3A_108 = arith.constant 0 : i32
        %dma_start3A_109 = tpu.memref_slice %dma_start3A_107[%mul3A_7, %dma_start3A_108] : memref<10000x64xf32, #tpu.memory_space<hbm>> -> memref<624x64xf32, #tpu.memory_space<hbm>>
        %dma_start3A_110 = arith.constant 0 : i32
        %dma_start3A_111 = tpu.memref_slice %arg15[%mul3A_7, %dma_start3A_110] : memref<10000x64xf32, #tpu.memory_space<vmem_shared>> -> memref<624x64xf32, #tpu.memory_space<vmem_shared>>
        tpu.enqueue_dma source(%dma_start3A_111 : memref<624x64xf32, #tpu.memory_space<vmem_shared>>) target(%dma_start3A_109 : memref<624x64xf32, #tpu.memory_space<hbm>>) target_semaphore(%run_scoped3A_103 : memref<!tpu.dma_semaphore, #tpu.memory_space<semaphore_mem>>)
        %dma_wait3A_112 = arith.constant 0 : i32
        %dma_wait3A_113 = arith.constant 0 : i32
        %dma_wait3A_114 = tpu.memref_slice %arg8[%run_scoped3A_96, %dma_wait3A_112, %dma_wait3A_113] : memref<2x10000x64xf32, #tpu.memory_space<hbm>> -> memref<1x10000x64xf32, #tpu.memory_space<hbm>>
        %dma_wait3A_115 = tpu.memref_squeeze %dma_wait3A_114 : memref<1x10000x64xf32, #tpu.memory_space<hbm>> -> memref<10000x64xf32, #tpu.memory_space<hbm>>
        %dma_wait3A_116 = arith.constant 0 : i32
        %dma_wait3A_117 = tpu.memref_slice %dma_wait3A_115[%mul3A_7, %dma_wait3A_116] : memref<10000x64xf32, #tpu.memory_space<hbm>> -> memref<624x64xf32, #tpu.memory_space<hbm>>
        %dma_wait3A_118 = arith.constant 0 : i32
        %dma_wait3A_119 = tpu.memref_slice %arg15[%mul3A_7, %dma_wait3A_118] : memref<10000x64xf32, #tpu.memory_space<vmem_shared>> -> memref<624x64xf32, #tpu.memory_space<vmem_shared>>
        tpu.wait_dma2 semaphore(%run_scoped3A_103 : memref<!tpu.dma_semaphore, #tpu.memory_space<semaphore_mem>>) src(%dma_wait3A_119 : memref<624x64xf32, #tpu.memory_space<vmem_shared>>) dst(%dma_wait3A_117 : memref<624x64xf32, #tpu.memory_space<hbm>>)
        tpu.yield
      }) : () -> ()
      %eq3A_97 = arith.constant 0 : i32
      %eq3A_98 = arith.cmpi eq, %arg1, %eq3A_97 : i32
      %convert_element_type3A_99 = arith.extui %eq3A_98 : i1 to i32
      %cond3A_100 = arith.constant 1 : i32
      %cond3A_101 = arith.constant 0 : i32
      %cond3A_102 = arith.cmpi ne, %convert_element_type3A_99, %cond3A_101 : i32
      scf.if %cond3A_102 {
        "tpu.region"() ({
          %run_scoped3A_103 = tpu.sem_alloc : memref<!tpu.dma_semaphore, #tpu.memory_space<semaphore_mem>>
          %dma_start3A_104 = arith.constant 0 : i32
          %dma_start3A_105 = arith.constant 0 : i32
          %dma_start3A_106 = tpu.memref_slice %arg8[%cond3A_100, %dma_start3A_104, %dma_start3A_105] : memref<2x10000x64xf32, #tpu.memory_space<hbm>> -> memref<1x10000x64xf32, #tpu.memory_space<hbm>>
          %dma_start3A_107 = tpu.memref_squeeze %dma_start3A_106 : memref<1x10000x64xf32, #tpu.memory_space<hbm>> -> memref<10000x64xf32, #tpu.memory_space<hbm>>
          %dma_start3A_108 = arith.constant 9984 : i32
          %dma_start3A_109 = arith.constant 0 : i32
          %dma_start3A_110 = tpu.memref_slice %dma_start3A_107[%dma_start3A_108, %dma_start3A_109] : memref<10000x64xf32, #tpu.memory_space<hbm>> -> memref<16x64xf32, #tpu.memory_space<hbm>>
          %dma_start3A_111 = arith.constant 9984 : i32
          %dma_start3A_112 = arith.constant 0 : i32
          %dma_start3A_113 = tpu.memref_slice %arg15[%dma_start3A_111, %dma_start3A_112] : memref<10000x64xf32, #tpu.memory_space<vmem_shared>> -> memref<16x64xf32, #tpu.memory_space<vmem_shared>>
          tpu.enqueue_dma source(%dma_start3A_113 : memref<16x64xf32, #tpu.memory_space<vmem_shared>>) target(%dma_start3A_110 : memref<16x64xf32, #tpu.memory_space<hbm>>) target_semaphore(%run_scoped3A_103 : memref<!tpu.dma_semaphore, #tpu.memory_space<semaphore_mem>>)
          %dma_wait3A_114 = arith.constant 0 : i32
          %dma_wait3A_115 = arith.constant 0 : i32
          %dma_wait3A_116 = tpu.memref_slice %arg8[%cond3A_100, %dma_wait3A_114, %dma_wait3A_115] : memref<2x10000x64xf32, #tpu.memory_space<hbm>> -> memref<1x10000x64xf32, #tpu.memory_space<hbm>>
          %dma_wait3A_117 = tpu.memref_squeeze %dma_wait3A_116 : memref<1x10000x64xf32, #tpu.memory_space<hbm>> -> memref<10000x64xf32, #tpu.memory_space<hbm>>
          %dma_wait3A_118 = arith.constant 9984 : i32
          %dma_wait3A_119 = arith.constant 0 : i32
          %dma_wait3A_120 = tpu.memref_slice %dma_wait3A_117[%dma_wait3A_118, %dma_wait3A_119] : memref<10000x64xf32, #tpu.memory_space<hbm>> -> memref<16x64xf32, #tpu.memory_space<hbm>>
          %dma_wait3A_121 = arith.constant 9984 : i32
          %dma_wait3A_122 = arith.constant 0 : i32
          %dma_wait3A_123 = tpu.memref_slice %arg15[%dma_wait3A_121, %dma_wait3A_122] : memref<10000x64xf32, #tpu.memory_space<vmem_shared>> -> memref<16x64xf32, #tpu.memory_space<vmem_shared>>
          tpu.wait_dma2 semaphore(%run_scoped3A_103 : memref<!tpu.dma_semaphore, #tpu.memory_space<semaphore_mem>>) src(%dma_wait3A_123 : memref<16x64xf32, #tpu.memory_space<vmem_shared>>) dst(%dma_wait3A_120 : memref<16x64xf32, #tpu.memory_space<hbm>>)
          tpu.yield
        }) : () -> ()
      } else {
      }
    } else {
    }
    return
  }
}

module attributes {stable_mosaic.version = 14 : i64} {
  func.func @mm_body(%arg0: i32, %arg1: memref<2000x128xf32, #tpu.memory_space<vmem>>, %arg2: memref<128x128xf32, #tpu.memory_space<vmem>>, %arg3: memref<2000x64xf32, #tpu.memory_space<vmem>>, %arg4: memref<2000x64xf32, #tpu.memory_space<vmem>>) attributes {dimension_semantics = [#tpu.dimension_semantics<arbitrary>], iteration_bounds = array<i64: 5>, scalar_prefetch = 0 : i64, scratch_operands = 0 : i64, tpu.core_type = #tpu.core_type<tc>, window_params = [{transform_indices = @transform_0, window_bounds = array<i64: 2000, 128>}, {pipeline_mode = #tpu.pipeline_mode<synchronous>, transform_indices = @transform_1, window_bounds = array<i64: 128, 128>}, {transform_indices = @transform_2, window_bounds = array<i64: 2000, 64>}, {transform_indices = @transform_3, window_bounds = array<i64: 2000, 64>}]} {
    %get3A = arith.constant 0 : index
    %get3A_0 = arith.constant 0 : index
    %get3A_1 = vector.load %arg1[%get3A, %get3A_0] : memref<2000x128xf32, #tpu.memory_space<vmem>>, vector<2000x128xf32>
    %get3A_2 = arith.constant 0 : index
    %get3A_3 = arith.constant 0 : index
    %get3A_4 = vector.load %arg2[%get3A_2, %get3A_3] : memref<128x128xf32, #tpu.memory_space<vmem>>, vector<128x128xf32>
    %dot_general3A = arith.constant dense<0.000000e+00> : vector<2000x128xf32>
    %dot_general3A_5 = tpu.matmul %get3A_1, %get3A_4, %dot_general3A {dimension_numbers = #tpu.dot_dimension_numbers<[1], [0], [0], [1], [0, 0, 1, 1], [], []>, transpose_lhs_hint = false} : vector<2000x128xf32>, vector<128x128xf32>, vector<2000x128xf32> -> vector<2000x128xf32>
    %slice3A = vector.extract_strided_slice %dot_general3A_5 {offsets = [0, 0], sizes = [2000, 64], strides = [1, 1]} : vector<2000x128xf32> to vector<2000x64xf32>
    %swap3A = arith.constant 0 : index
    %swap3A_6 = arith.constant 0 : index
    %swap3A_7 = vector.load %arg3[%swap3A, %swap3A_6] : memref<2000x64xf32, #tpu.memory_space<vmem>>, vector<2000x64xf32>
    tpu.vector_store %arg3[%swap3A, %swap3A_6], %slice3A {strides = array<i32>} : memref<2000x64xf32, #tpu.memory_space<vmem>>, vector<2000x64xf32>,
    %slice3A_8 = vector.extract_strided_slice %dot_general3A_5 {offsets = [0, 64], sizes = [2000, 64], strides = [1, 1]} : vector<2000x128xf32> to vector<2000x64xf32>
    %swap3A_9 = arith.constant 0 : index
    %swap3A_10 = arith.constant 0 : index
    %swap3A_11 = vector.load %arg4[%swap3A_9, %swap3A_10] : memref<2000x64xf32, #tpu.memory_space<vmem>>, vector<2000x64xf32>
    tpu.vector_store %arg4[%swap3A_9, %swap3A_10], %slice3A_8 {strides = array<i32>} : memref<2000x64xf32, #tpu.memory_space<vmem>>, vector<2000x64xf32>,
    return
  }
  func.func @transform_0(%arg0: i32) -> (i32, i32) {
    %c0_i32 = arith.constant 0 : i32
    %c0_i32_0 = arith.constant 0 : i32
    return %arg0, %c0_i32 : i32, i32
  }
  func.func @transform_1(%arg0: i32) -> (i32, i32) {
    %c0_i32 = arith.constant 0 : i32
    %c0_i32_0 = arith.constant 0 : i32
    %c0_i32_1 = arith.constant 0 : i32
    return %c0_i32, %c0_i32_0 : i32, i32
  }
  func.func @transform_2(%arg0: i32) -> (i32, i32) {
    %c0_i32 = arith.constant 0 : i32
    %c0_i32_0 = arith.constant 0 : i32
    return %arg0, %c0_i32 : i32, i32
  }
  func.func @transform_3(%arg0: i32) -> (i32, i32) {
    %c0_i32 = arith.constant 0 : i32
    %c0_i32_0 = arith.constant 0 : i32
    return %arg0, %c0_i32 : i32, i32
  }
}

</mosaic_0001>

<sc_bundles>
// kernel: kernel.4.cloned.1.call-start
scs
__scs_entry_jumppad:
0x0: {  	(pc) =	sbr.rel $0x88, $3  }
0x1: {  	(tag) =	ssettag $0x0;
	lr =	simm.s32 $0x1  }
0x2: {  	[smem:$0x3F9C] =	sst lr;
	_ =	strace $0xD0000000  }
0x3: {  	_ = 	snop  }
0x4: {  	_ = 	snop  }
0x5: {  	_ = 	snop  }
0x6: {  	_ = 	snop  }
0x7: {  	_ = 	snop  }
__scs_overlays_trampoline_lowered:
0x8: {  	[smem:$0x3FAB] =	sst s0  }
0x9: {  	[smem:$0x3FAC] =	sst s1  }
0xa: {  	[smem:$0x3FAD] =	sst s2  }
0xb: {  	[smem:$0x3FAE] =	sst s3  }
0xc: {  	[smem:$0x3FAF] =	sst s4  }
0xd: {  	[smem:$0x3FB0] =	sst s5  }
0xe: {  	[smem:$0x3FB1] =	sst s6  }
0xf: {  	[smem:$0x3FB2] =	sst s7  }
0x10: {  	[smem:$0x3FB3] =	sst s8  }
0x11: {  	[smem:$0x3FB4] =	sst s9;
	s0 =	simm.s32 @!p0 $0x0  }
0x12: {  	s1 =	sld [smem:$0x3F9A];
	s0 =	simm.s32 @p0 $0x1  }
0x13: {  	[smem:$0x3FB5] =	sst s0;
	s0 =	simm.s32 @!p1 $0x0  }
0x14: {  	s2 =	sld [smem:$0x3F99];
	s0 =	simm.s32 @p1 $0x1  }
0x15: {  	[smem:$0x3FB6] =	sst s0;
	s0 =	simm.s32 @!p2 $0x0  }
0x16: {  	s3 =	sld [smem:$0x3FDB];
	s0 =	simm.s32 @p2 $0x1  }
0x17: {  	s4 =	simm.s32 $0x1BF5;
	[smem:$0x3FB8] =	sst s0  }
0x18: {  	s0 =	sld [smem:$0x3F9B];
	_ =	swait.ge [sflag:s4], $0x0  }
0x19: {  	s7 =	sld [smem:$0x3F9C]  }
0x1a: {  	s8 =	sadd.s32 $0xFFFFE003, lr  }
0x1b: {  	s9 =	sadd.s32 $0xFFFFFEF7, lr;
	s5 =	simm.s32 $0xFFFFFFFF;
	p2 =	slt.u32 s8, $0xFFFFF086  }
0x1c: {  	p1 =	slt.u32 s9, $0xF7A;
	s5 =	simm.s32 @!p2 $0x0  }
0x1d: {  	s5 =	simm.s32 @p1 $0x1;
	p0 =	seq.s32 s7, s2  }
0x1e: {  	s7 =	smul.u32 @!p0 $0xF7A, s2;
	p2 =	seq.s32 @!p0 s5, $0x0  }
0x1f: {  	s9 =	smul.u32 $0xF7A, s1;
	s8 =	simm.s32 @!p0 $0x1BF5;
	p2 =	por !p2, p0  }
0x20: {  	[sflag:s8] =	ssyncset.s32 @!p0 $0xFFFFF086;
	s6 =	sadd.s32 @!p0 s3, s7;
	s7 =	simm.s32 @!p0 $0x108  }
0x21: {  	s3 =	sadd.s32 s3, s9;
	s6 =	sadd.s32 @!p0 $0x88, s6;
	s7 =	simm.s32 @p2 $0x1082  }
0x22: {  	[simem:s7], [sflag:s8] =	dma.local @!p0 [hbm:s6], $0xF7A  }
0x23: {  	s9 =	sor.u32 $0xD0000000, s2;
	s6 =	simm.s32 $0x108;
	_ =	swait.ge @!p0 [sflag:s8], $0x0  }
0x24: {  	s3 =	sadd.s32 $0x88, s3;
	s6 =	simm.s32 @!p1 $0x1082;
	[sflag:s4] =	ssyncset.s32 $0xFFFFF086  }
0x25: {  	[simem:s6], [sflag:s4] =	dma.local [hbm:s3], $0xF7A  }
0x26: {  	[smem:$0x3F9C] =	sst s1;
	(tag) =	ssettag s2;
	_ =	strace s9  }
0x27: {  	s1 =	sld [smem:$0x3FAC]  }
0x28: {  	s2 =	sld [smem:$0x3FAD]  }
0x29: {  	s4 =	sld [smem:$0x3FAF]  }
0x2a: {  	p0 =	seq.s32 s5, $0x0;
	s5 =	sld [smem:$0x3FB0]  }
0x2b: {  	s6 =	sld [smem:$0x3FB1]  }
0x2c: {  	s7 =	sld [smem:$0x3FB2]  }
0x2d: {  	s3 =	simm.s32 $0x108;
	s8 =	sld [smem:$0x3FB3]  }
0x2e: {  	s3 =	simm.s32 @!p0 $0x1082;
	s9 =	sld [smem:$0x3FB4]  }
0x2f: {  	lr =	sadd.s32 s0, s3;
	s0 =	sld [smem:$0x3FAB]  }
0x30: {  	s3 =	sld [smem:$0x3FAE]  }
0x31: {  	[smem:$0x3FB7] =	sst s10  }
0x32: {  	s10 =	sld [smem:$0x3FB5];
	_ =	sdelay $0x3  }
0x33: {  	p0 =	seq.s32 s10, $0x1;
	s10 =	sld [smem:$0x3FB7];
	_ =	sdelay $0x3  }
0x34: {  	[smem:$0x3FB7] =	sst s10  }
0x35: {  	s10 =	sld [smem:$0x3FB6];
	_ =	sdelay $0x3  }
0x36: {  	p1 =	seq.s32 s10, $0x1;
	s10 =	sld [smem:$0x3FB7];
	_ =	sdelay $0x3  }
0x37: {  	[smem:$0x3FB7] =	sst s10  }
0x38: {  	s10 =	sld [smem:$0x3FB8]  }
0x39: {  	_ = 	snop;
	(pc) =	sbr.ind lr, $3  }
0x3a: {  	_ = 	snop  }
0x3b: {  	_ = 	snop  }
0x3c: {  	p2 =	seq.s32 s10, $0x1;
	s10 =	sld [smem:$0x3FB7]  }
0x3d: {  	_ =	shalt  }
0x3e: {  	_ =	shalt  }
0x3f: {  	_ =	shalt  }
0x40: {  	_ =	shalt  }
0x41: {  	_ =	shalt  }
0x42: {  	_ =	shalt  }
0x43: {  	_ =	shalt  }
0x44: {  	_ =	shalt  }
0x45: {  	_ =	shalt  }
0x46: {  	_ =	shalt  }
0x47: {  	_ =	shalt  }
0x48: {  	_ =	shalt  }
0x49: {  	_ =	shalt  }
0x4a: {  	_ =	shalt  }
0x4b: {  	_ =	shalt  }
0x4c: {  	_ =	shalt  }
0x4d: {  	_ =	shalt  }
0x4e: {  	_ =	shalt  }
0x4f: {  	_ =	shalt  }
0x50: {  	_ =	shalt  }
0x51: {  	_ =	shalt  }
0x52: {  	_ =	shalt  }
0x53: {  	_ =	shalt  }
0x54: {  	_ =	shalt  }
0x55: {  	_ =	shalt  }
0x56: {  	_ =	shalt  }
0x57: {  	_ =	shalt  }
0x58: {  	_ =	shalt  }
0x59: {  	_ =	shalt  }
0x5a: {  	_ =	shalt  }
0x5b: {  	_ =	shalt  }
0x5c: {  	_ =	shalt  }
0x5d: {  	_ =	shalt  }
0x5e: {  	_ =	shalt  }
0x5f: {  	_ =	shalt  }
0x60: {  	_ =	shalt  }
0x61: {  	_ =	shalt  }
0x62: {  	_ =	shalt  }
0x63: {  	_ =	shalt  }
0x64: {  	_ =	shalt  }
0x65: {  	_ =	shalt  }
0x66: {  	_ =	shalt  }
0x67: {  	_ =	shalt  }
0x68: {  	_ =	shalt  }
0x69: {  	_ =	shalt  }
0x6a: {  	_ =	shalt  }
0x6b: {  	_ =	shalt  }
0x6c: {  	_ =	shalt  }
0x6d: {  	_ =	shalt  }
0x6e: {  	_ =	shalt  }
0x6f: {  	_ =	shalt  }
0x70: {  	_ =	shalt  }
0x71: {  	_ =	shalt  }
0x72: {  	_ =	shalt  }
0x73: {  	_ =	shalt  }
0x74: {  	_ =	shalt  }
0x75: {  	_ =	shalt  }
0x76: {  	_ =	shalt  }
0x77: {  	_ =	shalt  }
0x78: {  	_ =	shalt  }
0x79: {  	_ =	shalt  }
0x7a: {  	_ =	shalt  }
0x7b: {  	_ =	shalt  }
0x7c: {  	_ =	shalt  }
0x7d: {  	_ =	shalt  }
0x7e: {  	_ =	shalt  }
0x7f: {  	_ =	shalt  }
0x80: {  	_ =	shalt  }
0x81: {  	_ =	shalt  }
0x82: {  	_ =	shalt  }
0x83: {  	_ =	shalt  }
0x84: {  	_ =	shalt  }
0x85: {  	_ =	shalt  }
0x86: {  	_ =	shalt  }
0x87: {  	_ =	shalt  }
.Lfunc_end0:
.L_simem_size_0:
called_computation_lowered:
.L_overlay_start_0:
0x88: {  	s2 =	sld [smem:$0x3FD9]  }
0x89: {  	s3 =	sld [smem:$0x3FFE];
	_ =	sdelay $0x1  }
0x8a: {  	s1 =	srdreg.scid  }
0x8b: {  	s0 =	sand.u32 $0x1, s1  }
0x8c: {  	s17 =	sshll.u32 s0, $0xA;
	s2 =	sadd.s32 s3, s2  }
0x8d: {  	s2 =	sadd.s32 s2, s17  }
0x8e: {  	[smem:$0x3FC3] =	sst s2  }
0x8f: {  	_ = 	snop  }
0x90: {  	s2 =	sld [smem:$0x3FC8]  }
0x91: {  	s18 =	sld [smem:$0x3FC5]  }
0x92: {  	s4 =	sld [smem:$0x3FD0];
	(tm) =	ssettm $0x1  }
0x93: {  	s5 =	sld [smem:$0x3FFB];
	_ =	sdelay $0x3  }
0x94: {  	_ =	strace s5  }
0x95: {  	s5 =	sld [smem:$0x3FFC];
	_ =	sdelay $0x3  }
0x96: {  	_ =	strace s5  }
0x97: {  	s5 =	sld [smem:$0x3FFD];
	_ =	sdelay $0x3  }
0x98: {  	_ =	strace s5  }
0x99: {  	_ =	strace $0x8FFFFFFF  }
0x9a: {  	s19 =	sld [smem:$0x3FDB];
	_ =	sdelay $0x1  }
0x9b: {  	s6 =	simm.s32 $_scs_section_size  }
0x9c: {  	s7 =	simm.s32 $_size__tile_overlayer_lowered;
	s8 =	simm.s32 $_tile_overlayer_lowered  }
0x9d: {  	s22 =	simm.s32 $0x1BFF;
	s21 =	sshll.u32 s8, $0x1;
	s5 =	sadd.s32 s6, s19  }
0x9e: {  	s9 =	simm.s32 $0x0;
	s20 =	sshll.u32 s7, $0x1;
	s7 =	sadd.s32 s21, s5  }
0x9f: {  	[timem:s9], [sflag:s22] =	dma.local [hbm:s7], s20  }
0xa0: {  	_ =	swait.ge [sflag:s22], s20  }
0xa1: {  	s6 =	ssub.s32 $0x0, s20;
	[sflag:s22] =	ssyncset.done $0x0  }
0xa2: {  	[sflag:s22] =	ssyncadd.s32 s6;
	_ =	sdelay $0x1  }
0xa3: {  	s23 =	simm.s32 $0x1B8B  }
0xa4: {  	_ =	swait.ge [sflag:s23], $0x1  }
0xa5: {  	[sflag:s23] =	ssyncset.done $0x0  }
0xa6: {  	s25 =	simm.s32 $0x1B8E;
	s24 =	sld [smem:$0x3FFE];
	[sflag:s23] =	ssyncadd.s32 $0xFFFFFFFF  }
0xa7: {  	s26 =	simm.s32 $execute0_lowered;
	[smem:$0x3FD2] =	sst s25  }
0xa8: {  	s7 =	sshll.u32 s26, $0x1;
	_ =	strace $0x80000046;
	[dreg:$0x1] =	wrdreg $0xFFFFFFFF  }
0xa9: {  	s28 =	simm.s32 $_size_execute0_lowered;
	s5 =	sadd.s32 s5, s7;
	[dreg:$0x0] =	wrdreg $0x0  }
0xaa: {  	s7 =	sshll.u32 s28, $0x1;
	[dreg:$0x2] =	wrdreg s5  }
0xab: {  	[dreg:$0x3] =	wrdreg s7  }
0xac: {  	[dreg:$0x4] =	wrdreg $0xC0  }
0xad: {  	_ =	task [dreg:s9], $0x5FFFF  }
0xae: {  	[dreg:$0x1] =	wrdreg $0xFFFFFFFF  }
0xaf: {  	[dreg:$0x0] =	wrdreg $0x60  }
0xb0: {  	[dreg:$0x2] =	wrdreg s24  }
0xb1: {  	[dreg:$0x3] =	wrdreg s2  }
0xb2: {  	[dreg:$0x4] =	wrdreg s18  }
0xb3: {  	[dreg:$0x5] =	wrdreg s4  }
0xb4: {  	[dreg:$0x6] =	wrdreg $0x146600  }
0xb5: {  	[dreg:$0x7] =	wrdreg $0x9  }
0xb6: {  	_ =	task.clear_ibuf [dreg:s9], $0x8FFFF;
	_ =	strace $0x90000046  }
0xb7: {  	s29 =	simm.s32 $0x9;
	_ =	strace $0x80000048  }
0xb8: {  	_ =	swait.ge [sflag:s29], $0x1  }
0xb9: {  	[sflag:s29] =	ssyncadd.s32 $0xFFFFFFFF  }
0xba: {  	_ =	strace $0x90000048  }
0xbb: {  	_ =	sfence  }
0xbc: {  	s30 =	sld [smem:$0x0];
	_ =	sdelay $0x2  }
0xbd: {  	s31 =	sshll.u32 s1, $0xD;
	s1 =	sshrl.u32 s1, $0x2  }
0xbe: {  	s3 =	sand.u32 $0x4000, s31;
	s1 =	sadd.s32 s1, s30  }
0xbf: {  	s0 =	sor.u32 s3, s0;
	s1 =	sshll.u32 s1, $0x11  }
0xc0: {  	s0 =	sor.u32 s1, s0  }
0xc1: {  	s0 =	sadd.s32 $0x8F2B, s0  }
0xc2: {  	[sflag:s0] =	ssyncadd.remote.s32 $0x1  }
0xc3: {  	_ =	sfence.sel $0xFFFF  }
0xc4: {  	[dreg:$0x0] =	wrdreg $0xFFFFFFFF;
	(pc) =	sbr.abs _section_cstart, $3  }
0xc5: {  	[dreg:$0x1] =	wrdreg $0xFFFFFFFF  }
0xc6: {  	_ =	task.clear_ibuf [dreg:s9], $0x2FFFF;
	_ =	strace $0x9FFFFFFF  }
0xc7: {  	(tm) =	ssettm $0x7FFFFFFF  }
tec
execute0_lowered:
.L_overlay_start_1:
0x0: {  	(tag) =	ssettag $0x1  }
0x1: {  	s0 =	rddreg [dreg:$0x0]  }
0x2: {  	s1 =	rddreg [dreg:$0x1]  }
0x3: {  	s10 =	rddreg [dreg:$0x2]  }
0x4: {  	s14 =	rddreg [dreg:$0x3]  }
0x5: {  	s3 =	rddreg [dreg:$0x4];
	s4 =	simm.s32 $0x0  }
0x6: {  	s2 =	srdreg.scid;
	s15 =	stileid.u32;
	s28 =	simm.s32 $0x50  }
0x7: {  	s29 =	simm.s32 $0xEA60;
	s30 =	simm.s32 $0xFE60;
	s31 =	simm.s32 $0x1  }
0x8: {  	[smem:$0x7FF] =	sst s4;
	s2 =	sand.u32 $0x1, s2;
	s5 =	smul.u32 $0x9C4, s15  }
0x9: {  	s6 =	sadd.s32 $0x14000, s0;
	s7 =	sadd.s32 $0x27A00, s0;
	s13 =	smul.u32 $0x9C00, s15  }
0xa: {  	s20 =	smul.u32 $0x27000, s15;
	s12 =	sadd.s32 $0x9C000, s3;
	s25 =	sadd.s32 $0x8, s10  }
0xb: {  	s17 =	sadd.s32 $0x13880, s14;
	p1 =	sne.s32 s15, $0x0;
	p2 =	seq.s32 s15, $0x0  }
0xc: {  	_ =	strace $0x80000047;
	s8 =	ssub.s32 $0x2, s2;
	p0 =	seq.s32 s2, $0x1  }
0xd: {  	[dreg:$0xc] =	wrdreg s25;
	s25 =	simm.s32 $0x2;
	s9 =	sshrl.u32 s8, $0x1  }
0xe: {  	s0 =	sadd.s32 s5, s0;
	s21 =	sadd.s32 s1, s5;
	s22 =	sshrl.u32 s13, $0x3  }
0xf: {  	s23 =	sshrl.u32 s20, $0x2;
	s24 =	sadd.s32 s13, s3;
	[dreg:$0x8] =	wrdreg s21  }
0x10: {  	s1 =	simm.s32 $0x0;
	s11 =	ssub.s32 s8, s9;
	[dreg:$0x9] =	wrdreg s22  }
0x11: {  	s19 =	sadd.s32 $0xA200, s0;
	s0 =	sadd.s32 $0x400, s0;
	[dreg:$0xb] =	wrdreg s24  }
.Ltmp0:
0x12: {  	s16 =	sadd.s32 s23, s3;
	[dreg:$0x6] =	wrdreg s19;
	(pc) =	sbr.rel .LBB2_1-.Ltmp0, $4  }
0x13: {  	s23 =	simm.s32 $0x11260;
	s24 =	simm.s32 $0x5;
	[dreg:$0x7] =	wrdreg s0  }
0x14: {  	s0 =	sadd.s32 s14, s22;
	s26 =	smax.u32 s11, $0x1;
	s19 =	sadd.s32 $0x3400, s16  }
0x15: {  	v0 =	vimm.s32 $0x0;
	vm0 =	vcmask $0x300;
	s20 =	sadd.s32 $0x6800, s16;
	s22 =	simm.s32 $0x9C40;
	[dreg:$0xa] =	wrdreg s0  }
0x16: {  	v0 =	vsel vm0, $0x3, v0;
	[dreg:$0xd] =	wrdreg s26;
	s26 =	simm.s32 $0x3;
	s0 =	simm.s32 $0x4  }
.LBB2_20:
0x17: {  	s5 =	sadd.s32 $0x13800, s5;
	s8 =	sshrl.u32 s12, $0x3  }
0x18: {  	[hbm:s5], [sflag:s2] =	dma.local [spmem:s8], $0x80  }
0x19: {  	_ =	swait.ge [sflag:s24], $0x80  }
0x1a: {  	[sflag:s24] =	ssyncset.done $0x0  }
0x1b: {  	[sflag:s24] =	ssyncadd.s32 $0xFFFFFF80  }
.LBB2_21:
0x1c: {  	s1 =	sadd.s32 $0x1, s1;
	s2 =	rddreg [dreg:$0xd]  }
0x1d: {  	p3 =	sne.s32 s1, s2  }
.Ltmp1:
0x1e: {  	_ = 	snop;
	(pc) =	sbr.rel @!p3 .LBB2_22-.Ltmp1, $1  }
0x1f: {  	_ =	sdelay $0x3  }
.LBB2_1:
0x20: {  	s2 =	rddreg [dreg:$0x6]  }
0x21: {  	[tilespmem:s4], [sflag:$0x2] =	stream.linear.gather [hbm4b:s2+s4], $0x4E20, $0x38;
	[tilespmem:$0x1E2A0] =	vst v63  }
.Ltmp2:
0x22: {  	_ = 	snop;
	(pc) =	sbr.rel @!p0 .LBB2_2-.Ltmp2, $4  }
0x23: {  	s18 =	rddreg [dreg:$0x7];
	s5 =	simm.s32 $0x4E20  }
0x24: {  	[tilespmem:s5], [sflag:$0x3] =	stream.linear.gather [hbm4b:s18+s4], $0x4E20, $0x38;
	[tilespmem:$0x1E2A0] =	vst v63  }
0x25: {  	s21 =	rddreg [dreg:$0x8];
	s2 =	simm.s32 $0x0  }
0x26: {  	[tilespmem:s22], [sflag:$0x2] =	stream.linear.gather [hbm4b:s21+s4], $0x4E20, $0x38;
	[tilespmem:$0x1E2A0] =	vst v63  }
0x27: {  	s5 =	rddreg [dreg:$0xc]  }
0x28: {  	[tilespmem:s23], [sflag:$0x5] =	stream.linear.gather [hbm4b:s5+s2], $0x40, $0x38;
	[tilespmem:$0x1E2A0] =	vst v63  }
0x29: {  	_ =	swait.ge [sflag:s24], $0x40  }
0x2a: {  	[sflag:s24] =	ssyncset.done $0x0  }
0x2b: {  	[sflag:s24] =	ssyncadd.s32 $0xFFFFFFC0  }
0x2c: {  	v4 =	vld [tilespmem:$0x11290]  }
0x2d: {  	v3 =	vld [tilespmem:$0x11280]  }
0x2e: {  	v1 =	vld [tilespmem:$0x11260]  }
0x2f: {  	v2 =	vld [tilespmem:$0x11270]  }
0x30: {  	s5 =	simm.s32 $0x100;
	s2 =	simm.s32 $0x0  }
.LBB2_12:
0x31: {  	p3 =	sne.s32 s5, $0xCE00;
	[tilespmem:s2+$0x112D0] =	vst v4;
	s8 =	smov.u32 s5;
	s5 =	sadd.s32 $0x100, s5  }
.Ltmp3:
0x32: {  	[tilespmem:s2+$0x112C0] =	vst v3;
	(pc) =	sbr.rel @p3 .LBB2_12-.Ltmp3, $3  }
0x33: {  	[tilespmem:s2+$0x112A0] =	vst v1  }
0x34: {  	[tilespmem:s2+$0x112B0] =	vst v2;
	_ =	sdelay $0x1  }
0x35: {  	s2 =	sshra.s32 s8, $0x2  }
0x36: {  	[tilespmem:s2+$0x112D0] =	vst v4  }
0x37: {  	[tilespmem:s2+$0x112C0] =	vst v3  }
0x38: {  	[tilespmem:s2+$0x112A0] =	vst v1  }
0x39: {  	[tilespmem:s2+$0x112B0] =	vst v2  }
0x3a: {  	[spmem:s16] =	stream.linear.scatter [tilespmem:s23], [sflag:$0x5], $0x3400, $0x38;
	[tilespmem:$0x1E2A0] =	vst v63  }
0x3b: {  	_ =	swait.ge [sflag:s24], $0x3400  }
0x3c: {  	[sflag:s24] =	ssyncset.done $0x0  }
0x3d: {  	[sflag:s24] =	ssyncadd.s32 $0xFFFFCC00  }
0x3e: {  	[spmem:s19] =	stream.linear.scatter [tilespmem:s23], [sflag:$0x5], $0x3400, $0x38;
	[tilespmem:$0x1E2A0] =	vst v63  }
0x3f: {  	_ =	swait.ge [sflag:s24], $0x3400  }
0x40: {  	[sflag:s24] =	ssyncset.done $0x0  }
0x41: {  	[sflag:s24] =	ssyncadd.s32 $0xFFFFCC00  }
0x42: {  	[spmem:s20] =	stream.linear.scatter [tilespmem:s23], [sflag:$0x5], $0x3400, $0x38;
	[tilespmem:$0x1E2A0] =	vst v63  }
0x43: {  	_ =	swait.ge [sflag:s24], $0x3400  }
0x44: {  	[sflag:s24] =	ssyncset.done $0x0  }
0x45: {  	s2 =	simm.s32 @!p1 $0x11260;
	[sflag:s24] =	ssyncadd.s32 $0xFFFFCC00  }
0x46: {  	[spmem:s12] =	stream.linear.scatter @!p1 [tilespmem:s2], [sflag:$0x5], $0x400, $0x38;
	[tilespmem:$0x1E2A0] =	vst v63  }
0x47: {  	s2 =	simm.s32 @!p1 $0x5  }
0x48: {  	_ =	swait.ge @!p1 [sflag:s2], $0x400  }
0x49: {  	[sflag:s2] =	ssyncset.done @!p1 $0x0  }
0x4a: {  	[sflag:s2] =	ssyncadd.s32 @!p1 $0xFFFFFC00  }
0x4b: {  	_ =	swait.ge [sflag:s25], $0x4E20  }
0x4c: {  	[sflag:s25] =	ssyncset.done $0x0  }
0x4d: {  	[sflag:s25] =	ssyncadd.s32 $0xFFFFB1E0  }
0x4e: {  	_ =	swait.ge [sflag:s26], $0x4E20  }
0x4f: {  	[sflag:s26] =	ssyncset.done $0x0  }
0x50: {  	[sflag:s26] =	ssyncadd.s32 $0xFFFFB1E0  }
0x51: {  	_ =	swait.ge [sflag:s25], $0x4E20  }
0x52: {  	[sflag:s25] =	ssyncset.done $0x0  }
0x53: {  	[sflag:s25] =	ssyncadd.s32 $0xFFFFB1E0  }
0x54: {  	s2 =	simm.s32 $0x0;
	[bflag:$0x0] =	sbarrier.arrive $0xFFFF  }
0x55: {  	[tilespmem:s29], [sflag:$0x1] =	stream.indirect.gather [hbm4b:s7+s28], $0x40, s2, s28, $0xb8;
	[tilespmem:$0x1E2A0] =	vst v63  }
0x56: {  	s21 =	simm.s32 $0x0  }
0x57: {  	[tilespmem:s30], [sflag:$0x2] =	stream.indirect.gather [hbm4b:s7+s28], $0x40, s28, s28, $0xb8;
	[tilespmem:$0x1E2A0] =	vst v63  }
.LBB2_14:
0x58: {  	s5 =	sadd.s32 $0xFFFFFFF8, s2;
	_ =	swait.ge [sflag:s31], $0x1400  }
0x59: {  	s15 =	sadd.s32 $0xE, s5;
	[sflag:s31] =	ssyncset.done $0x0  }
0x5a: {  	v7 =	vmov s15;
	[sflag:s31] =	ssyncadd.s32 $0xFFFFEC00;
	s15 =	simm.s32 $0xEB60  }
0x5b: {  	v9 =	vld [tilespmem:s15+$0xFFFFFF00]  }
0x5c: {  	v10 =	vld [tilespmem:s15+$0xFFFFFF10]  }
0x5d: {  	v11 =	vld [tilespmem:s15+$0xFFFFFF20]  }
0x5e: {  	v13 =	vld [tilespmem:s15+$0xFFFFFF30]  }
0x5f: {  	v14 =	vld [tilespmem:s15+$0xFFFFFF40]  }
0x60: {  	s8 =	sadd.s32 $0xF, s5;
	v16 =	vld [tilespmem:s15+$0xFFFFFF70]  }
0x61: {  	s11 =	sadd.s32 $0x9, s5;
	s9 =	sadd.s32 $0xA, s5;
	s10 =	sadd.s32 $0xB, s5;
	v17 =	vld [tilespmem:s15+$0xFFFFFF80]  }
0x62: {  	s13 =	sadd.s32 $0xC, s5;
	s14 =	sadd.s32 $0xD, s5;
	s5 =	sadd.s32 $0x8, s5;
	v18 =	vld [tilespmem:s15+$0xFFFFFF90]  }
0x63: {  	v1 =	vmov s8;
	v12 =	vmov s5;
	v19 =	vld [tilespmem:s15+$0xFFFFFFA0]  }
0x64: {  	v1 =	vshrl.u32 v1, $0x3;
	v12 =	vshrl.u32 v12, $0x3;
	v20 =	vld [tilespmem:s15+$0xFFFFFFB0]  }
0x65: {  	v2 =	vmov s11;
	v21 =	vld [tilespmem:s15+$0xFFFFFFC0];
	v1 =	vshll.u32 v1, v0;
	v12 =	vshll.u32 v12, v0  }
0x66: {  	v2 =	vshrl.u32 v2, $0x3;
	v22 =	vld [tilespmem:s15+$0xFFFFFFD0];
	v1 =	vadd.s32 $0x7, v1;
	v12 =	vbroadcast v12, $0x0  }
0x67: {  	v3 =	vmov s9;
	v23 =	vld [tilespmem:s15+$0xFFFFFFE0];
	v2 =	vshll.u32 v2, v0;
	v1 =	vbroadcast v1, $0x0  }
0x68: {  	v3 =	vshrl.u32 v3, $0x3;
	v24 =	vld [tilespmem:s15+$0xFFFFFFF0];
	v2 =	vadd.s32 $0x1, v2  }
0x69: {  	v6 =	vmov s14;
	v25 =	vld [tilespmem:s15+$0x0];
	v3 =	vshll.u32 v3, v0;
	v2 =	vbroadcast v2, $0x0  }
0x6a: {  	v6 =	vshrl.u32 v6, $0x3;
	v26 =	vld [tilespmem:s15+$0x10];
	v3 =	vadd.s32 $0x2, v3  }
0x6b: {  	v5 =	vmov s13;
	v27 =	vld [tilespmem:s15+$0x20];
	v6 =	vshll.u32 v6, v0;
	v3 =	vbroadcast v3, $0x0  }
0x6c: {  	v4 =	vmov s10;
	v8 =	vshrl.u32 v5, $0x3;
	v6 =	vadd.s32 $0x5, v6;
	v12 =	vld.idx.msk [tilespmem:v12+s22+$0x0], $0xffff  }
0x6d: {  	v4 =	vshrl.u32 v4, $0x3;
	v8 =	vshll.u32 v8, v0;
	v6 =	vbroadcast v6, $0x0;
	v5 =	vld.idx.msk [tilespmem:v1+s22+$0x0], $0xffff  }
0x6e: {  	v8 =	vadd.s32 $0x4, v8;
	v1 =	vshll.u32 v4, v0;
	v4 =	vld [tilespmem:s15+$0xF0]  }
0x6f: {  	v8 =	vbroadcast v8, $0x0;
	v15 =	vld.idx.msk [tilespmem:v2+s22+$0x0], $0xffff  }
0x70: {  	v28 =	vld [tilespmem:s15+$0x30];
	v1 =	vadd.s32 $0x3, v1  }
0x71: {  	v3 =	vld.idx.msk [tilespmem:v3+s22+$0x0], $0xffff;
	v1 =	vbroadcast v1, $0x0  }
0x72: {  	v50 =	vld [tilespmem:s15+$0x80];
	v9 =	vmul.f32 v9, v12  }
0x73: {  	v7 =	vshrl.u32 v7, $0x3;
	v2 =	vld.idx.msk [tilespmem:v6+s22+$0x0], $0xffff;
	v4 =	vmul.f32 v4, v5  }
0x74: {  	v7 =	vshll.u32 v7, v0;
	v10 =	vmul.f32 v10, v12;
	v6 =	vmul.f32 v14, v15;
	v14 =	vld [tilespmem:s15+$0xFFFFFF50];
	[tilespmem:s15+$0xFFFFFF00] =	vst v9  }
0x75: {  	v8 =	vld.idx.msk [tilespmem:v8+s22+$0x0], $0xffff;
	[tilespmem:s15+$0xF0] =	vst v4;
	v4 =	vmul.f32 v11, v12;
	v11 =	vmul.f32 v16, v15  }
0x76: {  	v7 =	vadd.s32 $0x6, v7;
	[tilespmem:s15+$0xFFFFFF40] =	vst v6;
	v6 =	vld [tilespmem:s15+$0xFFFFFF60];
	v12 =	vmul.f32 v13, v12;
	v13 =	vmul.f32 v17, v3  }
0x77: {  	s5 =	sadd.s32 $0x0, s2;
	v7 =	vbroadcast v7, $0x0;
	v17 =	vmul.f32 v19, v3;
	v1 =	vld.idx.msk [tilespmem:v1+s22+$0x0], $0xffff;
	[tilespmem:s15+$0xFFFFFF70] =	vst v11  }
0x78: {  	s10 =	sadd.s32 $0xA, s5;
	s14 =	sadd.s32 $0xD, s5;
	v53 =	vld [tilespmem:s15+$0xA0];
	[tilespmem:s15+$0xFFFFFF80] =	vst v13  }
0x79: {  	s13 =	sadd.s32 $0xC, s5;
	v30 =	vld [tilespmem:s15+$0xB0];
	v52 =	vmov s10;
	v29 =	vmov s14;
	[tilespmem:s15+$0xFFFFFFA0] =	vst v17;
	v14 =	vmul.f32 v14, v15  }
0x7a: {  	s18 =	sadd.s32 $0xF, s5;
	v31 =	vld [tilespmem:s15+$0xC0];
	v54 =	vmov s13;
	v55 =	vshrl.u32 v29, $0x3;
	v51 =	vmul.f32 v25, v8;
	[tilespmem:s15+$0xFFFFFF20] =	vst v4  }
0x7b: {  	s9 =	sadd.s32 $0x9, s5;
	v56 =	vld [tilespmem:s15+$0xD0];
	v9 =	vshll.u32 v55, v0;
	v6 =	vmul.f32 v6, v15;
	[tilespmem:s15+$0xFFFFFF50] =	vst v14;
	v14 =	vmov s18  }
0x7c: {  	v32 =	vld [tilespmem:s15+$0xE0];
	v17 =	vmov s9;
	[tilespmem:s15+$0xFFFFFF30] =	vst v12;
	v14 =	vshrl.u32 v14, $0x3;
	v11 =	vmul.f32 v21, v1  }
0x7d: {  	v7 =	vld.idx.msk [tilespmem:v7+s22+$0x0], $0xffff;
	v4 =	vadd.s32 $0x5, v9;
	[tilespmem:s15+$0xFFFFFF60] =	vst v6;
	v6 =	vmul.f32 v18, v3;
	v14 =	vshll.u32 v14, v0  }
0x7e: {  	v16 =	vld [tilespmem:s15+$0x50];
	v12 =	vbroadcast v4, $0x0;
	v4 =	vmul.f32 v27, v8;
	v14 =	vadd.s32 $0x7, v14;
	[tilespmem:s15+$0xFFFFFFC0] =	vst v11  }
0x7f: {  	v15 =	vld [tilespmem:s15+$0x40];
	v13 =	vmul.f32 v22, v1;
	v11 =	vshrl.u32 v17, $0x3;
	[tilespmem:s15+$0xFFFFFF90] =	vst v6;
	v6 =	vbroadcast v14, $0x0  }
0x80: {  	v19 =	vld [tilespmem:s15+$0x70];
	v49 =	vmul.f32 v23, v1;
	v3 =	vmul.f32 v20, v3;
	v11 =	vshll.u32 v11, v0  }
0x81: {  	s11 =	sadd.s32 $0xB, s5;
	s18 =	sadd.s32 $0xE, s5;
	v1 =	vmul.f32 v24, v1;
	v23 =	vshrl.u32 v52, $0x3;
	v18 =	vld [tilespmem:s15+$0x60];
	v11 =	vadd.s32 $0x1, v11  }
0x82: {  	v17 =	vmov s18;
	v14 =	vld [tilespmem:s15+$0x90];
	[tilespmem:s15+$0xFFFFFFB0] =	vst v3;
	v3 =	vmov s11;
	s11 =	simm.s32 $0xED60;
	v11 =	vbroadcast v11, $0x0  }
0x83: {  	v23 =	vshll.u32 v23, v0;
	[tilespmem:s15+$0xFFFFFFD0] =	vst v13;
	v13 =	vshrl.u32 v54, $0x3;
	v17 =	vshrl.u32 v17, $0x3;
	v58 =	vld [tilespmem:s11+$0xF0]  }
0x84: {  	[tilespmem:s15+$0xFFFFFF10] =	vst v10;
	v3 =	vshrl.u32 v3, $0x3;
	v59 =	vld [tilespmem:s11+$0xFFFFFF00];
	v10 =	vshll.u32 v17, v0;
	v15 =	vmul.f32 v15, v2  }
0x85: {  	[tilespmem:s15+$0xFFFFFFF0] =	vst v1;
	v3 =	vshll.u32 v3, v0;
	v1 =	vld.idx.msk [tilespmem:v6+s22+$0x0], $0xffff;
	v6 =	vshll.u32 v13, v0;
	v13 =	vadd.s32 $0x2, v23  }
0x86: {  	v17 =	vld [tilespmem:s11+$0xFFFFFF10];
	v3 =	vadd.s32 $0x3, v3;
	v13 =	vbroadcast v13, $0x0;
	v6 =	vadd.s32 $0x4, v6  }
0x87: {  	[tilespmem:s15+$0x0] =	vst v51;
	v62 =	vld [tilespmem:s11+$0xFFFFFF40];
	v3 =	vbroadcast v3, $0x0;
	v9 =	vbroadcast v6, $0x0  }
0x88: {  	[tilespmem:s15+$0x20] =	vst v4;
	v6 =	vmul.f32 v26, v8;
	v8 =	vmul.f32 v28, v8;
	v11 =	vld.idx.msk [tilespmem:v11+s22+$0x0], $0xffff  }
0x89: {  	v60 =	vld [tilespmem:s11+$0xFFFFFF20];
	v10 =	vadd.s32 $0x6, v10;
	[tilespmem:s15+$0x40] =	vst v15  }
0x8a: {  	v61 =	vld [tilespmem:s11+$0xFFFFFF30];
	v10 =	vbroadcast v10, $0x0;
	[tilespmem:s15+$0x30] =	vst v8;
	v8 =	vmul.f32 v18, v2  }
0x8b: {  	s5 =	sadd.s32 $0x8, s5;
	v15 =	vld [tilespmem:s11+$0xFFFFFF80];
	[tilespmem:s15+$0x10] =	vst v6;
	v6 =	vmul.f32 v58, v1  }
0x8c: {  	v16 =	vmul.f32 v16, v2;
	v57 =	vmov s5;
	[tilespmem:s15+$0x60] =	vst v8;
	v13 =	vld.idx.msk [tilespmem:v13+s22+$0x0], $0xffff  }
0x8d: {  	v20 =	vshrl.u32 v57, $0x3;
	[tilespmem:s11+$0xF0] =	vst v6;
	v6 =	vld.idx.msk [tilespmem:v3+s22+$0x0], $0xffff;
	v8 =	vmul.f32 v62, v11  }
0x8e: {  	[tilespmem:s15+$0x50] =	vst v16;
	v20 =	vshll.u32 v20, v0;
	v3 =	vld.idx.msk [tilespmem:v12+s22+$0x0], $0xffff;
	v12 =	vmul.f32 v14, v7  }
0x8f: {  	v20 =	vbroadcast v20, $0x0;
	v4 =	vld.idx.msk [tilespmem:v9+s22+$0x0], $0xffff;
	v9 =	vmul.f32 v19, v2;
	[tilespmem:s11+$0xFFFFFF40] =	vst v8  }
0x90: {  	v2 =	vld.idx.msk [tilespmem:v10+s22+$0x0], $0xffff;
	v10 =	vmul.f32 v50, v7;
	[tilespmem:s15+$0x90] =	vst v12  }
0x91: {  	v12 =	vmul.f32 v31, v5;
	[tilespmem:s15+$0x70] =	vst v9;
	v9 =	vld [tilespmem:s11+$0xFFFFFF50]  }
0x92: {  	[tilespmem:s15+$0x80] =	vst v10;
	v10 =	vld [tilespmem:s11+$0xFFFFFF60]  }
0x93: {  	v8 =	vmul.f32 v53, v7;
	[tilespmem:s15+$0xC0] =	vst v12;
	v12 =	vld [tilespmem:s11+$0xFFFFFFB0]  }
0x94: {  	[tilespmem:s15+$0xFFFFFFE0] =	vst v49;
	v14 =	vld [tilespmem:s11+$0xFFFFFF70];
	v7 =	vmul.f32 v30, v7  }
0x95: {  	v16 =	vld.idx.msk [tilespmem:v20+s22+$0x0], $0xffff;
	[tilespmem:s15+$0xA0] =	vst v8;
	v8 =	vmul.f32 v56, v5  }
0x96: {  	v18 =	vld [tilespmem:s11+$0xFFFFFF90];
	[tilespmem:s15+$0xB0] =	vst v7;
	v7 =	vmul.f32 v9, v11  }
0x97: {  	[tilespmem:s15+$0xD0] =	vst v8;
	v9 =	vld [tilespmem:s11+$0xFFFFFFA0];
	v10 =	vmul.f32 v10, v11  }
0x98: {  	v8 =	vld [tilespmem:s11+$0xFFFFFFC0];
	v63 =	vmul.f32 v12, v13;
	[tilespmem:s11+$0xFFFFFF50] =	vst v7  }
0x99: {  	v19 =	vld [tilespmem:s11+$0xFFFFFFD0];
	v7 =	vmul.f32 v14, v11;
	[tilespmem:s11+$0xFFFFFF60] =	vst v10  }
0x9a: {  	v5 =	vmul.f32 v32, v5;
	v11 =	vmul.f32 v15, v13;
	v15 =	vld [tilespmem:s11+$0xFFFFFFE0];
	[tilespmem:s11+$0xFFFFFFB0] =	vst v63  }
0x9b: {  	v12 =	vmul.f32 v60, v16;
	v14 =	vld [tilespmem:s11+$0xFFFFFFF0];
	[tilespmem:s11+$0xFFFFFF70] =	vst v7;
	v7 =	vmul.f32 v18, v13  }
0x9c: {  	v10 =	vmul.f32 v59, v16;
	[tilespmem:s11+$0xFFFFFF80] =	vst v11;
	v18 =	vmul.f32 v9, v13;
	v13 =	vld [tilespmem:s11+$0x0]  }
0x9d: {  	v11 =	vmul.f32 v17, v16;
	v17 =	vmul.f32 v8, v6;
	v8 =	vld [tilespmem:s11+$0x20];
	[tilespmem:s11+$0xFFFFFF90] =	vst v7  }
0x9e: {  	s13 =	smul.u32 $0xA0, s21;
	s5 =	simm.s32 $0x8;
	v9 =	vmul.f32 v61, v16;
	v16 =	vmul.f32 v19, v6;
	v7 =	vld [tilespmem:s11+$0x10];
	[tilespmem:s11+$0xFFFFFFA0] =	vst v18  }
.LBB2_15:
0x9f: {  	s8 =	sadd.s32 s5, s2;
	s5 =	sadd.s32 $0x8, s5;
	[tilespmem:s11+$0xFFFFFFC0] =	vst v17;
	v15 =	vmul.f32 v15, v6;
	v17 =	vld [tilespmem:s11+$0x30]  }
0xa0: {  	s9 =	sadd.s32 $0x9, s8;
	s10 =	sadd.s32 $0xF, s8;
	p3 =	slt.u32 s5, $0x48;
	[tilespmem:s11+$0xFFFFFFD0] =	vst v16;
	v6 =	vmul.f32 v14, v6;
	v14 =	vld [tilespmem:s11+$0x40]  }
0xa1: {  	s14 =	sadd.s32 $0xB, s8;
	s18 =	sadd.s32 $0xC, s8;
	v16 =	vmov s9;
	s9 =	sadd.s32 $0xA, s8;
	v18 =	vmov s10;
	[tilespmem:s11+$0xFFFFFFE0] =	vst v15;
	v13 =	vmul.f32 v13, v4;
	v15 =	vld [tilespmem:s11+$0x50]  }
0xa2: {  	s10 =	sadd.s32 $0x8, s8;
	v20 =	vmov s14;
	v19 =	vmov s9;
	s9 =	sadd.s32 $0xD, s8;
	s8 =	sadd.s32 $0xE, s8;
	v18 =	vshrl.u32 v18, $0x3;
	[tilespmem:s11+$0xFFFFFFF0] =	vst v6;
	v6 =	vld [tilespmem:s11+$0x60]  }
0xa3: {  	v21 =	vmov s18;
	v22 =	vmov s9;
	v18 =	vshll.u32 v18, v0;
	[tilespmem:s11+$0x0] =	vst v13;
	v13 =	vld [tilespmem:s11+$0x70]  }
0xa4: {  	v16 =	vshrl.u32 v16, $0x3;
	v23 =	vmov s8;
	v18 =	vadd.s32 $0x7, v18;
	v24 =	vld [tilespmem:s11+$0x80];
	[tilespmem:s15+$0xE0] =	vst v5;
	s15 =	smov.u32 s11  }
0xa5: {  	v5 =	vshrl.u32 v19, $0x3;
	v19 =	vshrl.u32 v20, $0x3;
	v18 =	vbroadcast v18, $0x0;
	[tilespmem:s11+$0xFFFFFF00] =	vst v10;
	v10 =	vld [tilespmem:s11+$0x90]  }
0xa6: {  	v20 =	vshrl.u32 v21, $0x3;
	v21 =	vshrl.u32 v22, $0x3;
	v22 =	vshrl.u32 v23, $0x3;
	[tilespmem:s11+$0xFFFFFF10] =	vst v11;
	v11 =	vld [tilespmem:s11+$0xA0]  }
0xa7: {  	v16 =	vshll.u32 v16, v0;
	v23 =	vmov s10;
	v5 =	vshll.u32 v5, v0;
	[tilespmem:s11+$0xFFFFFF20] =	vst v12;
	v12 =	vld [tilespmem:s11+$0xB0]  }
0xa8: {  	v19 =	vshll.u32 v19, v0;
	v20 =	vshll.u32 v20, v0;
	v21 =	vshll.u32 v21, v0;
	[tilespmem:s11+$0xFFFFFF30] =	vst v9;
	v9 =	vld [tilespmem:s11+$0xC0]  }
0xa9: {  	v16 =	vadd.s32 $0x1, v16;
	v23 =	vshrl.u32 v23, $0x3;
	v22 =	vshll.u32 v22, v0;
	v25 =	vld [tilespmem:s11+$0xD0]  }
0xaa: {  	v5 =	vadd.s32 $0x2, v5;
	v19 =	vadd.s32 $0x3, v19;
	v20 =	vadd.s32 $0x4, v20;
	v26 =	vld [tilespmem:s11+$0xE0]  }
0xab: {  	v23 =	vshll.u32 v23, v0;
	v21 =	vadd.s32 $0x5, v21;
	v22 =	vadd.s32 $0x6, v22;
	s11 =	sadd.s32 $0x200, s11;
	v18 =	vld.idx.msk [tilespmem:v18+s22+$0x0], $0xffff  }
0xac: {  	v16 =	vbroadcast v16, $0x0;
	v5 =	vbroadcast v5, $0x0;
	v27 =	vld [tilespmem:s11+$0xF0]  }
0xad: {  	v19 =	vbroadcast v19, $0x0;
	v20 =	vbroadcast v20, $0x0;
	v28 =	vld [tilespmem:s11+$0xFFFFFF00]  }
0xae: {  	v21 =	vbroadcast v21, $0x0;
	v22 =	vbroadcast v22, $0x0;
	v29 =	vld [tilespmem:s11+$0xFFFFFF10]  }
0xaf: {  	v7 =	vmul.f32 v7, v4;
	v23 =	vbroadcast v23, $0x0;
	v30 =	vld [tilespmem:s11+$0xFFFFFF20]  }
0xb0: {  	v8 =	vmul.f32 v8, v4;
	v4 =	vmul.f32 v17, v4;
	v31 =	vld [tilespmem:s11+$0xFFFFFF30]  }
0xb1: {  	v17 =	vld [tilespmem:s11+$0xFFFFFF40];
	v27 =	vmul.f32 v27, v18;
	[tilespmem:s15+$0x10] =	vst v7;
	v7 =	vmul.f32 v14, v3  }
0xb2: {  	v14 =	vld.idx.msk [tilespmem:v16+s22+$0x0], $0xffff;
	[tilespmem:s15+$0x20] =	vst v8;
	v8 =	vmul.f32 v15, v3;
	v15 =	vmul.f32 v6, v3  }
0xb3: {  	v13 =	vmul.f32 v13, v3;
	v24 =	vmul.f32 v24, v2;
	v16 =	vld.idx.msk [tilespmem:v5+s22+$0x0], $0xffff;
	[tilespmem:s11+$0xF0] =	vst v27  }
0xb4: {  	v10 =	vmul.f32 v10, v2;
	v11 =	vmul.f32 v11, v2;
	v6 =	vld.idx.msk [tilespmem:v19+s22+$0x0], $0xffff;
	[tilespmem:s15+$0x30] =	vst v4  }
0xb5: {  	v9 =	vmul.f32 v9, v1;
	v4 =	vld.idx.msk [tilespmem:v20+s22+$0x0], $0xffff;
	[tilespmem:s15+$0x40] =	vst v7;
	v7 =	vmul.f32 v12, v2  }
0xb6: {  	v5 =	vmul.f32 v26, v1;
	v3 =	vld.idx.msk [tilespmem:v21+s22+$0x0], $0xffff;
	[tilespmem:s15+$0x50] =	vst v8;
	v8 =	vmul.f32 v25, v1;
	v1 =	vmov v18  }
0xb7: {  	v2 =	vld.idx.msk [tilespmem:v22+s22+$0x0], $0xffff;
	[tilespmem:s15+$0x60] =	vst v15  }
0xb8: {  	v12 =	vmul.f32 v17, v14;
	v15 =	vld.idx.msk [tilespmem:v23+s22+$0x0], $0xffff;
	[tilespmem:s15+$0x70] =	vst v13  }
0xb9: {  	v13 =	vld [tilespmem:s11+$0xFFFFFF50];
	[tilespmem:s15+$0x80] =	vst v24  }
0xba: {  	[tilespmem:s11+$0xFFFFFF40] =	vst v12;
	v12 =	vld [tilespmem:s11+$0xFFFFFF60]  }
0xbb: {  	v17 =	vld [tilespmem:s11+$0xFFFFFF70];
	[tilespmem:s15+$0x90] =	vst v10  }
0xbc: {  	v18 =	vld [tilespmem:s11+$0xFFFFFF80];
	[tilespmem:s15+$0xA0] =	vst v11  }
0xbd: {  	v19 =	vld [tilespmem:s11+$0xFFFFFF90];
	[tilespmem:s15+$0xB0] =	vst v7  }
0xbe: {  	v10 =	vmul.f32 v28, v15;
	v7 =	vmul.f32 v13, v14;
	v13 =	vld [tilespmem:s11+$0xFFFFFFA0];
	[tilespmem:s15+$0xC0] =	vst v9  }
0xbf: {  	v11 =	vmul.f32 v29, v15;
	v20 =	vmul.f32 v12, v14;
	v21 =	vld [tilespmem:s11+$0xFFFFFFB0];
	[tilespmem:s15+$0xD0] =	vst v8  }
0xc0: {  	v12 =	vmul.f32 v30, v15;
	[tilespmem:s11+$0xFFFFFF50] =	vst v7;
	v7 =	vmul.f32 v17, v14;
	v8 =	vld [tilespmem:s11+$0xFFFFFFC0]  }
0xc1: {  	v9 =	vmul.f32 v31, v15;
	[tilespmem:s11+$0xFFFFFF60] =	vst v20;
	v14 =	vmul.f32 v18, v16;
	v18 =	vld [tilespmem:s11+$0xFFFFFFD0]  }
.Ltmp4:
0xc2: {  	[tilespmem:s11+$0xFFFFFF70] =	vst v7;
	v7 =	vmul.f32 v19, v16;
	v15 =	vld [tilespmem:s11+$0xFFFFFFE0];
	(pc) =	sbr.rel @p3 .LBB2_15-.Ltmp4, $4  }
0xc3: {  	[tilespmem:s11+$0xFFFFFF80] =	vst v14;
	v17 =	vmul.f32 v13, v16;
	v14 =	vld [tilespmem:s11+$0xFFFFFFF0]  }
0xc4: {  	[tilespmem:s11+$0xFFFFFF90] =	vst v7;
	v16 =	vmul.f32 v21, v16;
	v13 =	vld [tilespmem:s11+$0x0]  }
0xc5: {  	[tilespmem:s11+$0xFFFFFFA0] =	vst v17;
	v17 =	vmul.f32 v8, v6;
	v7 =	vld [tilespmem:s11+$0x10]  }
0xc6: {  	[tilespmem:s11+$0xFFFFFFB0] =	vst v16;
	v16 =	vmul.f32 v18, v6;
	v8 =	vld [tilespmem:s11+$0x20]  }
0xc7: {  	[tilespmem:s11+$0xFFFFFFC0] =	vst v17  }
0xc8: {  	[tilespmem:s15+$0xE0] =	vst v5  }
0xc9: {  	[tilespmem:s11+$0xFFFFFF00] =	vst v10  }
0xca: {  	[tilespmem:s11+$0xFFFFFF10] =	vst v11  }
0xcb: {  	[tilespmem:s11+$0xFFFFFF20] =	vst v12  }
0xcc: {  	v15 =	vmul.f32 v15, v6;
	v5 =	vld [tilespmem:s11+$0x40];
	[tilespmem:s11+$0xFFFFFF30] =	vst v9  }
0xcd: {  	[tilespmem:s11+$0xFFFFFFD0] =	vst v16;
	v6 =	vmul.f32 v14, v6;
	v14 =	vld [tilespmem:s11+$0x30]  }
0xce: {  	v10 =	vld [tilespmem:s11+$0x60];
	[tilespmem:s11+$0xFFFFFFE0] =	vst v15;
	v13 =	vmul.f32 v13, v4  }
0xcf: {  	[tilespmem:s11+$0xFFFFFFF0] =	vst v6;
	v6 =	vld [tilespmem:s11+$0x50];
	v7 =	vmul.f32 v7, v4  }
0xd0: {  	v9 =	vld [tilespmem:s11+$0x80];
	[tilespmem:s11+$0x0] =	vst v13;
	v8 =	vmul.f32 v8, v4  }
0xd1: {  	v11 =	vld [tilespmem:s11+$0x70];
	[tilespmem:s11+$0x10] =	vst v7;
	v5 =	vmul.f32 v5, v3  }
0xd2: {  	v7 =	vld [tilespmem:s11+$0x90];
	v4 =	vmul.f32 v14, v4;
	[tilespmem:s11+$0x20] =	vst v8  }
0xd3: {  	v10 =	vmul.f32 v10, v3;
	v8 =	vld [tilespmem:s11+$0xA0];
	[tilespmem:s11+$0x40] =	vst v5  }
0xd4: {  	v6 =	vmul.f32 v6, v3;
	[tilespmem:s11+$0x30] =	vst v4;
	v4 =	vld [tilespmem:s11+$0xB0]  }
0xd5: {  	v9 =	vmul.f32 v9, v2;
	v5 =	vld [tilespmem:s11+$0xC0];
	[tilespmem:s11+$0x60] =	vst v10  }
0xd6: {  	v3 =	vmul.f32 v11, v3;
	[tilespmem:s11+$0x50] =	vst v6;
	v6 =	vld [tilespmem:s11+$0xD0]  }
0xd7: {  	v10 =	vld [tilespmem:s11+$0xE0];
	[tilespmem:s11+$0x80] =	vst v9;
	v7 =	vmul.f32 v7, v2  }
0xd8: {  	[tilespmem:s11+$0x70] =	vst v3;
	v3 =	vmul.f32 v8, v2  }
0xd9: {  	[tilespmem:s11+$0x90] =	vst v7;
	v2 =	vmul.f32 v4, v2  }
0xda: {  	v4 =	vmul.f32 v5, v1;
	[tilespmem:s11+$0xA0] =	vst v3  }
0xdb: {  	s9 =	smul.u32 $0x280, s21;
	v3 =	vmul.f32 v6, v1;
	[tilespmem:s11+$0xB0] =	vst v2  }
0xdc: {  	s5 =	sadd.s32 $0xFFFFFFF8, s2;
	v1 =	vmul.f32 v10, v1;
	[tilespmem:s11+$0xC0] =	vst v4  }
0xdd: {  	s8 =	sadd.s32 $0x5F, s5;
	s18 =	sshra.s32 s9, $0x2;
	[tilespmem:s11+$0xD0] =	vst v3  }
0xde: {  	v2 =	vmov s8;
	s8 =	sadd.s32 $0x4E20, s18;
	[tilespmem:s11+$0xE0] =	vst v1  }
0xdf: {  	[spmem:s3] =	stream.indirect.scatter.add.f32 [tilespmem:s29], [sflag:$0x3], $0x40, s8, s28, $0xb8;
	[tilespmem:$0x1E2A0] =	vst v63  }
0xe0: {  	_ =	swait.ge [sflag:s25], $0x1400  }
0xe1: {  	s15 =	sadd.s32 $0x5D, s5;
	[sflag:s25] =	ssyncset.done $0x0  }
0xe2: {  	v6 =	vmov s15;
	s15 =	simm.s32 $0xFF60;
	[sflag:s25] =	ssyncadd.s32 $0xFFFFEC00  }
0xe3: {  	v9 =	vld [tilespmem:s15+$0xFFFFFF00]  }
0xe4: {  	v10 =	vld [tilespmem:s15+$0xFFFFFF10]  }
0xe5: {  	v11 =	vld [tilespmem:s15+$0xFFFFFF20]  }
0xe6: {  	v13 =	vld [tilespmem:s15+$0xFFFFFF30]  }
0xe7: {  	v14 =	vld [tilespmem:s15+$0xFFFFFF40]  }
0xe8: {  	v16 =	vld [tilespmem:s15+$0xFFFFFF70]  }
0xe9: {  	v17 =	vld [tilespmem:s15+$0xFFFFFF80]  }
0xea: {  	s14 =	sadd.s32 $0x5C, s5;
	v18 =	vld [tilespmem:s15+$0xFFFFFF90]  }
0xeb: {  	s10 =	sadd.s32 $0x5B, s5;
	s9 =	sadd.s32 $0x59, s5;
	v5 =	vmov s14;
	v2 =	vshrl.u32 v2, $0x3;
	v19 =	vld [tilespmem:s15+$0xFFFFFFA0]  }
0xec: {  	v8 =	vshrl.u32 v5, $0x3;
	s18 =	sadd.s32 $0x5E, s5;
	v2 =	vshll.u32 v2, v0;
	s11 =	sadd.s32 $0x5A, s5;
	s5 =	sadd.s32 $0x58, s5;
	v20 =	vld [tilespmem:s15+$0xFFFFFFB0]  }
0xed: {  	v1 =	vadd.s32 $0x7, v2;
	v2 =	vmov s9;
	v12 =	vmov s5;
	v21 =	vld [tilespmem:s15+$0xFFFFFFC0]  }
0xee: {  	v1 =	vbroadcast v1, $0x0;
	v2 =	vshrl.u32 v2, $0x3;
	v12 =	vshrl.u32 v12, $0x3;
	v22 =	vld [tilespmem:s15+$0xFFFFFFD0]  }
0xef: {  	v3 =	vmov s11;
	v2 =	vshll.u32 v2, v0;
	v12 =	vshll.u32 v12, v0;
	v23 =	vld [tilespmem:s15+$0xFFFFFFE0]  }
0xf0: {  	v3 =	vshrl.u32 v3, $0x3;
	v2 =	vadd.s32 $0x1, v2;
	v12 =	vbroadcast v12, $0x0;
	v24 =	vld [tilespmem:s15+$0xFFFFFFF0]  }
0xf1: {  	v4 =	vmov s10;
	v3 =	vshll.u32 v3, v0;
	v2 =	vbroadcast v2, $0x0;
	v25 =	vld [tilespmem:s15+$0x0]  }
0xf2: {  	v8 =	vshll.u32 v8, v0;
	v6 =	vshrl.u32 v6, $0x3;
	v3 =	vadd.s32 $0x2, v3;
	v26 =	vld [tilespmem:s15+$0x10]  }
0xf3: {  	v8 =	vadd.s32 $0x4, v8;
	v6 =	vshll.u32 v6, v0;
	v3 =	vbroadcast v3, $0x0;
	v27 =	vld [tilespmem:s15+$0x20]  }
0xf4: {  	v4 =	vshrl.u32 v4, $0x3;
	v8 =	vbroadcast v8, $0x0;
	v6 =	vadd.s32 $0x5, v6;
	v5 =	vld.idx.msk [tilespmem:v1+s22+$0x0], $0xffff  }
0xf5: {  	v6 =	vbroadcast v6, $0x0;
	v1 =	vshll.u32 v4, v0;
	v4 =	vld [tilespmem:s15+$0xF0]  }
0xf6: {  	v7 =	vmov s18;
	v1 =	vadd.s32 $0x3, v1;
	v12 =	vld.idx.msk [tilespmem:v12+s22+$0x0], $0xffff  }
0xf7: {  	v7 =	vshrl.u32 v7, $0x3;
	v1 =	vbroadcast v1, $0x0;
	v15 =	vld.idx.msk [tilespmem:v2+s22+$0x0], $0xffff  }
0xf8: {  	v7 =	vshll.u32 v7, v0;
	v28 =	vld [tilespmem:s15+$0x30]  }
0xf9: {  	v7 =	vadd.s32 $0x6, v7;
	v3 =	vld.idx.msk [tilespmem:v3+s22+$0x0], $0xffff  }
0xfa: {  	v7 =	vbroadcast v7, $0x0;
	v8 =	vld.idx.msk [tilespmem:v8+s22+$0x0], $0xffff  }
0xfb: {  	v2 =	vld.idx.msk [tilespmem:v6+s22+$0x0], $0xffff;
	v4 =	vmul.f32 v4, v5;
	v9 =	vmul.f32 v9, v12  }
0xfc: {  	v10 =	vmul.f32 v10, v12;
	v6 =	vmul.f32 v14, v15;
	v14 =	vld [tilespmem:s15+$0xFFFFFF50]  }
0xfd: {  	[tilespmem:s15+$0xF0] =	vst v4;
	v4 =	vmul.f32 v11, v12;
	v12 =	vmul.f32 v13, v12;
	v1 =	vld.idx.msk [tilespmem:v1+s22+$0x0], $0xffff  }
0xfe: {  	s5 =	sadd.s32 $0x0, s2;
	v13 =	vmul.f32 v17, v3;
	v17 =	vmul.f32 v19, v3;
	[tilespmem:s15+$0xFFFFFF40] =	vst v6;
	v6 =	vld [tilespmem:s15+$0xFFFFFF60]  }
0xff: {  	s14 =	sadd.s32 $0x59, s5;
	v50 =	vld [tilespmem:s15+$0x80];
	[tilespmem:s15+$0xFFFFFF00] =	vst v9  }
0x100: {  	v53 =	vld [tilespmem:s15+$0xA0];
	v11 =	vmul.f32 v16, v15;
	[tilespmem:s15+$0xFFFFFFA0] =	vst v17;
	v17 =	vmov s14;
	s14 =	sadd.s32 $0x5D, s5  }
0x101: {  	s18 =	sadd.s32 $0x5A, s5;
	v30 =	vld [tilespmem:s15+$0xB0];
	[tilespmem:s15+$0xFFFFFF20] =	vst v4;
	v29 =	vmov s14;
	v14 =	vmul.f32 v14, v15  }
0x102: {  	s11 =	sadd.s32 $0x5F, s5;
	v52 =	vmov s18;
	v31 =	vld [tilespmem:s15+$0xC0];
	v51 =	vmul.f32 v25, v8;
	[tilespmem:s15+$0xFFFFFF70] =	vst v11;
	v55 =	vshrl.u32 v29, $0x3  }
0x103: {  	v56 =	vld [tilespmem:s15+$0xD0];
	v11 =	vmul.f32 v21, v1;
	v6 =	vmul.f32 v6, v15;
	[tilespmem:s15+$0xFFFFFF50] =	vst v14;
	v14 =	vmov s11  }
0x104: {  	v7 =	vld.idx.msk [tilespmem:v7+s22+$0x0], $0xffff;
	[tilespmem:s15+$0xFFFFFF80] =	vst v13;
	v13 =	vmul.f32 v22, v1;
	v49 =	vmul.f32 v23, v1;
	v14 =	vshrl.u32 v14, $0x3  }
0x105: {  	v32 =	vld [tilespmem:s15+$0xE0];
	v1 =	vmul.f32 v24, v1;
	[tilespmem:s15+$0xFFFFFF60] =	vst v6;
	v6 =	vmul.f32 v18, v3;
	v14 =	vshll.u32 v14, v0  }
0x106: {  	v16 =	vld [tilespmem:s15+$0x50];
	v23 =	vshrl.u32 v52, $0x3;
	v9 =	vshll.u32 v55, v0;
	[tilespmem:s15+$0xFFFFFFC0] =	vst v11;
	v14 =	vadd.s32 $0x7, v14  }
0x107: {  	v4 =	vadd.s32 $0x5, v9;
	v15 =	vld [tilespmem:s15+$0x40];
	v11 =	vshrl.u32 v17, $0x3;
	[tilespmem:s15+$0xFFFFFF90] =	vst v6;
	v6 =	vbroadcast v14, $0x0  }
0x108: {  	v19 =	vld [tilespmem:s15+$0x70];
	[tilespmem:s15+$0xFFFFFF30] =	vst v12;
	v23 =	vshll.u32 v23, v0;
	s11 =	sadd.s32 $0x5C, s5;
	v12 =	vbroadcast v4, $0x0;
	v11 =	vshll.u32 v11, v0  }
0x109: {  	s18 =	sadd.s32 $0x5E, s5;
	v54 =	vmov s11;
	s11 =	simm.s32 $0x10160;
	v18 =	vld [tilespmem:s15+$0x60];
	v3 =	vmul.f32 v20, v3;
	v11 =	vadd.s32 $0x1, v11  }
0x10a: {  	s10 =	sadd.s32 $0x5B, s5;
	v17 =	vmov s18;
	[tilespmem:s15+$0xFFFFFFD0] =	vst v13;
	v4 =	vmul.f32 v27, v8;
	v58 =	vld [tilespmem:s11+$0xF0];
	v11 =	vbroadcast v11, $0x0  }
0x10b: {  	v17 =	vshrl.u32 v17, $0x3;
	v13 =	vshrl.u32 v54, $0x3;
	v59 =	vld [tilespmem:s11+$0xFFFFFF00];
	[tilespmem:s15+$0xFFFFFFB0] =	vst v3;
	v3 =	vmov s10  }
0x10c: {  	[tilespmem:s15+$0xFFFFFF10] =	vst v10;
	v10 =	vshll.u32 v17, v0;
	v17 =	vld [tilespmem:s11+$0xFFFFFF10];
	v3 =	vshrl.u32 v3, $0x3;
	v15 =	vmul.f32 v15, v2  }
0x10d: {  	[tilespmem:s15+$0xFFFFFFF0] =	vst v1;
	v3 =	vshll.u32 v3, v0;
	v1 =	vld.idx.msk [tilespmem:v6+s22+$0x0], $0xffff;
	v6 =	vshll.u32 v13, v0;
	v13 =	vadd.s32 $0x2, v23  }
0x10e: {  	v60 =	vld [tilespmem:s11+$0xFFFFFF20];
	v3 =	vadd.s32 $0x3, v3;
	v13 =	vbroadcast v13, $0x0;
	v6 =	vadd.s32 $0x4, v6  }
0x10f: {  	[tilespmem:s15+$0x0] =	vst v51;
	v62 =	vld [tilespmem:s11+$0xFFFFFF40];
	v3 =	vbroadcast v3, $0x0;
	v9 =	vbroadcast v6, $0x0  }
0x110: {  	[tilespmem:s15+$0xFFFFFFE0] =	vst v49;
	v11 =	vld.idx.msk [tilespmem:v11+s22+$0x0], $0xffff;
	v6 =	vmul.f32 v26, v8;
	v8 =	vmul.f32 v28, v8  }
0x111: {  	v10 =	vadd.s32 $0x6, v10;
	v14 =	vld [tilespmem:s15+$0x90];
	[tilespmem:s15+$0x40] =	vst v15  }
0x112: {  	v61 =	vld [tilespmem:s11+$0xFFFFFF30];
	v10 =	vbroadcast v10, $0x0;
	[tilespmem:s15+$0x30] =	vst v8;
	v8 =	vmul.f32 v18, v2  }
0x113: {  	s5 =	sadd.s32 $0x58, s5;
	v15 =	vld [tilespmem:s11+$0xFFFFFF80];
	[tilespmem:s15+$0x10] =	vst v6;
	v6 =	vmul.f32 v58, v1  }
0x114: {  	v57 =	vmov s5;
	[tilespmem:s15+$0x60] =	vst v8;
	v13 =	vld.idx.msk [tilespmem:v13+s22+$0x0], $0xffff  }
0x115: {  	v20 =	vshrl.u32 v57, $0x3;
	v8 =	vmul.f32 v62, v11;
	[tilespmem:s11+$0xF0] =	vst v6;
	v6 =	vld.idx.msk [tilespmem:v3+s22+$0x0], $0xffff  }
0x116: {  	[tilespmem:s15+$0x20] =	vst v4;
	v20 =	vshll.u32 v20, v0;
	v3 =	vld.idx.msk [tilespmem:v12+s22+$0x0], $0xffff;
	v12 =	vmul.f32 v14, v7  }
0x117: {  	v20 =	vbroadcast v20, $0x0;
	v4 =	vld.idx.msk [tilespmem:v9+s22+$0x0], $0xffff;
	v9 =	vmul.f32 v19, v2;
	[tilespmem:s11+$0xFFFFFF40] =	vst v8  }
0x118: {  	v16 =	vmul.f32 v16, v2;
	v2 =	vld.idx.msk [tilespmem:v10+s22+$0x0], $0xffff;
	v10 =	vmul.f32 v50, v7;
	[tilespmem:s15+$0x90] =	vst v12  }
0x119: {  	v12 =	vmul.f32 v31, v5;
	[tilespmem:s15+$0x70] =	vst v9;
	v9 =	vld [tilespmem:s11+$0xFFFFFF50]  }
0x11a: {  	[tilespmem:s15+$0x80] =	vst v10;
	v10 =	vld [tilespmem:s11+$0xFFFFFF60]  }
0x11b: {  	v8 =	vmul.f32 v53, v7;
	[tilespmem:s15+$0xC0] =	vst v12;
	v12 =	vld [tilespmem:s11+$0xFFFFFFB0]  }
0x11c: {  	[tilespmem:s15+$0x50] =	vst v16;
	v14 =	vld [tilespmem:s11+$0xFFFFFF70];
	v7 =	vmul.f32 v30, v7  }
0x11d: {  	v16 =	vld.idx.msk [tilespmem:v20+s22+$0x0], $0xffff;
	[tilespmem:s15+$0xA0] =	vst v8;
	v8 =	vmul.f32 v56, v5  }
0x11e: {  	v18 =	vld [tilespmem:s11+$0xFFFFFF90];
	[tilespmem:s15+$0xB0] =	vst v7;
	v7 =	vmul.f32 v9, v11  }
0x11f: {  	[tilespmem:s15+$0xD0] =	vst v8;
	v9 =	vld [tilespmem:s11+$0xFFFFFFA0];
	v10 =	vmul.f32 v10, v11  }
0x120: {  	v8 =	vld [tilespmem:s11+$0xFFFFFFC0];
	v63 =	vmul.f32 v12, v13;
	[tilespmem:s11+$0xFFFFFF50] =	vst v7  }
0x121: {  	v19 =	vld [tilespmem:s11+$0xFFFFFFD0];
	v7 =	vmul.f32 v14, v11;
	[tilespmem:s11+$0xFFFFFF60] =	vst v10  }
0x122: {  	v5 =	vmul.f32 v32, v5;
	v11 =	vmul.f32 v15, v13;
	v15 =	vld [tilespmem:s11+$0xFFFFFFE0];
	[tilespmem:s11+$0xFFFFFFB0] =	vst v63  }
0x123: {  	v12 =	vmul.f32 v60, v16;
	v14 =	vld [tilespmem:s11+$0xFFFFFFF0];
	[tilespmem:s11+$0xFFFFFF70] =	vst v7;
	v7 =	vmul.f32 v18, v13  }
0x124: {  	v10 =	vmul.f32 v59, v16;
	[tilespmem:s11+$0xFFFFFF80] =	vst v11;
	v18 =	vmul.f32 v9, v13;
	v13 =	vld [tilespmem:s11+$0x0]  }
0x125: {  	v11 =	vmul.f32 v17, v16;
	v17 =	vmul.f32 v8, v6;
	v8 =	vld [tilespmem:s11+$0x20];
	[tilespmem:s11+$0xFFFFFF90] =	vst v7  }
0x126: {  	s13 =	sadd.s32 $0x50, s13;
	s5 =	simm.s32 $0x8;
	v9 =	vmul.f32 v61, v16;
	v16 =	vmul.f32 v19, v6;
	v7 =	vld [tilespmem:s11+$0x10];
	[tilespmem:s11+$0xFFFFFFA0] =	vst v18  }
.LBB2_17:
0x127: {  	s8 =	sadd.s32 s5, s2;
	s5 =	sadd.s32 $0x8, s5;
	[tilespmem:s11+$0xFFFFFFC0] =	vst v17;
	v15 =	vmul.f32 v15, v6;
	v17 =	vld [tilespmem:s11+$0x30]  }
0x128: {  	s9 =	sadd.s32 $0x59, s8;
	s10 =	sadd.s32 $0x5F, s8;
	p3 =	slt.u32 s5, $0x48;
	[tilespmem:s11+$0xFFFFFFD0] =	vst v16;
	v6 =	vmul.f32 v14, v6;
	v14 =	vld [tilespmem:s11+$0x40]  }
0x129: {  	s14 =	sadd.s32 $0x5B, s8;
	s18 =	sadd.s32 $0x5C, s8;
	v16 =	vmov s9;
	s9 =	sadd.s32 $0x5A, s8;
	v18 =	vmov s10;
	[tilespmem:s11+$0xFFFFFFE0] =	vst v15;
	v13 =	vmul.f32 v13, v4;
	v15 =	vld [tilespmem:s11+$0x50]  }
0x12a: {  	s10 =	sadd.s32 $0x58, s8;
	v20 =	vmov s14;
	v19 =	vmov s9;
	s9 =	sadd.s32 $0x5D, s8;
	s8 =	sadd.s32 $0x5E, s8;
	v18 =	vshrl.u32 v18, $0x3;
	[tilespmem:s11+$0xFFFFFFF0] =	vst v6;
	v6 =	vld [tilespmem:s11+$0x60]  }
0x12b: {  	v21 =	vmov s18;
	v22 =	vmov s9;
	v18 =	vshll.u32 v18, v0;
	[tilespmem:s11+$0x0] =	vst v13;
	v13 =	vld [tilespmem:s11+$0x70]  }
0x12c: {  	v16 =	vshrl.u32 v16, $0x3;
	v23 =	vmov s8;
	v18 =	vadd.s32 $0x7, v18;
	v24 =	vld [tilespmem:s11+$0x80];
	[tilespmem:s15+$0xE0] =	vst v5;
	s15 =	smov.u32 s11  }
0x12d: {  	v5 =	vshrl.u32 v19, $0x3;
	v19 =	vshrl.u32 v20, $0x3;
	v18 =	vbroadcast v18, $0x0;
	[tilespmem:s11+$0xFFFFFF00] =	vst v10;
	v10 =	vld [tilespmem:s11+$0x90]  }
0x12e: {  	v20 =	vshrl.u32 v21, $0x3;
	v21 =	vshrl.u32 v22, $0x3;
	v22 =	vshrl.u32 v23, $0x3;
	[tilespmem:s11+$0xFFFFFF10] =	vst v11;
	v11 =	vld [tilespmem:s11+$0xA0]  }
0x12f: {  	v16 =	vshll.u32 v16, v0;
	v23 =	vmov s10;
	v5 =	vshll.u32 v5, v0;
	[tilespmem:s11+$0xFFFFFF20] =	vst v12;
	v12 =	vld [tilespmem:s11+$0xB0]  }
0x130: {  	v19 =	vshll.u32 v19, v0;
	v20 =	vshll.u32 v20, v0;
	v21 =	vshll.u32 v21, v0;
	[tilespmem:s11+$0xFFFFFF30] =	vst v9;
	v9 =	vld [tilespmem:s11+$0xC0]  }
0x131: {  	v16 =	vadd.s32 $0x1, v16;
	v23 =	vshrl.u32 v23, $0x3;
	v22 =	vshll.u32 v22, v0;
	v25 =	vld [tilespmem:s11+$0xD0]  }
0x132: {  	v5 =	vadd.s32 $0x2, v5;
	v19 =	vadd.s32 $0x3, v19;
	v20 =	vadd.s32 $0x4, v20;
	v26 =	vld [tilespmem:s11+$0xE0]  }
0x133: {  	v23 =	vshll.u32 v23, v0;
	v21 =	vadd.s32 $0x5, v21;
	v22 =	vadd.s32 $0x6, v22;
	s11 =	sadd.s32 $0x200, s11;
	v18 =	vld.idx.msk [tilespmem:v18+s22+$0x0], $0xffff  }
0x134: {  	v16 =	vbroadcast v16, $0x0;
	v5 =	vbroadcast v5, $0x0;
	v27 =	vld [tilespmem:s11+$0xF0]  }
0x135: {  	v19 =	vbroadcast v19, $0x0;
	v20 =	vbroadcast v20, $0x0;
	v28 =	vld [tilespmem:s11+$0xFFFFFF00]  }
0x136: {  	v21 =	vbroadcast v21, $0x0;
	v22 =	vbroadcast v22, $0x0;
	v29 =	vld [tilespmem:s11+$0xFFFFFF10]  }
0x137: {  	v7 =	vmul.f32 v7, v4;
	v23 =	vbroadcast v23, $0x0;
	v30 =	vld [tilespmem:s11+$0xFFFFFF20]  }
0x138: {  	v8 =	vmul.f32 v8, v4;
	v4 =	vmul.f32 v17, v4;
	v31 =	vld [tilespmem:s11+$0xFFFFFF30]  }
0x139: {  	v17 =	vld [tilespmem:s11+$0xFFFFFF40];
	v27 =	vmul.f32 v27, v18;
	[tilespmem:s15+$0x10] =	vst v7;
	v7 =	vmul.f32 v14, v3  }
0x13a: {  	v14 =	vld.idx.msk [tilespmem:v16+s22+$0x0], $0xffff;
	[tilespmem:s15+$0x20] =	vst v8;
	v8 =	vmul.f32 v15, v3;
	v15 =	vmul.f32 v6, v3  }
0x13b: {  	v13 =	vmul.f32 v13, v3;
	v24 =	vmul.f32 v24, v2;
	v16 =	vld.idx.msk [tilespmem:v5+s22+$0x0], $0xffff;
	[tilespmem:s11+$0xF0] =	vst v27  }
0x13c: {  	v10 =	vmul.f32 v10, v2;
	v11 =	vmul.f32 v11, v2;
	v6 =	vld.idx.msk [tilespmem:v19+s22+$0x0], $0xffff;
	[tilespmem:s15+$0x30] =	vst v4  }
0x13d: {  	v9 =	vmul.f32 v9, v1;
	v4 =	vld.idx.msk [tilespmem:v20+s22+$0x0], $0xffff;
	[tilespmem:s15+$0x40] =	vst v7;
	v7 =	vmul.f32 v12, v2  }
0x13e: {  	v5 =	vmul.f32 v26, v1;
	v3 =	vld.idx.msk [tilespmem:v21+s22+$0x0], $0xffff;
	[tilespmem:s15+$0x50] =	vst v8;
	v8 =	vmul.f32 v25, v1;
	v1 =	vmov v18  }
0x13f: {  	v2 =	vld.idx.msk [tilespmem:v22+s22+$0x0], $0xffff;
	[tilespmem:s15+$0x60] =	vst v15  }
0x140: {  	v12 =	vmul.f32 v17, v14;
	v15 =	vld.idx.msk [tilespmem:v23+s22+$0x0], $0xffff;
	[tilespmem:s15+$0x70] =	vst v13  }
0x141: {  	v13 =	vld [tilespmem:s11+$0xFFFFFF50];
	[tilespmem:s15+$0x80] =	vst v24  }
0x142: {  	[tilespmem:s11+$0xFFFFFF40] =	vst v12;
	v12 =	vld [tilespmem:s11+$0xFFFFFF60]  }
0x143: {  	v17 =	vld [tilespmem:s11+$0xFFFFFF70];
	[tilespmem:s15+$0x90] =	vst v10  }
0x144: {  	v18 =	vld [tilespmem:s11+$0xFFFFFF80];
	[tilespmem:s15+$0xA0] =	vst v11  }
0x145: {  	v19 =	vld [tilespmem:s11+$0xFFFFFF90];
	[tilespmem:s15+$0xB0] =	vst v7  }
0x146: {  	v10 =	vmul.f32 v28, v15;
	v7 =	vmul.f32 v13, v14;
	v13 =	vld [tilespmem:s11+$0xFFFFFFA0];
	[tilespmem:s15+$0xC0] =	vst v9  }
0x147: {  	v11 =	vmul.f32 v29, v15;
	v20 =	vmul.f32 v12, v14;
	v21 =	vld [tilespmem:s11+$0xFFFFFFB0];
	[tilespmem:s15+$0xD0] =	vst v8  }
0x148: {  	v12 =	vmul.f32 v30, v15;
	[tilespmem:s11+$0xFFFFFF50] =	vst v7;
	v7 =	vmul.f32 v17, v14;
	v8 =	vld [tilespmem:s11+$0xFFFFFFC0]  }
0x149: {  	v9 =	vmul.f32 v31, v15;
	[tilespmem:s11+$0xFFFFFF60] =	vst v20;
	v14 =	vmul.f32 v18, v16;
	v18 =	vld [tilespmem:s11+$0xFFFFFFD0]  }
.Ltmp5:
0x14a: {  	[tilespmem:s11+$0xFFFFFF70] =	vst v7;
	v7 =	vmul.f32 v19, v16;
	v15 =	vld [tilespmem:s11+$0xFFFFFFE0];
	(pc) =	sbr.rel @p3 .LBB2_17-.Ltmp5, $4  }
0x14b: {  	[tilespmem:s11+$0xFFFFFF80] =	vst v14;
	v17 =	vmul.f32 v13, v16;
	v14 =	vld [tilespmem:s11+$0xFFFFFFF0]  }
0x14c: {  	[tilespmem:s11+$0xFFFFFF90] =	vst v7;
	v16 =	vmul.f32 v21, v16;
	v13 =	vld [tilespmem:s11+$0x0]  }
0x14d: {  	[tilespmem:s11+$0xFFFFFFA0] =	vst v17;
	v17 =	vmul.f32 v8, v6;
	v7 =	vld [tilespmem:s11+$0x10]  }
0x14e: {  	[tilespmem:s11+$0xFFFFFFB0] =	vst v16;
	v16 =	vmul.f32 v18, v6;
	v8 =	vld [tilespmem:s11+$0x20]  }
0x14f: {  	[tilespmem:s11+$0xFFFFFFC0] =	vst v17  }
0x150: {  	[tilespmem:s15+$0xE0] =	vst v5  }
0x151: {  	[tilespmem:s11+$0xFFFFFF00] =	vst v10  }
0x152: {  	[tilespmem:s11+$0xFFFFFF10] =	vst v11  }
0x153: {  	[tilespmem:s11+$0xFFFFFF20] =	vst v12  }
0x154: {  	v15 =	vmul.f32 v15, v6;
	v50 =	vld [tilespmem:s11+$0x30];
	[tilespmem:s11+$0xFFFFFF30] =	vst v9  }
0x155: {  	v51 =	vld [tilespmem:s11+$0x40];
	[tilespmem:s11+$0xFFFFFFD0] =	vst v16;
	v49 =	vmul.f32 v14, v6  }
0x156: {  	v52 =	vld [tilespmem:s11+$0x50];
	[tilespmem:s11+$0xFFFFFFE0] =	vst v15;
	v13 =	vmul.f32 v13, v4  }
0x157: {  	v53 =	vld [tilespmem:s11+$0x60];
	[tilespmem:s11+$0xFFFFFFF0] =	vst v49;
	v7 =	vmul.f32 v7, v4  }
0x158: {  	v54 =	vld [tilespmem:s11+$0x70];
	[tilespmem:s11+$0x0] =	vst v13;
	v8 =	vmul.f32 v8, v4  }
0x159: {  	v55 =	vld [tilespmem:s11+$0x80];
	v56 =	vmul.f32 v50, v4;
	[tilespmem:s11+$0x10] =	vst v7  }
0x15a: {  	v57 =	vld [tilespmem:s11+$0x90];
	v5 =	vmul.f32 v51, v3;
	[tilespmem:s11+$0x20] =	vst v8  }
0x15b: {  	v60 =	vld [tilespmem:s11+$0xC0];
	v6 =	vmul.f32 v52, v3;
	[tilespmem:s11+$0x30] =	vst v56  }
0x15c: {  	v58 =	vld [tilespmem:s11+$0xA0];
	v10 =	vmul.f32 v53, v3;
	[tilespmem:s11+$0x40] =	vst v5  }
0x15d: {  	v59 =	vld [tilespmem:s11+$0xB0];
	v3 =	vmul.f32 v54, v3;
	[tilespmem:s11+$0x50] =	vst v6  }
0x15e: {  	v61 =	vld [tilespmem:s11+$0xD0];
	v9 =	vmul.f32 v55, v2;
	[tilespmem:s11+$0x60] =	vst v10  }
0x15f: {  	v62 =	vld [tilespmem:s11+$0xE0];
	v7 =	vmul.f32 v57, v2;
	[tilespmem:s11+$0x70] =	vst v3  }
0x160: {  	v63 =	vmul.f32 v60, v1;
	[tilespmem:s11+$0x80] =	vst v9  }
0x161: {  	v3 =	vmul.f32 v58, v2;
	[tilespmem:s11+$0x90] =	vst v7  }
0x162: {  	v2 =	vmul.f32 v59, v2;
	[tilespmem:s11+$0xC0] =	vst v63  }
0x163: {  	[tilespmem:s11+$0xA0] =	vst v3;
	v3 =	vmul.f32 v61, v1  }
0x164: {  	[tilespmem:s11+$0xB0] =	vst v2;
	v1 =	vmul.f32 v62, v1  }
0x165: {  	s5 =	sshll.u32 s21, $0x1;
	[tilespmem:s11+$0xD0] =	vst v3  }
0x166: {  	s8 =	sadd.s32 $0x4E20, s13;
	s18 =	smin.u32 s5, $0xF7;
	[tilespmem:s11+$0xE0] =	vst v1  }
0x167: {  	[spmem:s3] =	stream.indirect.scatter.add.f32 [tilespmem:s30], [sflag:$0x4], $0x40, s8, s28, $0xb8;
	[tilespmem:$0x1E2A0] =	vst v63  }
0x168: {  	s8 =	smul.u32 $0x140, s18  }
0x169: {  	s21 =	sadd.s32 $0x1, s21;
	s5 =	smin.u32 s5, $0xF6;
	_ =	swait.ge [sflag:s26], $0x1400  }
0x16a: {  	p3 =	sne.s32 s21, $0x7D;
	[sflag:s26] =	ssyncset.done $0x0;
	s8 =	sshrl.u32 s8, $0x2  }
0x16b: {  	s5 =	smul.u32 $0x140, s5;
	[sflag:s26] =	ssyncadd.s32 $0xFFFFEC00;
	s8 =	sadd.s32 $0xA0, s8  }
0x16c: {  	[tilespmem:s29], [sflag:$0x1] =	stream.indirect.gather [hbm4b:s7+s28], $0x40, s8, s28, $0xb8;
	[tilespmem:$0x1E2A0] =	vst v63  }
.Ltmp6:
0x16d: {  	_ = 	snop;
	(pc) =	sbr.rel @p3 .LBB2_14-.Ltmp6, $4  }
0x16e: {  	_ =	swait.ge [sflag:s0], $0x1400  }
0x16f: {  	s5 =	sshrl.u32 s5, $0x2;
	[sflag:s0] =	ssyncset.done $0x0  }
0x170: {  	s2 =	sadd.s32 $0xA0, s2;
	s5 =	sadd.s32 $0xF0, s5;
	[sflag:s0] =	ssyncadd.s32 $0xFFFFEC00  }
0x171: {  	[tilespmem:s30], [sflag:$0x2] =	stream.indirect.gather [hbm4b:s7+s28], $0x40, s5, s28, $0xb8;
	[tilespmem:$0x1E2A0] =	vst v63  }
0x172: {  	_ =	swait.ge [sflag:s31], $0x1400  }
0x173: {  	[sflag:s31] =	ssyncset.done $0x0  }
0x174: {  	[sflag:s31] =	ssyncadd.s32 $0xFFFFEC00  }
0x175: {  	_ =	swait.ge [sflag:s25], $0x1400  }
0x176: {  	[sflag:s25] =	ssyncset.done $0x0  }
0x177: {  	[sflag:s25] =	ssyncadd.s32 $0xFFFFEC00  }
0x178: {  	[bflag:$0x0] =	sbarrier.arrive $0xFFFF  }
0x179: {  	s2 =	stileid.u32;
	s5 =	rddreg [dreg:$0x9]  }
0x17a: {  	s2 =	sshll.u32 s2, $0x6;
	s8 =	rddreg [dreg:$0xb]  }
0x17b: {  	s2 =	sor.u32 $0x1C05, s2;
	s5 =	sadd.s32 s5, s17;
	s8 =	sshrl.u32 s8, $0x3  }
0x17c: {  	[hbm:s5], [sflag:s2] =	dma.local [spmem:s8], $0x1380  }
.Ltmp7:
0x17d: {  	_ = 	snop;
	(pc) =	sbr.rel @p1 .LBB2_21-.Ltmp7, $4  }
.Ltmp8:
0x17e: {  	_ = 	snop;
	(pc) =	sbr.rel @!p1 .LBB2_20-.Ltmp8, $4  }
0x17f: {  	_ =	swait.ge [sflag:s24], $0x1380  }
0x180: {  	[sflag:s24] =	ssyncset.done $0x0  }
0x181: {  	s5 =	smov.u32 s17;
	[sflag:s24] =	ssyncadd.s32 $0xFFFFEC80  }
0x182: {  	_ = 	snop  }
.LBB2_2:
0x183: {  	s5 =	rddreg [dreg:$0x2]  }
0x184: {  	[tilespmem:s23], [sflag:$0x5] =	stream.linear.gather [hbm4b:s5+s2], $0x40, $0x38;
	[tilespmem:$0x1E2A0] =	vst v63  }
0x185: {  	_ =	swait.ge [sflag:s24], $0x40  }
0x186: {  	[sflag:s24] =	ssyncset.done $0x0  }
0x187: {  	[sflag:s24] =	ssyncadd.s32 $0xFFFFFFC0  }
0x188: {  	v4 =	vld [tilespmem:$0x11290]  }
0x189: {  	v3 =	vld [tilespmem:$0x11280]  }
0x18a: {  	v1 =	vld [tilespmem:$0x11260]  }
0x18b: {  	v2 =	vld [tilespmem:$0x11270]  }
0x18c: {  	s5 =	simm.s32 $0x100;
	s2 =	simm.s32 $0x0  }
.LBB2_3:
0x18d: {  	p3 =	sne.s32 s5, $0xCE00;
	[tilespmem:s2+$0x112D0] =	vst v4;
	s11 =	smov.u32 s5;
	s5 =	sadd.s32 $0x100, s5  }
.Ltmp9:
0x18e: {  	[tilespmem:s2+$0x112C0] =	vst v3;
	(pc) =	sbr.rel @p3 .LBB2_3-.Ltmp9, $3  }
0x18f: {  	[tilespmem:s2+$0x112A0] =	vst v1  }
0x190: {  	[tilespmem:s2+$0x112B0] =	vst v2;
	_ =	sdelay $0x1  }
0x191: {  	s2 =	sshra.s32 s11, $0x2  }
0x192: {  	[tilespmem:s2+$0x112D0] =	vst v4  }
0x193: {  	[tilespmem:s2+$0x112C0] =	vst v3  }
0x194: {  	[tilespmem:s2+$0x112A0] =	vst v1  }
0x195: {  	[tilespmem:s2+$0x112B0] =	vst v2  }
0x196: {  	[spmem:s16] =	stream.linear.scatter [tilespmem:s23], [sflag:$0x5], $0x3400, $0x38;
	[tilespmem:$0x1E2A0] =	vst v63  }
0x197: {  	_ =	swait.ge [sflag:s24], $0x3400  }
0x198: {  	[sflag:s24] =	ssyncset.done $0x0  }
0x199: {  	[sflag:s24] =	ssyncadd.s32 $0xFFFFCC00  }
0x19a: {  	[spmem:s19] =	stream.linear.scatter [tilespmem:s23], [sflag:$0x5], $0x3400, $0x38;
	[tilespmem:$0x1E2A0] =	vst v63  }
0x19b: {  	_ =	swait.ge [sflag:s24], $0x3400  }
0x19c: {  	[sflag:s24] =	ssyncset.done $0x0  }
0x19d: {  	[sflag:s24] =	ssyncadd.s32 $0xFFFFCC00  }
0x19e: {  	[spmem:s20] =	stream.linear.scatter [tilespmem:s23], [sflag:$0x5], $0x3400, $0x38;
	[tilespmem:$0x1E2A0] =	vst v63  }
0x19f: {  	_ =	swait.ge [sflag:s24], $0x3400  }
0x1a0: {  	[sflag:s24] =	ssyncset.done $0x0  }
0x1a1: {  	s2 =	simm.s32 @!p1 $0x11260;
	[sflag:s24] =	ssyncadd.s32 $0xFFFFCC00  }
0x1a2: {  	[spmem:s12] =	stream.linear.scatter @!p1 [tilespmem:s2], [sflag:$0x5], $0x400, $0x38;
	[tilespmem:$0x1E2A0] =	vst v63  }
0x1a3: {  	s2 =	simm.s32 @!p1 $0x5  }
0x1a4: {  	_ =	swait.ge @!p1 [sflag:s2], $0x400  }
0x1a5: {  	[sflag:s2] =	ssyncset.done @!p1 $0x0  }
0x1a6: {  	[sflag:s2] =	ssyncadd.s32 @!p1 $0xFFFFFC00  }
0x1a7: {  	_ =	swait.ge [sflag:s25], $0x4E20  }
0x1a8: {  	[sflag:s25] =	ssyncset.done $0x0  }
0x1a9: {  	[sflag:s25] =	ssyncadd.s32 $0xFFFFB1E0  }
0x1aa: {  	_ =	swait.ge [sflag:s26], $0x4E20  }
0x1ab: {  	[sflag:s26] =	ssyncset.done $0x0  }
0x1ac: {  	[sflag:s26] =	ssyncadd.s32 $0xFFFFB1E0  }
0x1ad: {  	_ =	swait.ge [sflag:s25], $0x4E20  }
0x1ae: {  	[sflag:s25] =	ssyncset.done $0x0  }
0x1af: {  	[sflag:s25] =	ssyncadd.s32 $0xFFFFB1E0  }
0x1b0: {  	s2 =	simm.s32 $0x0;
	[bflag:$0x0] =	sbarrier.arrive $0xFFFF  }
0x1b1: {  	[tilespmem:s29], [sflag:$0x1] =	stream.indirect.gather [hbm4b:s6+s28], $0x40, s2, s28, $0xb8;
	[tilespmem:$0x1E2A0] =	vst v63  }
0x1b2: {  	s21 =	simm.s32 $0x0  }
0x1b3: {  	[tilespmem:s30], [sflag:$0x2] =	stream.indirect.gather [hbm4b:s6+s28], $0x40, s28, s28, $0xb8;
	[tilespmem:$0x1E2A0] =	vst v63  }
.LBB2_5:
0x1b4: {  	s5 =	sadd.s32 $0xFFFFFFF8, s2;
	_ =	swait.ge [sflag:s31], $0x1400  }
0x1b5: {  	s15 =	sadd.s32 $0xB, s5;
	[sflag:s31] =	ssyncset.done $0x0  }
0x1b6: {  	v4 =	vmov s15;
	[sflag:s31] =	ssyncadd.s32 $0xFFFFEC00;
	s15 =	simm.s32 $0xEB60  }
0x1b7: {  	v9 =	vld [tilespmem:s15+$0xFFFFFF00]  }
0x1b8: {  	v10 =	vld [tilespmem:s15+$0xFFFFFF10]  }
0x1b9: {  	v11 =	vld [tilespmem:s15+$0xFFFFFF20]  }
0x1ba: {  	v13 =	vld [tilespmem:s15+$0xFFFFFF30]  }
0x1bb: {  	v14 =	vld [tilespmem:s15+$0xFFFFFF40]  }
0x1bc: {  	s11 =	sadd.s32 $0xF, s5;
	v16 =	vld [tilespmem:s15+$0xFFFFFF70]  }
0x1bd: {  	s8 =	sadd.s32 $0x9, s5;
	s13 =	sadd.s32 $0xA, s5;
	s9 =	sadd.s32 $0xC, s5;
	v17 =	vld [tilespmem:s15+$0xFFFFFF80]  }
0x1be: {  	s10 =	sadd.s32 $0xD, s5;
	s14 =	sadd.s32 $0xE, s5;
	s5 =	sadd.s32 $0x8, s5;
	v18 =	vld [tilespmem:s15+$0xFFFFFF90]  }
0x1bf: {  	v1 =	vmov s11;
	v12 =	vmov s5;
	v19 =	vld [tilespmem:s15+$0xFFFFFFA0]  }
0x1c0: {  	v1 =	vshrl.u32 v1, $0x3;
	v12 =	vshrl.u32 v12, $0x3;
	v20 =	vld [tilespmem:s15+$0xFFFFFFB0]  }
0x1c1: {  	v2 =	vmov s8;
	v21 =	vld [tilespmem:s15+$0xFFFFFFC0];
	v1 =	vshll.u32 v1, v0;
	v12 =	vshll.u32 v12, v0  }
0x1c2: {  	v2 =	vshrl.u32 v2, $0x3;
	v22 =	vld [tilespmem:s15+$0xFFFFFFD0];
	v1 =	vadd.s32 $0x7, v1;
	v12 =	vbroadcast v12, $0x0  }
0x1c3: {  	v23 =	vld [tilespmem:s15+$0xFFFFFFE0];
	v2 =	vshll.u32 v2, v0;
	v1 =	vbroadcast v1, $0x0  }
0x1c4: {  	v3 =	vmov s13;
	v24 =	vld [tilespmem:s15+$0xFFFFFFF0];
	v2 =	vadd.s32 $0x1, v2  }
0x1c5: {  	v6 =	vmov s10;
	v3 =	vshrl.u32 v3, $0x3;
	v25 =	vld [tilespmem:s15+$0x0];
	v2 =	vbroadcast v2, $0x0  }
0x1c6: {  	v6 =	vshrl.u32 v6, $0x3;
	v26 =	vld [tilespmem:s15+$0x10];
	v3 =	vshll.u32 v3, v0  }
0x1c7: {  	v5 =	vmov s9;
	v27 =	vld [tilespmem:s15+$0x20];
	v6 =	vshll.u32 v6, v0;
	v3 =	vadd.s32 $0x2, v3  }
0x1c8: {  	v8 =	vshrl.u32 v5, $0x3;
	v6 =	vadd.s32 $0x5, v6;
	v3 =	vbroadcast v3, $0x0;
	v12 =	vld.idx.msk [tilespmem:v12+s22+$0x0], $0xffff  }
0x1c9: {  	v4 =	vshrl.u32 v4, $0x3;
	v8 =	vshll.u32 v8, v0;
	v6 =	vbroadcast v6, $0x0;
	v5 =	vld.idx.msk [tilespmem:v1+s22+$0x0], $0xffff  }
0x1ca: {  	v8 =	vadd.s32 $0x4, v8;
	v1 =	vshll.u32 v4, v0;
	v4 =	vld [tilespmem:s15+$0xF0]  }
0x1cb: {  	v8 =	vbroadcast v8, $0x0;
	v15 =	vld.idx.msk [tilespmem:v2+s22+$0x0], $0xffff  }
0x1cc: {  	v28 =	vld [tilespmem:s15+$0x30];
	v1 =	vadd.s32 $0x3, v1  }
0x1cd: {  	v50 =	vld [tilespmem:s15+$0x80];
	v1 =	vbroadcast v1, $0x0  }
0x1ce: {  	v3 =	vld.idx.msk [tilespmem:v3+s22+$0x0], $0xffff  }
0x1cf: {  	v2 =	vld.idx.msk [tilespmem:v6+s22+$0x0], $0xffff;
	v4 =	vmul.f32 v4, v5  }
0x1d0: {  	v9 =	vmul.f32 v9, v12;
	v6 =	vmul.f32 v14, v15;
	v14 =	vld [tilespmem:s15+$0xFFFFFF50]  }
0x1d1: {  	v8 =	vld.idx.msk [tilespmem:v8+s22+$0x0], $0xffff;
	v10 =	vmul.f32 v10, v12;
	[tilespmem:s15+$0xF0] =	vst v4;
	v4 =	vmul.f32 v11, v12  }
0x1d2: {  	v7 =	vmov s14;
	[tilespmem:s15+$0xFFFFFF40] =	vst v6;
	v6 =	vld [tilespmem:s15+$0xFFFFFF60];
	v11 =	vmul.f32 v16, v15;
	v12 =	vmul.f32 v13, v12  }
0x1d3: {  	s5 =	sadd.s32 $0x0, s2;
	v7 =	vshrl.u32 v7, $0x3;
	[tilespmem:s15+$0xFFFFFF00] =	vst v9;
	v13 =	vmul.f32 v17, v3;
	v17 =	vmul.f32 v19, v3;
	v1 =	vld.idx.msk [tilespmem:v1+s22+$0x0], $0xffff  }
0x1d4: {  	s14 =	sadd.s32 $0xD, s5;
	v53 =	vld [tilespmem:s15+$0xA0];
	v7 =	vshll.u32 v7, v0;
	[tilespmem:s15+$0xFFFFFF70] =	vst v11  }
0x1d5: {  	s9 =	sadd.s32 $0xA, s5;
	v30 =	vld [tilespmem:s15+$0xB0];
	v29 =	vmov s14;
	v7 =	vadd.s32 $0x6, v7;
	[tilespmem:s15+$0xFFFFFFA0] =	vst v17;
	v14 =	vmul.f32 v14, v15  }
0x1d6: {  	s18 =	sadd.s32 $0xF, s5;
	v31 =	vld [tilespmem:s15+$0xC0];
	v52 =	vmov s9;
	v55 =	vshrl.u32 v29, $0x3;
	v7 =	vbroadcast v7, $0x0;
	[tilespmem:s15+$0xFFFFFF20] =	vst v4  }
0x1d7: {  	v56 =	vld [tilespmem:s15+$0xD0];
	v51 =	vmul.f32 v25, v8;
	v6 =	vmul.f32 v6, v15;
	[tilespmem:s15+$0xFFFFFF50] =	vst v14;
	v14 =	vmov s18  }
0x1d8: {  	s11 =	simm.s32 $0xED60;
	s8 =	sadd.s32 $0x9, s5;
	v32 =	vld [tilespmem:s15+$0xE0];
	v9 =	vshll.u32 v55, v0;
	[tilespmem:s15+$0xFFFFFF30] =	vst v12;
	v14 =	vshrl.u32 v14, $0x3;
	v11 =	vmul.f32 v21, v1  }
0x1d9: {  	v58 =	vld [tilespmem:s11+$0xF0];
	v17 =	vmov s8;
	s8 =	sadd.s32 $0xC, s5;
	[tilespmem:s15+$0xFFFFFF60] =	vst v6;
	v6 =	vmul.f32 v18, v3;
	v14 =	vshll.u32 v14, v0  }
0x1da: {  	v59 =	vld [tilespmem:s11+$0xFFFFFF00];
	v4 =	vadd.s32 $0x5, v9;
	v54 =	vmov s8;
	v14 =	vadd.s32 $0x7, v14;
	[tilespmem:s15+$0xFFFFFFC0] =	vst v11  }
0x1db: {  	v12 =	vbroadcast v4, $0x0;
	v15 =	vld [tilespmem:s15+$0x40];
	v11 =	vshrl.u32 v17, $0x3;
	[tilespmem:s15+$0xFFFFFF90] =	vst v6;
	v6 =	vbroadcast v14, $0x0  }
0x1dc: {  	v60 =	vld [tilespmem:s11+$0xFFFFFF20];
	[tilespmem:s15+$0xFFFFFF80] =	vst v13;
	v4 =	vmul.f32 v27, v8;
	v13 =	vmul.f32 v22, v1;
	v11 =	vshll.u32 v11, v0  }
0x1dd: {  	v61 =	vld [tilespmem:s11+$0xFFFFFF30];
	v49 =	vmul.f32 v23, v1;
	v3 =	vmul.f32 v20, v3;
	v11 =	vadd.s32 $0x1, v11  }
0x1de: {  	s10 =	sadd.s32 $0xB, s5;
	v62 =	vld [tilespmem:s11+$0xFFFFFF40];
	[tilespmem:s15+$0xFFFFFF10] =	vst v10;
	s18 =	sadd.s32 $0xE, s5;
	v1 =	vmul.f32 v24, v1;
	v23 =	vshrl.u32 v52, $0x3;
	v11 =	vbroadcast v11, $0x0  }
0x1df: {  	v7 =	vld.idx.msk [tilespmem:v7+s22+$0x0], $0xffff;
	v23 =	vshll.u32 v23, v0;
	v17 =	vmov s18;
	[tilespmem:s15+$0xFFFFFFB0] =	vst v3;
	v3 =	vmov s10  }
0x1e0: {  	v18 =	vld [tilespmem:s15+$0x60];
	[tilespmem:s15+$0xFFFFFFD0] =	vst v13;
	v13 =	vshrl.u32 v54, $0x3;
	v3 =	vshrl.u32 v3, $0x3;
	v15 =	vmul.f32 v15, v2  }
0x1e1: {  	[tilespmem:s15+$0xFFFFFFF0] =	vst v1;
	v3 =	vshll.u32 v3, v0;
	v1 =	vld.idx.msk [tilespmem:v6+s22+$0x0], $0xffff;
	v6 =	vshll.u32 v13, v0;
	v13 =	vadd.s32 $0x2, v23  }
0x1e2: {  	v16 =	vld [tilespmem:s15+$0x50];
	[tilespmem:s15+$0x0] =	vst v51;
	v3 =	vadd.s32 $0x3, v3;
	v13 =	vbroadcast v13, $0x0;
	v6 =	vadd.s32 $0x4, v6  }
0x1e3: {  	v19 =	vld [tilespmem:s15+$0x70];
	[tilespmem:s15+$0x20] =	vst v4;
	v17 =	vshrl.u32 v17, $0x3;
	v3 =	vbroadcast v3, $0x0;
	v9 =	vbroadcast v6, $0x0  }
0x1e4: {  	v10 =	vshll.u32 v17, v0;
	v6 =	vmul.f32 v26, v8;
	v8 =	vmul.f32 v28, v8;
	v11 =	vld.idx.msk [tilespmem:v11+s22+$0x0], $0xffff  }
0x1e5: {  	v14 =	vld [tilespmem:s15+$0x90];
	v10 =	vadd.s32 $0x6, v10;
	[tilespmem:s15+$0x40] =	vst v15  }
0x1e6: {  	v17 =	vld [tilespmem:s11+$0xFFFFFF10];
	v10 =	vbroadcast v10, $0x0;
	[tilespmem:s15+$0x30] =	vst v8;
	v8 =	vmul.f32 v18, v2  }
0x1e7: {  	s5 =	sadd.s32 $0x8, s5;
	v15 =	vld [tilespmem:s11+$0xFFFFFF80];
	[tilespmem:s15+$0x10] =	vst v6;
	v6 =	vmul.f32 v58, v1  }
0x1e8: {  	v16 =	vmul.f32 v16, v2;
	v57 =	vmov s5;
	[tilespmem:s15+$0x60] =	vst v8;
	v13 =	vld.idx.msk [tilespmem:v13+s22+$0x0], $0xffff  }
0x1e9: {  	v20 =	vshrl.u32 v57, $0x3;
	[tilespmem:s11+$0xF0] =	vst v6;
	v6 =	vld.idx.msk [tilespmem:v3+s22+$0x0], $0xffff;
	v8 =	vmul.f32 v62, v11  }
0x1ea: {  	[tilespmem:s15+$0x50] =	vst v16;
	v20 =	vshll.u32 v20, v0;
	v3 =	vld.idx.msk [tilespmem:v12+s22+$0x0], $0xffff;
	v12 =	vmul.f32 v14, v7  }
0x1eb: {  	v20 =	vbroadcast v20, $0x0;
	v4 =	vld.idx.msk [tilespmem:v9+s22+$0x0], $0xffff;
	v9 =	vmul.f32 v19, v2;
	[tilespmem:s11+$0xFFFFFF40] =	vst v8  }
0x1ec: {  	v2 =	vld.idx.msk [tilespmem:v10+s22+$0x0], $0xffff;
	v10 =	vmul.f32 v50, v7;
	[tilespmem:s15+$0x90] =	vst v12  }
0x1ed: {  	v12 =	vmul.f32 v31, v5;
	[tilespmem:s15+$0x70] =	vst v9;
	v9 =	vld [tilespmem:s11+$0xFFFFFF50]  }
0x1ee: {  	[tilespmem:s15+$0x80] =	vst v10;
	v10 =	vld [tilespmem:s11+$0xFFFFFF60]  }
0x1ef: {  	v8 =	vmul.f32 v53, v7;
	[tilespmem:s15+$0xC0] =	vst v12;
	v12 =	vld [tilespmem:s11+$0xFFFFFFB0]  }
0x1f0: {  	[tilespmem:s15+$0xFFFFFFE0] =	vst v49;
	v14 =	vld [tilespmem:s11+$0xFFFFFF70];
	v7 =	vmul.f32 v30, v7  }
0x1f1: {  	v16 =	vld.idx.msk [tilespmem:v20+s22+$0x0], $0xffff;
	[tilespmem:s15+$0xA0] =	vst v8;
	v8 =	vmul.f32 v56, v5  }
0x1f2: {  	v18 =	vld [tilespmem:s11+$0xFFFFFF90];
	[tilespmem:s15+$0xB0] =	vst v7;
	v7 =	vmul.f32 v9, v11  }
0x1f3: {  	[tilespmem:s15+$0xD0] =	vst v8;
	v9 =	vld [tilespmem:s11+$0xFFFFFFA0];
	v10 =	vmul.f32 v10, v11  }
0x1f4: {  	v8 =	vld [tilespmem:s11+$0xFFFFFFC0];
	v63 =	vmul.f32 v12, v13;
	[tilespmem:s11+$0xFFFFFF50] =	vst v7  }
0x1f5: {  	v19 =	vld [tilespmem:s11+$0xFFFFFFD0];
	v7 =	vmul.f32 v14, v11;
	[tilespmem:s11+$0xFFFFFF60] =	vst v10  }
0x1f6: {  	v5 =	vmul.f32 v32, v5;
	v11 =	vmul.f32 v15, v13;
	v15 =	vld [tilespmem:s11+$0xFFFFFFE0];
	[tilespmem:s11+$0xFFFFFFB0] =	vst v63  }
0x1f7: {  	v12 =	vmul.f32 v60, v16;
	v14 =	vld [tilespmem:s11+$0xFFFFFFF0];
	[tilespmem:s11+$0xFFFFFF70] =	vst v7;
	v7 =	vmul.f32 v18, v13  }
0x1f8: {  	v10 =	vmul.f32 v59, v16;
	[tilespmem:s11+$0xFFFFFF80] =	vst v11;
	v18 =	vmul.f32 v9, v13;
	v13 =	vld [tilespmem:s11+$0x0]  }
0x1f9: {  	v11 =	vmul.f32 v17, v16;
	v17 =	vmul.f32 v8, v6;
	v8 =	vld [tilespmem:s11+$0x20];
	[tilespmem:s11+$0xFFFFFF90] =	vst v7  }
0x1fa: {  	s13 =	smul.u32 $0xA0, s21;
	s5 =	simm.s32 $0x8;
	v9 =	vmul.f32 v61, v16;
	v16 =	vmul.f32 v19, v6;
	v7 =	vld [tilespmem:s11+$0x10];
	[tilespmem:s11+$0xFFFFFFA0] =	vst v18  }
.LBB2_6:
0x1fb: {  	s8 =	sadd.s32 s5, s2;
	s5 =	sadd.s32 $0x8, s5;
	[tilespmem:s11+$0xFFFFFFC0] =	vst v17;
	v15 =	vmul.f32 v15, v6;
	v17 =	vld [tilespmem:s11+$0x30]  }
0x1fc: {  	s9 =	sadd.s32 $0x9, s8;
	s10 =	sadd.s32 $0xF, s8;
	p3 =	slt.u32 s5, $0x48;
	[tilespmem:s11+$0xFFFFFFD0] =	vst v16;
	v6 =	vmul.f32 v14, v6;
	v14 =	vld [tilespmem:s11+$0x40]  }
0x1fd: {  	s14 =	sadd.s32 $0xB, s8;
	s18 =	sadd.s32 $0xC, s8;
	v16 =	vmov s9;
	s9 =	sadd.s32 $0xA, s8;
	v18 =	vmov s10;
	[tilespmem:s11+$0xFFFFFFE0] =	vst v15;
	v13 =	vmul.f32 v13, v4;
	v15 =	vld [tilespmem:s11+$0x50]  }
0x1fe: {  	s10 =	sadd.s32 $0x8, s8;
	v20 =	vmov s14;
	v19 =	vmov s9;
	s9 =	sadd.s32 $0xD, s8;
	s8 =	sadd.s32 $0xE, s8;
	v18 =	vshrl.u32 v18, $0x3;
	[tilespmem:s11+$0xFFFFFFF0] =	vst v6;
	v6 =	vld [tilespmem:s11+$0x60]  }
0x1ff: {  	v21 =	vmov s18;
	v22 =	vmov s9;
	v18 =	vshll.u32 v18, v0;
	[tilespmem:s11+$0x0] =	vst v13;
	v13 =	vld [tilespmem:s11+$0x70]  }
0x200: {  	v16 =	vshrl.u32 v16, $0x3;
	v23 =	vmov s8;
	v18 =	vadd.s32 $0x7, v18;
	v24 =	vld [tilespmem:s11+$0x80];
	[tilespmem:s15+$0xE0] =	vst v5;
	s15 =	smov.u32 s11  }
0x201: {  	v5 =	vshrl.u32 v19, $0x3;
	v19 =	vshrl.u32 v20, $0x3;
	v18 =	vbroadcast v18, $0x0;
	[tilespmem:s11+$0xFFFFFF00] =	vst v10;
	v10 =	vld [tilespmem:s11+$0x90]  }
0x202: {  	v20 =	vshrl.u32 v21, $0x3;
	v21 =	vshrl.u32 v22, $0x3;
	v22 =	vshrl.u32 v23, $0x3;
	[tilespmem:s11+$0xFFFFFF10] =	vst v11;
	v11 =	vld [tilespmem:s11+$0xA0]  }
0x203: {  	v16 =	vshll.u32 v16, v0;
	v23 =	vmov s10;
	v5 =	vshll.u32 v5, v0;
	[tilespmem:s11+$0xFFFFFF20] =	vst v12;
	v12 =	vld [tilespmem:s11+$0xB0]  }
0x204: {  	v19 =	vshll.u32 v19, v0;
	v20 =	vshll.u32 v20, v0;
	v21 =	vshll.u32 v21, v0;
	[tilespmem:s11+$0xFFFFFF30] =	vst v9;
	v9 =	vld [tilespmem:s11+$0xC0]  }
0x205: {  	v16 =	vadd.s32 $0x1, v16;
	v23 =	vshrl.u32 v23, $0x3;
	v22 =	vshll.u32 v22, v0;
	v25 =	vld [tilespmem:s11+$0xD0]  }
0x206: {  	v5 =	vadd.s32 $0x2, v5;
	v19 =	vadd.s32 $0x3, v19;
	v20 =	vadd.s32 $0x4, v20;
	v26 =	vld [tilespmem:s11+$0xE0]  }
0x207: {  	v23 =	vshll.u32 v23, v0;
	v21 =	vadd.s32 $0x5, v21;
	v22 =	vadd.s32 $0x6, v22;
	s11 =	sadd.s32 $0x200, s11;
	v18 =	vld.idx.msk [tilespmem:v18+s22+$0x0], $0xffff  }
0x208: {  	v16 =	vbroadcast v16, $0x0;
	v5 =	vbroadcast v5, $0x0;
	v27 =	vld [tilespmem:s11+$0xF0]  }
0x209: {  	v19 =	vbroadcast v19, $0x0;
	v20 =	vbroadcast v20, $0x0;
	v28 =	vld [tilespmem:s11+$0xFFFFFF00]  }
0x20a: {  	v21 =	vbroadcast v21, $0x0;
	v22 =	vbroadcast v22, $0x0;
	v29 =	vld [tilespmem:s11+$0xFFFFFF10]  }
0x20b: {  	v7 =	vmul.f32 v7, v4;
	v23 =	vbroadcast v23, $0x0;
	v30 =	vld [tilespmem:s11+$0xFFFFFF20]  }
0x20c: {  	v8 =	vmul.f32 v8, v4;
	v4 =	vmul.f32 v17, v4;
	v31 =	vld [tilespmem:s11+$0xFFFFFF30]  }
0x20d: {  	v17 =	vld [tilespmem:s11+$0xFFFFFF40];
	v27 =	vmul.f32 v27, v18;
	[tilespmem:s15+$0x10] =	vst v7;
	v7 =	vmul.f32 v14, v3  }
0x20e: {  	v14 =	vld.idx.msk [tilespmem:v16+s22+$0x0], $0xffff;
	[tilespmem:s15+$0x20] =	vst v8;
	v8 =	vmul.f32 v15, v3;
	v15 =	vmul.f32 v6, v3  }
0x20f: {  	v13 =	vmul.f32 v13, v3;
	v24 =	vmul.f32 v24, v2;
	v16 =	vld.idx.msk [tilespmem:v5+s22+$0x0], $0xffff;
	[tilespmem:s11+$0xF0] =	vst v27  }
0x210: {  	v10 =	vmul.f32 v10, v2;
	v11 =	vmul.f32 v11, v2;
	v6 =	vld.idx.msk [tilespmem:v19+s22+$0x0], $0xffff;
	[tilespmem:s15+$0x30] =	vst v4  }
0x211: {  	v9 =	vmul.f32 v9, v1;
	v4 =	vld.idx.msk [tilespmem:v20+s22+$0x0], $0xffff;
	[tilespmem:s15+$0x40] =	vst v7;
	v7 =	vmul.f32 v12, v2  }
0x212: {  	v5 =	vmul.f32 v26, v1;
	v3 =	vld.idx.msk [tilespmem:v21+s22+$0x0], $0xffff;
	[tilespmem:s15+$0x50] =	vst v8;
	v8 =	vmul.f32 v25, v1;
	v1 =	vmov v18  }
0x213: {  	v2 =	vld.idx.msk [tilespmem:v22+s22+$0x0], $0xffff;
	[tilespmem:s15+$0x60] =	vst v15  }
0x214: {  	v12 =	vmul.f32 v17, v14;
	v15 =	vld.idx.msk [tilespmem:v23+s22+$0x0], $0xffff;
	[tilespmem:s15+$0x70] =	vst v13  }
0x215: {  	v13 =	vld [tilespmem:s11+$0xFFFFFF50];
	[tilespmem:s15+$0x80] =	vst v24  }
0x216: {  	[tilespmem:s11+$0xFFFFFF40] =	vst v12;
	v12 =	vld [tilespmem:s11+$0xFFFFFF60]  }
0x217: {  	v17 =	vld [tilespmem:s11+$0xFFFFFF70];
	[tilespmem:s15+$0x90] =	vst v10  }
0x218: {  	v18 =	vld [tilespmem:s11+$0xFFFFFF80];
	[tilespmem:s15+$0xA0] =	vst v11  }
0x219: {  	v19 =	vld [tilespmem:s11+$0xFFFFFF90];
	[tilespmem:s15+$0xB0] =	vst v7  }
0x21a: {  	v10 =	vmul.f32 v28, v15;
	v7 =	vmul.f32 v13, v14;
	v13 =	vld [tilespmem:s11+$0xFFFFFFA0];
	[tilespmem:s15+$0xC0] =	vst v9  }
0x21b: {  	v11 =	vmul.f32 v29, v15;
	v20 =	vmul.f32 v12, v14;
	v21 =	vld [tilespmem:s11+$0xFFFFFFB0];
	[tilespmem:s15+$0xD0] =	vst v8  }
0x21c: {  	v12 =	vmul.f32 v30, v15;
	[tilespmem:s11+$0xFFFFFF50] =	vst v7;
	v7 =	vmul.f32 v17, v14;
	v8 =	vld [tilespmem:s11+$0xFFFFFFC0]  }
0x21d: {  	v9 =	vmul.f32 v31, v15;
	[tilespmem:s11+$0xFFFFFF60] =	vst v20;
	v14 =	vmul.f32 v18, v16;
	v18 =	vld [tilespmem:s11+$0xFFFFFFD0]  }
.Ltmp10:
0x21e: {  	[tilespmem:s11+$0xFFFFFF70] =	vst v7;
	v7 =	vmul.f32 v19, v16;
	v15 =	vld [tilespmem:s11+$0xFFFFFFE0];
	(pc) =	sbr.rel @p3 .LBB2_6-.Ltmp10, $4  }
0x21f: {  	[tilespmem:s11+$0xFFFFFF80] =	vst v14;
	v17 =	vmul.f32 v13, v16;
	v14 =	vld [tilespmem:s11+$0xFFFFFFF0]  }
0x220: {  	[tilespmem:s11+$0xFFFFFF90] =	vst v7;
	v16 =	vmul.f32 v21, v16;
	v13 =	vld [tilespmem:s11+$0x0]  }
0x221: {  	[tilespmem:s11+$0xFFFFFFA0] =	vst v17;
	v17 =	vmul.f32 v8, v6;
	v7 =	vld [tilespmem:s11+$0x10]  }
0x222: {  	[tilespmem:s11+$0xFFFFFFB0] =	vst v16;
	v16 =	vmul.f32 v18, v6;
	v8 =	vld [tilespmem:s11+$0x20]  }
0x223: {  	[tilespmem:s11+$0xFFFFFFC0] =	vst v17  }
0x224: {  	[tilespmem:s15+$0xE0] =	vst v5  }
0x225: {  	[tilespmem:s11+$0xFFFFFF00] =	vst v10  }
0x226: {  	[tilespmem:s11+$0xFFFFFF10] =	vst v11  }
0x227: {  	[tilespmem:s11+$0xFFFFFF20] =	vst v12  }
0x228: {  	v15 =	vmul.f32 v15, v6;
	v5 =	vld [tilespmem:s11+$0x40];
	[tilespmem:s11+$0xFFFFFF30] =	vst v9  }
0x229: {  	[tilespmem:s11+$0xFFFFFFD0] =	vst v16;
	v6 =	vmul.f32 v14, v6;
	v14 =	vld [tilespmem:s11+$0x30]  }
0x22a: {  	v10 =	vld [tilespmem:s11+$0x60];
	[tilespmem:s11+$0xFFFFFFE0] =	vst v15;
	v13 =	vmul.f32 v13, v4  }
0x22b: {  	[tilespmem:s11+$0xFFFFFFF0] =	vst v6;
	v6 =	vld [tilespmem:s11+$0x50];
	v7 =	vmul.f32 v7, v4  }
0x22c: {  	v9 =	vld [tilespmem:s11+$0x80];
	[tilespmem:s11+$0x0] =	vst v13;
	v8 =	vmul.f32 v8, v4  }
0x22d: {  	v11 =	vld [tilespmem:s11+$0x70];
	[tilespmem:s11+$0x10] =	vst v7;
	v5 =	vmul.f32 v5, v3  }
0x22e: {  	v7 =	vld [tilespmem:s11+$0x90];
	v4 =	vmul.f32 v14, v4;
	[tilespmem:s11+$0x20] =	vst v8  }
0x22f: {  	v10 =	vmul.f32 v10, v3;
	v8 =	vld [tilespmem:s11+$0xA0];
	[tilespmem:s11+$0x40] =	vst v5  }
0x230: {  	v6 =	vmul.f32 v6, v3;
	[tilespmem:s11+$0x30] =	vst v4;
	v4 =	vld [tilespmem:s11+$0xB0]  }
0x231: {  	v9 =	vmul.f32 v9, v2;
	v5 =	vld [tilespmem:s11+$0xC0];
	[tilespmem:s11+$0x60] =	vst v10  }
0x232: {  	v3 =	vmul.f32 v11, v3;
	[tilespmem:s11+$0x50] =	vst v6;
	v6 =	vld [tilespmem:s11+$0xD0]  }
0x233: {  	v10 =	vld [tilespmem:s11+$0xE0];
	[tilespmem:s11+$0x80] =	vst v9;
	v7 =	vmul.f32 v7, v2  }
0x234: {  	[tilespmem:s11+$0x70] =	vst v3;
	v3 =	vmul.f32 v8, v2  }
0x235: {  	[tilespmem:s11+$0x90] =	vst v7;
	v2 =	vmul.f32 v4, v2  }
0x236: {  	v4 =	vmul.f32 v5, v1;
	[tilespmem:s11+$0xA0] =	vst v3  }
0x237: {  	s9 =	smul.u32 $0x280, s21;
	v3 =	vmul.f32 v6, v1;
	[tilespmem:s11+$0xB0] =	vst v2  }
0x238: {  	s5 =	sadd.s32 $0xFFFFFFF8, s2;
	v1 =	vmul.f32 v10, v1;
	[tilespmem:s11+$0xC0] =	vst v4  }
0x239: {  	s8 =	sadd.s32 $0x5F, s5;
	s18 =	sshra.s32 s9, $0x2;
	[tilespmem:s11+$0xD0] =	vst v3  }
0x23a: {  	v2 =	vmov s8;
	s8 =	sadd.s32 $0x4E20, s18;
	[tilespmem:s11+$0xE0] =	vst v1  }
0x23b: {  	[spmem:s3] =	stream.indirect.scatter.add.f32 [tilespmem:s29], [sflag:$0x3], $0x40, s8, s28, $0xb8;
	[tilespmem:$0x1E2A0] =	vst v63  }
0x23c: {  	_ =	swait.ge [sflag:s25], $0x1400  }
0x23d: {  	s15 =	sadd.s32 $0x5D, s5;
	[sflag:s25] =	ssyncset.done $0x0  }
0x23e: {  	v6 =	vmov s15;
	s15 =	simm.s32 $0xFF60;
	[sflag:s25] =	ssyncadd.s32 $0xFFFFEC00  }
0x23f: {  	v9 =	vld [tilespmem:s15+$0xFFFFFF00]  }
0x240: {  	v10 =	vld [tilespmem:s15+$0xFFFFFF10]  }
0x241: {  	v11 =	vld [tilespmem:s15+$0xFFFFFF20]  }
0x242: {  	v13 =	vld [tilespmem:s15+$0xFFFFFF30]  }
0x243: {  	v14 =	vld [tilespmem:s15+$0xFFFFFF40]  }
0x244: {  	v16 =	vld [tilespmem:s15+$0xFFFFFF70]  }
0x245: {  	v17 =	vld [tilespmem:s15+$0xFFFFFF80]  }
0x246: {  	s14 =	sadd.s32 $0x5C, s5;
	v18 =	vld [tilespmem:s15+$0xFFFFFF90]  }
0x247: {  	s10 =	sadd.s32 $0x5B, s5;
	s9 =	sadd.s32 $0x59, s5;
	v5 =	vmov s14;
	v2 =	vshrl.u32 v2, $0x3;
	v19 =	vld [tilespmem:s15+$0xFFFFFFA0]  }
0x248: {  	v8 =	vshrl.u32 v5, $0x3;
	s18 =	sadd.s32 $0x5E, s5;
	v2 =	vshll.u32 v2, v0;
	s11 =	sadd.s32 $0x5A, s5;
	s5 =	sadd.s32 $0x58, s5;
	v20 =	vld [tilespmem:s15+$0xFFFFFFB0]  }
0x249: {  	v1 =	vadd.s32 $0x7, v2;
	v2 =	vmov s9;
	v12 =	vmov s5;
	v21 =	vld [tilespmem:s15+$0xFFFFFFC0]  }
0x24a: {  	v1 =	vbroadcast v1, $0x0;
	v2 =	vshrl.u32 v2, $0x3;
	v12 =	vshrl.u32 v12, $0x3;
	v22 =	vld [tilespmem:s15+$0xFFFFFFD0]  }
0x24b: {  	v3 =	vmov s11;
	v2 =	vshll.u32 v2, v0;
	v12 =	vshll.u32 v12, v0;
	v23 =	vld [tilespmem:s15+$0xFFFFFFE0]  }
0x24c: {  	v3 =	vshrl.u32 v3, $0x3;
	v2 =	vadd.s32 $0x1, v2;
	v12 =	vbroadcast v12, $0x0;
	v24 =	vld [tilespmem:s15+$0xFFFFFFF0]  }
0x24d: {  	v4 =	vmov s10;
	v3 =	vshll.u32 v3, v0;
	v2 =	vbroadcast v2, $0x0;
	v25 =	vld [tilespmem:s15+$0x0]  }
0x24e: {  	v8 =	vshll.u32 v8, v0;
	v6 =	vshrl.u32 v6, $0x3;
	v3 =	vadd.s32 $0x2, v3;
	v26 =	vld [tilespmem:s15+$0x10]  }
0x24f: {  	v8 =	vadd.s32 $0x4, v8;
	v6 =	vshll.u32 v6, v0;
	v3 =	vbroadcast v3, $0x0;
	v27 =	vld [tilespmem:s15+$0x20]  }
0x250: {  	v4 =	vshrl.u32 v4, $0x3;
	v8 =	vbroadcast v8, $0x0;
	v6 =	vadd.s32 $0x5, v6;
	v5 =	vld.idx.msk [tilespmem:v1+s22+$0x0], $0xffff  }
0x251: {  	v6 =	vbroadcast v6, $0x0;
	v1 =	vshll.u32 v4, v0;
	v4 =	vld [tilespmem:s15+$0xF0]  }
0x252: {  	v7 =	vmov s18;
	v1 =	vadd.s32 $0x3, v1;
	v12 =	vld.idx.msk [tilespmem:v12+s22+$0x0], $0xffff  }
0x253: {  	v7 =	vshrl.u32 v7, $0x3;
	v1 =	vbroadcast v1, $0x0;
	v15 =	vld.idx.msk [tilespmem:v2+s22+$0x0], $0xffff  }
0x254: {  	v7 =	vshll.u32 v7, v0;
	v28 =	vld [tilespmem:s15+$0x30]  }
0x255: {  	v7 =	vadd.s32 $0x6, v7;
	v3 =	vld.idx.msk [tilespmem:v3+s22+$0x0], $0xffff  }
0x256: {  	v7 =	vbroadcast v7, $0x0;
	v8 =	vld.idx.msk [tilespmem:v8+s22+$0x0], $0xffff  }
0x257: {  	v2 =	vld.idx.msk [tilespmem:v6+s22+$0x0], $0xffff;
	v4 =	vmul.f32 v4, v5;
	v9 =	vmul.f32 v9, v12  }
0x258: {  	v10 =	vmul.f32 v10, v12;
	v6 =	vmul.f32 v14, v15;
	v14 =	vld [tilespmem:s15+$0xFFFFFF50]  }
0x259: {  	[tilespmem:s15+$0xF0] =	vst v4;
	v4 =	vmul.f32 v11, v12;
	v12 =	vmul.f32 v13, v12;
	v1 =	vld.idx.msk [tilespmem:v1+s22+$0x0], $0xffff  }
0x25a: {  	s5 =	sadd.s32 $0x0, s2;
	v13 =	vmul.f32 v17, v3;
	v17 =	vmul.f32 v19, v3;
	[tilespmem:s15+$0xFFFFFF40] =	vst v6;
	v6 =	vld [tilespmem:s15+$0xFFFFFF60]  }
0x25b: {  	s14 =	sadd.s32 $0x59, s5;
	v50 =	vld [tilespmem:s15+$0x80];
	[tilespmem:s15+$0xFFFFFF00] =	vst v9  }
0x25c: {  	v53 =	vld [tilespmem:s15+$0xA0];
	v11 =	vmul.f32 v16, v15;
	[tilespmem:s15+$0xFFFFFFA0] =	vst v17;
	v17 =	vmov s14;
	s14 =	sadd.s32 $0x5D, s5  }
0x25d: {  	s18 =	sadd.s32 $0x5A, s5;
	v30 =	vld [tilespmem:s15+$0xB0];
	[tilespmem:s15+$0xFFFFFF20] =	vst v4;
	v29 =	vmov s14;
	v14 =	vmul.f32 v14, v15  }
0x25e: {  	s11 =	sadd.s32 $0x5F, s5;
	v52 =	vmov s18;
	v31 =	vld [tilespmem:s15+$0xC0];
	v51 =	vmul.f32 v25, v8;
	[tilespmem:s15+$0xFFFFFF70] =	vst v11;
	v55 =	vshrl.u32 v29, $0x3  }
0x25f: {  	v56 =	vld [tilespmem:s15+$0xD0];
	v11 =	vmul.f32 v21, v1;
	v6 =	vmul.f32 v6, v15;
	[tilespmem:s15+$0xFFFFFF50] =	vst v14;
	v14 =	vmov s11  }
0x260: {  	v7 =	vld.idx.msk [tilespmem:v7+s22+$0x0], $0xffff;
	[tilespmem:s15+$0xFFFFFF80] =	vst v13;
	v13 =	vmul.f32 v22, v1;
	v49 =	vmul.f32 v23, v1;
	v14 =	vshrl.u32 v14, $0x3  }
0x261: {  	v32 =	vld [tilespmem:s15+$0xE0];
	v1 =	vmul.f32 v24, v1;
	[tilespmem:s15+$0xFFFFFF60] =	vst v6;
	v6 =	vmul.f32 v18, v3;
	v14 =	vshll.u32 v14, v0  }
0x262: {  	v16 =	vld [tilespmem:s15+$0x50];
	v23 =	vshrl.u32 v52, $0x3;
	v9 =	vshll.u32 v55, v0;
	[tilespmem:s15+$0xFFFFFFC0] =	vst v11;
	v14 =	vadd.s32 $0x7, v14  }
0x263: {  	v4 =	vadd.s32 $0x5, v9;
	v15 =	vld [tilespmem:s15+$0x40];
	v11 =	vshrl.u32 v17, $0x3;
	[tilespmem:s15+$0xFFFFFF90] =	vst v6;
	v6 =	vbroadcast v14, $0x0  }
0x264: {  	v19 =	vld [tilespmem:s15+$0x70];
	[tilespmem:s15+$0xFFFFFF30] =	vst v12;
	v23 =	vshll.u32 v23, v0;
	s11 =	sadd.s32 $0x5C, s5;
	v12 =	vbroadcast v4, $0x0;
	v11 =	vshll.u32 v11, v0  }
0x265: {  	s18 =	sadd.s32 $0x5E, s5;
	v54 =	vmov s11;
	s11 =	simm.s32 $0x10160;
	v18 =	vld [tilespmem:s15+$0x60];
	v3 =	vmul.f32 v20, v3;
	v11 =	vadd.s32 $0x1, v11  }
0x266: {  	s10 =	sadd.s32 $0x5B, s5;
	v17 =	vmov s18;
	[tilespmem:s15+$0xFFFFFFD0] =	vst v13;
	v4 =	vmul.f32 v27, v8;
	v58 =	vld [tilespmem:s11+$0xF0];
	v11 =	vbroadcast v11, $0x0  }
0x267: {  	v17 =	vshrl.u32 v17, $0x3;
	v13 =	vshrl.u32 v54, $0x3;
	v59 =	vld [tilespmem:s11+$0xFFFFFF00];
	[tilespmem:s15+$0xFFFFFFB0] =	vst v3;
	v3 =	vmov s10  }
0x268: {  	[tilespmem:s15+$0xFFFFFF10] =	vst v10;
	v10 =	vshll.u32 v17, v0;
	v17 =	vld [tilespmem:s11+$0xFFFFFF10];
	v3 =	vshrl.u32 v3, $0x3;
	v15 =	vmul.f32 v15, v2  }
0x269: {  	[tilespmem:s15+$0xFFFFFFF0] =	vst v1;
	v3 =	vshll.u32 v3, v0;
	v1 =	vld.idx.msk [tilespmem:v6+s22+$0x0], $0xffff;
	v6 =	vshll.u32 v13, v0;
	v13 =	vadd.s32 $0x2, v23  }
0x26a: {  	v60 =	vld [tilespmem:s11+$0xFFFFFF20];
	v3 =	vadd.s32 $0x3, v3;
	v13 =	vbroadcast v13, $0x0;
	v6 =	vadd.s32 $0x4, v6  }
0x26b: {  	[tilespmem:s15+$0x0] =	vst v51;
	v62 =	vld [tilespmem:s11+$0xFFFFFF40];
	v3 =	vbroadcast v3, $0x0;
	v9 =	vbroadcast v6, $0x0  }
0x26c: {  	[tilespmem:s15+$0xFFFFFFE0] =	vst v49;
	v11 =	vld.idx.msk [tilespmem:v11+s22+$0x0], $0xffff;
	v6 =	vmul.f32 v26, v8;
	v8 =	vmul.f32 v28, v8  }
0x26d: {  	v10 =	vadd.s32 $0x6, v10;
	v14 =	vld [tilespmem:s15+$0x90];
	[tilespmem:s15+$0x40] =	vst v15  }
0x26e: {  	v61 =	vld [tilespmem:s11+$0xFFFFFF30];
	v10 =	vbroadcast v10, $0x0;
	[tilespmem:s15+$0x30] =	vst v8;
	v8 =	vmul.f32 v18, v2  }
0x26f: {  	s5 =	sadd.s32 $0x58, s5;
	v15 =	vld [tilespmem:s11+$0xFFFFFF80];
	[tilespmem:s15+$0x10] =	vst v6;
	v6 =	vmul.f32 v58, v1  }
0x270: {  	v57 =	vmov s5;
	[tilespmem:s15+$0x60] =	vst v8;
	v13 =	vld.idx.msk [tilespmem:v13+s22+$0x0], $0xffff  }
0x271: {  	v20 =	vshrl.u32 v57, $0x3;
	v8 =	vmul.f32 v62, v11;
	[tilespmem:s11+$0xF0] =	vst v6;
	v6 =	vld.idx.msk [tilespmem:v3+s22+$0x0], $0xffff  }
0x272: {  	[tilespmem:s15+$0x20] =	vst v4;
	v20 =	vshll.u32 v20, v0;
	v3 =	vld.idx.msk [tilespmem:v12+s22+$0x0], $0xffff;
	v12 =	vmul.f32 v14, v7  }
0x273: {  	v20 =	vbroadcast v20, $0x0;
	v4 =	vld.idx.msk [tilespmem:v9+s22+$0x0], $0xffff;
	v9 =	vmul.f32 v19, v2;
	[tilespmem:s11+$0xFFFFFF40] =	vst v8  }
0x274: {  	v16 =	vmul.f32 v16, v2;
	v2 =	vld.idx.msk [tilespmem:v10+s22+$0x0], $0xffff;
	v10 =	vmul.f32 v50, v7;
	[tilespmem:s15+$0x90] =	vst v12  }
0x275: {  	v12 =	vmul.f32 v31, v5;
	[tilespmem:s15+$0x70] =	vst v9;
	v9 =	vld [tilespmem:s11+$0xFFFFFF50]  }
0x276: {  	[tilespmem:s15+$0x80] =	vst v10;
	v10 =	vld [tilespmem:s11+$0xFFFFFF60]  }
0x277: {  	v8 =	vmul.f32 v53, v7;
	[tilespmem:s15+$0xC0] =	vst v12;
	v12 =	vld [tilespmem:s11+$0xFFFFFFB0]  }
0x278: {  	[tilespmem:s15+$0x50] =	vst v16;
	v14 =	vld [tilespmem:s11+$0xFFFFFF70];
	v7 =	vmul.f32 v30, v7  }
0x279: {  	v16 =	vld.idx.msk [tilespmem:v20+s22+$0x0], $0xffff;
	[tilespmem:s15+$0xA0] =	vst v8;
	v8 =	vmul.f32 v56, v5  }
0x27a: {  	v18 =	vld [tilespmem:s11+$0xFFFFFF90];
	[tilespmem:s15+$0xB0] =	vst v7;
	v7 =	vmul.f32 v9, v11  }
0x27b: {  	[tilespmem:s15+$0xD0] =	vst v8;
	v9 =	vld [tilespmem:s11+$0xFFFFFFA0];
	v10 =	vmul.f32 v10, v11  }
0x27c: {  	v8 =	vld [tilespmem:s11+$0xFFFFFFC0];
	v63 =	vmul.f32 v12, v13;
	[tilespmem:s11+$0xFFFFFF50] =	vst v7  }
0x27d: {  	v19 =	vld [tilespmem:s11+$0xFFFFFFD0];
	v7 =	vmul.f32 v14, v11;
	[tilespmem:s11+$0xFFFFFF60] =	vst v10  }
0x27e: {  	v5 =	vmul.f32 v32, v5;
	v11 =	vmul.f32 v15, v13;
	v15 =	vld [tilespmem:s11+$0xFFFFFFE0];
	[tilespmem:s11+$0xFFFFFFB0] =	vst v63  }
0x27f: {  	v12 =	vmul.f32 v60, v16;
	v14 =	vld [tilespmem:s11+$0xFFFFFFF0];
	[tilespmem:s11+$0xFFFFFF70] =	vst v7;
	v7 =	vmul.f32 v18, v13  }
0x280: {  	v10 =	vmul.f32 v59, v16;
	[tilespmem:s11+$0xFFFFFF80] =	vst v11;
	v18 =	vmul.f32 v9, v13;
	v13 =	vld [tilespmem:s11+$0x0]  }
0x281: {  	v11 =	vmul.f32 v17, v16;
	v17 =	vmul.f32 v8, v6;
	v8 =	vld [tilespmem:s11+$0x20];
	[tilespmem:s11+$0xFFFFFF90] =	vst v7  }
0x282: {  	s13 =	sadd.s32 $0x50, s13;
	s5 =	simm.s32 $0x8;
	v9 =	vmul.f32 v61, v16;
	v16 =	vmul.f32 v19, v6;
	v7 =	vld [tilespmem:s11+$0x10];
	[tilespmem:s11+$0xFFFFFFA0] =	vst v18  }
.LBB2_8:
0x283: {  	s8 =	sadd.s32 s5, s2;
	s5 =	sadd.s32 $0x8, s5;
	[tilespmem:s11+$0xFFFFFFC0] =	vst v17;
	v15 =	vmul.f32 v15, v6;
	v17 =	vld [tilespmem:s11+$0x30]  }
0x284: {  	s9 =	sadd.s32 $0x59, s8;
	s10 =	sadd.s32 $0x5F, s8;
	p3 =	slt.u32 s5, $0x48;
	[tilespmem:s11+$0xFFFFFFD0] =	vst v16;
	v6 =	vmul.f32 v14, v6;
	v14 =	vld [tilespmem:s11+$0x40]  }
0x285: {  	s14 =	sadd.s32 $0x5B, s8;
	s18 =	sadd.s32 $0x5C, s8;
	v16 =	vmov s9;
	s9 =	sadd.s32 $0x5A, s8;
	v18 =	vmov s10;
	[tilespmem:s11+$0xFFFFFFE0] =	vst v15;
	v13 =	vmul.f32 v13, v4;
	v15 =	vld [tilespmem:s11+$0x50]  }
0x286: {  	s10 =	sadd.s32 $0x58, s8;
	v20 =	vmov s14;
	v19 =	vmov s9;
	s9 =	sadd.s32 $0x5D, s8;
	s8 =	sadd.s32 $0x5E, s8;
	v18 =	vshrl.u32 v18, $0x3;
	[tilespmem:s11+$0xFFFFFFF0] =	vst v6;
	v6 =	vld [tilespmem:s11+$0x60]  }
0x287: {  	v21 =	vmov s18;
	v22 =	vmov s9;
	v18 =	vshll.u32 v18, v0;
	[tilespmem:s11+$0x0] =	vst v13;
	v13 =	vld [tilespmem:s11+$0x70]  }
0x288: {  	v16 =	vshrl.u32 v16, $0x3;
	v23 =	vmov s8;
	v18 =	vadd.s32 $0x7, v18;
	v24 =	vld [tilespmem:s11+$0x80];
	[tilespmem:s15+$0xE0] =	vst v5;
	s15 =	smov.u32 s11  }
0x289: {  	v5 =	vshrl.u32 v19, $0x3;
	v19 =	vshrl.u32 v20, $0x3;
	v18 =	vbroadcast v18, $0x0;
	[tilespmem:s11+$0xFFFFFF00] =	vst v10;
	v10 =	vld [tilespmem:s11+$0x90]  }
0x28a: {  	v20 =	vshrl.u32 v21, $0x3;
	v21 =	vshrl.u32 v22, $0x3;
	v22 =	vshrl.u32 v23, $0x3;
	[tilespmem:s11+$0xFFFFFF10] =	vst v11;
	v11 =	vld [tilespmem:s11+$0xA0]  }
0x28b: {  	v16 =	vshll.u32 v16, v0;
	v23 =	vmov s10;
	v5 =	vshll.u32 v5, v0;
	[tilespmem:s11+$0xFFFFFF20] =	vst v12;
	v12 =	vld [tilespmem:s11+$0xB0]  }
0x28c: {  	v19 =	vshll.u32 v19, v0;
	v20 =	vshll.u32 v20, v0;
	v21 =	vshll.u32 v21, v0;
	[tilespmem:s11+$0xFFFFFF30] =	vst v9;
	v9 =	vld [tilespmem:s11+$0xC0]  }
0x28d: {  	v16 =	vadd.s32 $0x1, v16;
	v23 =	vshrl.u32 v23, $0x3;
	v22 =	vshll.u32 v22, v0;
	v25 =	vld [tilespmem:s11+$0xD0]  }
0x28e: {  	v5 =	vadd.s32 $0x2, v5;
	v19 =	vadd.s32 $0x3, v19;
	v20 =	vadd.s32 $0x4, v20;
	v26 =	vld [tilespmem:s11+$0xE0]  }
0x28f: {  	v23 =	vshll.u32 v23, v0;
	v21 =	vadd.s32 $0x5, v21;
	v22 =	vadd.s32 $0x6, v22;
	s11 =	sadd.s32 $0x200, s11;
	v18 =	vld.idx.msk [tilespmem:v18+s22+$0x0], $0xffff  }
0x290: {  	v16 =	vbroadcast v16, $0x0;
	v5 =	vbroadcast v5, $0x0;
	v27 =	vld [tilespmem:s11+$0xF0]  }
0x291: {  	v19 =	vbroadcast v19, $0x0;
	v20 =	vbroadcast v20, $0x0;
	v28 =	vld [tilespmem:s11+$0xFFFFFF00]  }
0x292: {  	v21 =	vbroadcast v21, $0x0;
	v22 =	vbroadcast v22, $0x0;
	v29 =	vld [tilespmem:s11+$0xFFFFFF10]  }
0x293: {  	v7 =	vmul.f32 v7, v4;
	v23 =	vbroadcast v23, $0x0;
	v30 =	vld [tilespmem:s11+$0xFFFFFF20]  }
0x294: {  	v8 =	vmul.f32 v8, v4;
	v4 =	vmul.f32 v17, v4;
	v31 =	vld [tilespmem:s11+$0xFFFFFF30]  }
0x295: {  	v17 =	vld [tilespmem:s11+$0xFFFFFF40];
	v27 =	vmul.f32 v27, v18;
	[tilespmem:s15+$0x10] =	vst v7;
	v7 =	vmul.f32 v14, v3  }
0x296: {  	v14 =	vld.idx.msk [tilespmem:v16+s22+$0x0], $0xffff;
	[tilespmem:s15+$0x20] =	vst v8;
	v8 =	vmul.f32 v15, v3;
	v15 =	vmul.f32 v6, v3  }
0x297: {  	v13 =	vmul.f32 v13, v3;
	v24 =	vmul.f32 v24, v2;
	v16 =	vld.idx.msk [tilespmem:v5+s22+$0x0], $0xffff;
	[tilespmem:s11+$0xF0] =	vst v27  }
0x298: {  	v10 =	vmul.f32 v10, v2;
	v11 =	vmul.f32 v11, v2;
	v6 =	vld.idx.msk [tilespmem:v19+s22+$0x0], $0xffff;
	[tilespmem:s15+$0x30] =	vst v4  }
0x299: {  	v9 =	vmul.f32 v9, v1;
	v4 =	vld.idx.msk [tilespmem:v20+s22+$0x0], $0xffff;
	[tilespmem:s15+$0x40] =	vst v7;
	v7 =	vmul.f32 v12, v2  }
0x29a: {  	v5 =	vmul.f32 v26, v1;
	v3 =	vld.idx.msk [tilespmem:v21+s22+$0x0], $0xffff;
	[tilespmem:s15+$0x50] =	vst v8;
	v8 =	vmul.f32 v25, v1;
	v1 =	vmov v18  }
0x29b: {  	v2 =	vld.idx.msk [tilespmem:v22+s22+$0x0], $0xffff;
	[tilespmem:s15+$0x60] =	vst v15  }
0x29c: {  	v12 =	vmul.f32 v17, v14;
	v15 =	vld.idx.msk [tilespmem:v23+s22+$0x0], $0xffff;
	[tilespmem:s15+$0x70] =	vst v13  }
0x29d: {  	v13 =	vld [tilespmem:s11+$0xFFFFFF50];
	[tilespmem:s15+$0x80] =	vst v24  }
0x29e: {  	[tilespmem:s11+$0xFFFFFF40] =	vst v12;
	v12 =	vld [tilespmem:s11+$0xFFFFFF60]  }
0x29f: {  	v17 =	vld [tilespmem:s11+$0xFFFFFF70];
	[tilespmem:s15+$0x90] =	vst v10  }
0x2a0: {  	v18 =	vld [tilespmem:s11+$0xFFFFFF80];
	[tilespmem:s15+$0xA0] =	vst v11  }
0x2a1: {  	v19 =	vld [tilespmem:s11+$0xFFFFFF90];
	[tilespmem:s15+$0xB0] =	vst v7  }
0x2a2: {  	v10 =	vmul.f32 v28, v15;
	v7 =	vmul.f32 v13, v14;
	v13 =	vld [tilespmem:s11+$0xFFFFFFA0];
	[tilespmem:s15+$0xC0] =	vst v9  }
0x2a3: {  	v11 =	vmul.f32 v29, v15;
	v20 =	vmul.f32 v12, v14;
	v21 =	vld [tilespmem:s11+$0xFFFFFFB0];
	[tilespmem:s15+$0xD0] =	vst v8  }
0x2a4: {  	v12 =	vmul.f32 v30, v15;
	[tilespmem:s11+$0xFFFFFF50] =	vst v7;
	v7 =	vmul.f32 v17, v14;
	v8 =	vld [tilespmem:s11+$0xFFFFFFC0]  }
0x2a5: {  	v9 =	vmul.f32 v31, v15;
	[tilespmem:s11+$0xFFFFFF60] =	vst v20;
	v14 =	vmul.f32 v18, v16;
	v18 =	vld [tilespmem:s11+$0xFFFFFFD0]  }
.Ltmp11:
0x2a6: {  	[tilespmem:s11+$0xFFFFFF70] =	vst v7;
	v7 =	vmul.f32 v19, v16;
	v15 =	vld [tilespmem:s11+$0xFFFFFFE0];
	(pc) =	sbr.rel @p3 .LBB2_8-.Ltmp11, $4  }
0x2a7: {  	[tilespmem:s11+$0xFFFFFF80] =	vst v14;
	v17 =	vmul.f32 v13, v16;
	v14 =	vld [tilespmem:s11+$0xFFFFFFF0]  }
0x2a8: {  	[tilespmem:s11+$0xFFFFFF90] =	vst v7;
	v16 =	vmul.f32 v21, v16;
	v13 =	vld [tilespmem:s11+$0x0]  }
0x2a9: {  	[tilespmem:s11+$0xFFFFFFA0] =	vst v17;
	v17 =	vmul.f32 v8, v6;
	v7 =	vld [tilespmem:s11+$0x10]  }
0x2aa: {  	[tilespmem:s11+$0xFFFFFFB0] =	vst v16;
	v16 =	vmul.f32 v18, v6;
	v8 =	vld [tilespmem:s11+$0x20]  }
0x2ab: {  	[tilespmem:s11+$0xFFFFFFC0] =	vst v17  }
0x2ac: {  	[tilespmem:s15+$0xE0] =	vst v5  }
0x2ad: {  	[tilespmem:s11+$0xFFFFFF00] =	vst v10  }
0x2ae: {  	[tilespmem:s11+$0xFFFFFF10] =	vst v11  }
0x2af: {  	[tilespmem:s11+$0xFFFFFF20] =	vst v12  }
0x2b0: {  	v15 =	vmul.f32 v15, v6;
	v50 =	vld [tilespmem:s11+$0x30];
	[tilespmem:s11+$0xFFFFFF30] =	vst v9  }
0x2b1: {  	v51 =	vld [tilespmem:s11+$0x40];
	[tilespmem:s11+$0xFFFFFFD0] =	vst v16;
	v49 =	vmul.f32 v14, v6  }
0x2b2: {  	v52 =	vld [tilespmem:s11+$0x50];
	[tilespmem:s11+$0xFFFFFFE0] =	vst v15;
	v13 =	vmul.f32 v13, v4  }
0x2b3: {  	v53 =	vld [tilespmem:s11+$0x60];
	[tilespmem:s11+$0xFFFFFFF0] =	vst v49;
	v7 =	vmul.f32 v7, v4  }
0x2b4: {  	v54 =	vld [tilespmem:s11+$0x70];
	[tilespmem:s11+$0x0] =	vst v13;
	v8 =	vmul.f32 v8, v4  }
0x2b5: {  	v55 =	vld [tilespmem:s11+$0x80];
	v56 =	vmul.f32 v50, v4;
	[tilespmem:s11+$0x10] =	vst v7  }
0x2b6: {  	v57 =	vld [tilespmem:s11+$0x90];
	v5 =	vmul.f32 v51, v3;
	[tilespmem:s11+$0x20] =	vst v8  }
0x2b7: {  	v60 =	vld [tilespmem:s11+$0xC0];
	v6 =	vmul.f32 v52, v3;
	[tilespmem:s11+$0x30] =	vst v56  }
0x2b8: {  	v58 =	vld [tilespmem:s11+$0xA0];
	v10 =	vmul.f32 v53, v3;
	[tilespmem:s11+$0x40] =	vst v5  }
0x2b9: {  	v59 =	vld [tilespmem:s11+$0xB0];
	v3 =	vmul.f32 v54, v3;
	[tilespmem:s11+$0x50] =	vst v6  }
0x2ba: {  	v61 =	vld [tilespmem:s11+$0xD0];
	v9 =	vmul.f32 v55, v2;
	[tilespmem:s11+$0x60] =	vst v10  }
0x2bb: {  	v62 =	vld [tilespmem:s11+$0xE0];
	v7 =	vmul.f32 v57, v2;
	[tilespmem:s11+$0x70] =	vst v3  }
0x2bc: {  	v63 =	vmul.f32 v60, v1;
	[tilespmem:s11+$0x80] =	vst v9  }
0x2bd: {  	v3 =	vmul.f32 v58, v2;
	[tilespmem:s11+$0x90] =	vst v7  }
0x2be: {  	v2 =	vmul.f32 v59, v2;
	[tilespmem:s11+$0xC0] =	vst v63  }
0x2bf: {  	[tilespmem:s11+$0xA0] =	vst v3;
	v3 =	vmul.f32 v61, v1  }
0x2c0: {  	[tilespmem:s11+$0xB0] =	vst v2;
	v1 =	vmul.f32 v62, v1  }
0x2c1: {  	s5 =	sshll.u32 s21, $0x1;
	[tilespmem:s11+$0xD0] =	vst v3  }
0x2c2: {  	s8 =	sadd.s32 $0x4E20, s13;
	s18 =	smin.u32 s5, $0xF7;
	[tilespmem:s11+$0xE0] =	vst v1  }
0x2c3: {  	[spmem:s3] =	stream.indirect.scatter.add.f32 [tilespmem:s30], [sflag:$0x4], $0x40, s8, s28, $0xb8;
	[tilespmem:$0x1E2A0] =	vst v63  }
0x2c4: {  	s8 =	smul.u32 $0x140, s18  }
0x2c5: {  	s21 =	sadd.s32 $0x1, s21;
	s5 =	smin.u32 s5, $0xF6;
	_ =	swait.ge [sflag:s26], $0x1400  }
0x2c6: {  	p3 =	sne.s32 s21, $0x7D;
	[sflag:s26] =	ssyncset.done $0x0;
	s8 =	sshrl.u32 s8, $0x2  }
0x2c7: {  	s5 =	smul.u32 $0x140, s5;
	[sflag:s26] =	ssyncadd.s32 $0xFFFFEC00;
	s8 =	sadd.s32 $0xA0, s8  }
0x2c8: {  	[tilespmem:s29], [sflag:$0x1] =	stream.indirect.gather [hbm4b:s6+s28], $0x40, s8, s28, $0xb8;
	[tilespmem:$0x1E2A0] =	vst v63  }
.Ltmp12:
0x2c9: {  	_ = 	snop;
	(pc) =	sbr.rel @p3 .LBB2_5-.Ltmp12, $4  }
0x2ca: {  	_ =	swait.ge [sflag:s0], $0x1400  }
0x2cb: {  	s5 =	sshrl.u32 s5, $0x2;
	[sflag:s0] =	ssyncset.done $0x0  }
0x2cc: {  	s2 =	sadd.s32 $0xA0, s2;
	s5 =	sadd.s32 $0xF0, s5;
	[sflag:s0] =	ssyncadd.s32 $0xFFFFEC00  }
0x2cd: {  	[tilespmem:s30], [sflag:$0x2] =	stream.indirect.gather [hbm4b:s6+s28], $0x40, s5, s28, $0xb8;
	[tilespmem:$0x1E2A0] =	vst v63  }
0x2ce: {  	_ =	swait.ge [sflag:s31], $0x1400  }
0x2cf: {  	[sflag:s31] =	ssyncset.done $0x0  }
0x2d0: {  	[sflag:s31] =	ssyncadd.s32 $0xFFFFEC00  }
0x2d1: {  	_ =	swait.ge [sflag:s25], $0x1400  }
0x2d2: {  	[sflag:s25] =	ssyncset.done $0x0  }
0x2d3: {  	[sflag:s25] =	ssyncadd.s32 $0xFFFFEC00  }
0x2d4: {  	s2 =	stileid.u32;
	[bflag:$0x0] =	sbarrier.arrive $0xFFFF  }
0x2d5: {  	s2 =	sshll.u32 s2, $0x6;
	s5 =	rddreg [dreg:$0xb]  }
0x2d6: {  	s2 =	sor.u32 $0x1C05, s2;
	s8 =	rddreg [dreg:$0xa];
	s5 =	sshrl.u32 s5, $0x3  }
0x2d7: {  	[hbm:s8], [sflag:s2] =	dma.local [spmem:s5], $0x1380  }
.Ltmp13:
0x2d8: {  	_ = 	snop;
	(pc) =	sbr.rel @!p2 .LBB2_21-.Ltmp13, $4  }
.Ltmp14:
0x2d9: {  	_ =	swait.ge [sflag:s24], $0x1380;
	(pc) =	sbr.rel @p2 .LBB2_20-.Ltmp14, $4  }
0x2da: {  	[sflag:s24] =	ssyncset.done $0x0  }
0x2db: {  	[sflag:s24] =	ssyncadd.s32 $0xFFFFEC80  }
0x2dc: {  	s5 =	rddreg [dreg:$0x3]  }
0x2dd: {  	_ = 	snop  }
.LBB2_22:
0x2de: {  	_ =	sfence.sel $0x180000  }
0x2df: {  	[bflag:$0x0] =	sbarrier.arrive $0xFFFF  }
0x2e0: {  	_ =	strace $0x90000047  }
0x2e1: {  	[bflag:$0x2] =	sbarrier.arrive $0xFFFF  }
0x2e2: {  	s0 =	rddreg [dreg:$0x5]  }
0x2e3: {  	s0 =	sadd.s32 @!p1 $0x100000, s0  }
0x2e4: {  	[sflag:s0] =	ssyncadd.tile.s32 @!p1 $0x1;
	_ =	shalt  }
.Lfunc_end2:
_tile_overlayer_lowered:
.L_overlay_start_2:
0x2e5: {  	(tag) =	ssettag $0x2  }
0x2e6: {  	s0 =	rddreg [dreg:$0x0];
	s2 =	stileid.u32  }
0x2e7: {  	s1 =	rddreg [dreg:$0x1];
	p0 =	sne.s32 s2, $0x0  }
0x2e8: {  	s3 =	rddreg [dreg:$0x2];
	[bflag:$0x3] =	sbarrier.arrive $0xFFFF;
	s2 =	simm.s32 @!p0 $0x1C05  }
0x2e9: {  	[timem:s3], [sflag:s2] =	dma.local @!p0 [hbm:s0], s1  }
0x2ea: {  	s0 =	simm.s32 @!p0 $0x5  }
0x2eb: {  	_ =	swait.ge @!p0 [sflag:s0], s1  }
0x2ec: {  	s1 =	ssub.s32 @!p0 $0x0, s1;
	[sflag:s0] =	ssyncset.done @!p0 $0x0  }
0x2ed: {  	[sflag:s0] =	ssyncadd.s32 @!p0 s1  }
0x2ee: {  	[bflag:$0x3] =	sbarrier.arrive $0xFFFF  }
0x2ef: {  	_ =	shalt  }

</sc_bundles>
